<compile_context>
chip_gen: v7x
topology: tpu7x:2x2x1
jax: 0.10.2.dev20260603
libtpu: 0.0.44.dev20260713+nightly
codegen_flags: <defaults>
</compile_context>

<pallas_src>
import functools

import jax
import jax.numpy as jnp
from jax import lax
from jax.experimental import pallas as pl
from jax.experimental.pallas import tpu as pltpu
from jax.experimental.pallas import tpu_sc as plsc

_NUM_CORES = 2
_NUM_SUBCORES = 16
_NUM_WORKERS = _NUM_CORES * _NUM_SUBCORES


_NBUF = 8
_WDELAY = 3
_CHUNK_ROWS = 80


def _gather_part(features, idx_flat, emb_table, emb_lo, emb_rows,
                 with_features):
    B, D = features.shape
    span = emb_rows // _NUM_WORKERS
    bpw = B // _NUM_WORKERS
    base = B if with_features else 0
    nrows = base + emb_rows
    chunks = [_CHUNK_ROWS] * (span // _CHUNK_ROWS)
    if span % _CHUNK_ROWS:
        chunks.append(span % _CHUNK_ROWS)
    offs = [0]
    for c in chunks:
        offs.append(offs[-1] + c)
    nch = len(chunks)

    mesh = plsc.VectorSubcoreMesh(
        core_axis_name="c", subcore_axis_name="s",
        num_cores=_NUM_CORES, num_subcores=_NUM_SUBCORES)

    @functools.partial(
        pl.kernel,
        out_type=jax.ShapeDtypeStruct((nrows, D), jnp.float32),
        mesh=mesh,
        scratch_types=(
            [pltpu.VMEM((span,), jnp.int32),
             pltpu.VMEM((bpw, D), jnp.float32),
             pltpu.VMEM((_NBUF, _CHUNK_ROWS, D), jnp.float32)]
            + [pltpu.SemaphoreType.DMA] * (2 * _NBUF + 1)
        ),
    )
    def sc_kernel(idx_hbm, feat_hbm, table_hbm, x_hbm,
                  idx_v, feat_v, bufs, *sems):
        gsems = sems[:_NBUF]
        wsems = sems[_NBUF:2 * _NBUF]
        fsem = sems[2 * _NBUF]
        wid = lax.axis_index("s") * _NUM_CORES + lax.axis_index("c")
        ibase = pl.multiple_of(emb_lo + wid * span, 8)
        xbase = pl.multiple_of(base + wid * span, 8)

        pltpu.sync_copy(idx_hbm.at[pl.ds(ibase, span)], idx_v)
        fd = None
        if with_features:
            fb = pl.multiple_of(wid * bpw, 8)
            pltpu.sync_copy(feat_hbm.at[pl.ds(fb, bpw)], feat_v)
            fd = pltpu.async_copy(feat_v, x_hbm.at[pl.ds(fb, bpw)], fsem)

        gd = [None] * _NBUF
        wd = [None] * _NBUF

        def start_write(j):
            s = j % _NBUF
            gd[s].wait()
            wd[s] = pltpu.async_copy(
                bufs.at[s, pl.ds(0, chunks[j])],
                x_hbm.at[pl.ds(pl.multiple_of(xbase + offs[j], 8),
                               chunks[j])],
                wsems[s])

        for j in range(nch):
            s = j % _NBUF
            if wd[s] is not None:
                wd[s].wait()
            gd[s] = pltpu.async_copy(
                table_hbm.at[idx_v.at[pl.ds(offs[j], chunks[j])]],
                bufs.at[s, pl.ds(0, chunks[j])], gsems[s])
            if j >= _WDELAY:
                start_write(j - _WDELAY)
        for j in range(nch - _WDELAY, nch):
            start_write(j)
        for d in wd:
            if d is not None:
                d.wait()
        if fd is not None:
            fd.wait()

    return sc_kernel(idx_flat, features, emb_table)


def _mlp_half(x_half, W1, b1, W2, b2, tile, N, block0, y_prev):
    rows, D = x_half.shape
    H = W1.shape[1]
    b1r = b1.reshape(1, H)
    b2r = b2.reshape(1, D)

    def body(x_ref, w1_ref, b1_ref, w2_ref, b2_ref, *rest):
        o_ref = rest[-1]
        x = x_ref[...].astype(jnp.bfloat16)
        h = jnp.dot(x, w1_ref[...].astype(jnp.bfloat16),
                    preferred_element_type=jnp.float32)
        h = jnp.maximum(h + b1_ref[...], 0.0).astype(jnp.bfloat16)
        o = jnp.dot(h, w2_ref[...].astype(jnp.bfloat16),
                    preferred_element_type=jnp.float32)
        o_ref[...] = o + b2_ref[...]

    in_specs = [
        pl.BlockSpec((tile, D), lambda i: (i, 0)),
        pl.BlockSpec((D, H), lambda i: (0, 0)),
        pl.BlockSpec((1, H), lambda i: (0, 0)),
        pl.BlockSpec((H, D), lambda i: (0, 0)),
        pl.BlockSpec((1, D), lambda i: (0, 0)),
    ]
    args = [x_half, W1, b1r, W2, b2r]
    aliases = {}
    if y_prev is not None:
        in_specs.append(pl.BlockSpec(memory_space=pl.ANY))
        args.append(y_prev)
        aliases = {5: 0}
    return pl.pallas_call(
        body,
        grid=(rows // tile,),
        in_specs=in_specs,
        out_specs=pl.BlockSpec((tile, D), lambda i: (i + block0, 0)),
        out_shape=jax.ShapeDtypeStruct((N, D), jnp.float32),
        input_output_aliases=aliases,
    )(*args)


def kernel(features, captions, emb_table, W1, b1, W2, b2):
    B, D = features.shape
    L = captions.shape[1]
    Lp = L + 1
    N = B * Lp
    tile = 3264
    half = N // 2
    steps = half // tile
    idx_flat = captions.astype(jnp.int32).T.reshape(B * L)

    x1 = _gather_part(features, idx_flat, emb_table,
                      emb_lo=0, emb_rows=half - B, with_features=True)
    x2 = _gather_part(features, idx_flat, emb_table,
                      emb_lo=half - B, emb_rows=half, with_features=False)
    y1 = _mlp_half(x1, W1, b1, W2, b2, tile, N, 0, None)
    y = _mlp_half(x2, W1, b1, W2, b2, tile, N, steps, y1)
    return y.reshape(Lp, B, D).transpose(1, 0, 2)

# --- scband reference (transcript-rebuilt; emitter-appended) ---
"""Pipeline reference for scband-decoder-41961830482056 (READ-ONLY COPY).

The authoritative reference and input builder live on the scoring server;
editing this copy changes nothing except your own understanding.
"""

import jax, jax.numpy as jnp
import numpy as np

VOCAB = 100000
D = 128
H = 512
B = 1024
L = 50


def setup_inputs(seed: int = 0) -> dict:
    key = jax.random.key(seed)
    k_feat, k_cap, k_emb, k_w1, k_b1, k_w2, k_b2 = jax.random.split(key, 7)
    features = jax.random.normal(k_feat, (B, D), dtype=jnp.float32)
    captions = jax.random.randint(k_cap, (B, L), 0, VOCAB, dtype=jnp.int64 if jax.config.jax_enable_x64 else jnp.int32)
    emb_table = jax.random.normal(k_emb, (VOCAB, D), dtype=jnp.float32) * 0.02
    W1 = jax.random.normal(k_w1, (D, H), dtype=jnp.float32) * (1.0 / np.sqrt(D))
    b1 = jnp.zeros((H,), dtype=jnp.float32)
    W2 = jax.random.normal(k_w2, (H, D), dtype=jnp.float32) * (1.0 / np.sqrt(H))
    b2 = jnp.zeros((D,), dtype=jnp.float32)
    return {"features": features, "captions": captions, "emb_table": emb_table,
            "W1": W1, "b1": b1, "W2": W2, "b2": b2}


def reference(features, captions, emb_table, W1, b1, W2, b2):
    # embeddings = self.embedding(captions)  -> gather
    embeddings = jnp.take(emb_table, captions, axis=0)  # [B, L, D]
    # embeddings = torch.cat((features.unsqueeze(1), embeddings), dim=1)
    x = jnp.concatenate((features[:, None, :], embeddings), axis=1)  # [B, L+1, D]
    # self.model(embeddings): Linear -> ReLU -> Linear
    h = jnp.maximum(jnp.einsum('bld,dh->blh', x, W1) + b1, 0.0)
    out = jnp.einsum('blh,hd->bld', h, W2) + b2  # [B, L+1, D]
    return out

if __name__ == "__main__":
    import jax
    _d = setup_inputs()
    print(jax.jit(kernel)(*tuple(_d.values())))

</pallas_src>

<mosaic_0001>
#map = affine_map<(d0, d1) -> (0)>
#map1 = affine_map<(d0, d1) -> (0, 0)>
module attributes {stable_mosaic.version = 14 : i64} {
  func.func @sc_kernel(%arg0: i32, %arg1: i32, %arg2: memref<51200xi32, #tpu.memory_space<hbm>>, %arg3: memref<1024x128xf32, #tpu.memory_space<hbm>>, %arg4: memref<100000x128xf32, #tpu.memory_space<hbm>>, %arg5: memref<26112x128xf32, #tpu.memory_space<hbm>>, %arg6: memref<784xi32, #tpu.memory_space<vmem>>, %arg7: memref<32x128xf32, #tpu.memory_space<vmem>>, %arg8: memref<8x80x128xf32, #tpu.memory_space<vmem>>, %arg9: memref<!tpu.dma_semaphore, #tpu.memory_space<semaphore_mem>>, %arg10: memref<!tpu.dma_semaphore, #tpu.memory_space<semaphore_mem>>, %arg11: memref<!tpu.dma_semaphore, #tpu.memory_space<semaphore_mem>>, %arg12: memref<!tpu.dma_semaphore, #tpu.memory_space<semaphore_mem>>, %arg13: memref<!tpu.dma_semaphore, #tpu.memory_space<semaphore_mem>>, %arg14: memref<!tpu.dma_semaphore, #tpu.memory_space<semaphore_mem>>, %arg15: memref<!tpu.dma_semaphore, #tpu.memory_space<semaphore_mem>>, %arg16: memref<!tpu.dma_semaphore, #tpu.memory_space<semaphore_mem>>, %arg17: memref<!tpu.dma_semaphore, #tpu.memory_space<semaphore_mem>>, %arg18: memref<!tpu.dma_semaphore, #tpu.memory_space<semaphore_mem>>, %arg19: memref<!tpu.dma_semaphore, #tpu.memory_space<semaphore_mem>>, %arg20: memref<!tpu.dma_semaphore, #tpu.memory_space<semaphore_mem>>, %arg21: memref<!tpu.dma_semaphore, #tpu.memory_space<semaphore_mem>>, %arg22: memref<!tpu.dma_semaphore, #tpu.memory_space<semaphore_mem>>, %arg23: memref<!tpu.dma_semaphore, #tpu.memory_space<semaphore_mem>>, %arg24: memref<!tpu.dma_semaphore, #tpu.memory_space<semaphore_mem>>, %arg25: memref<!tpu.dma_semaphore, #tpu.memory_space<semaphore_mem>>) attributes {dimension_semantics = [#tpu.dimension_semantics<core_parallel>, #tpu.dimension_semantics<subcore_parallel>], iteration_bounds = array<i64: 2, 16>, scalar_prefetch = 0 : i64, scratch_operands = 20 : i64, tpu.core_type = #tpu.core_type<sc_vector_subcore>, window_params = [{transform_indices = #map}, {transform_indices = #map1}, {transform_indices = #map1}, {transform_indices = #map1}]} {
    %mul3A = arith.constant 2 : i32
    %mul3A_0 = arith.muli %arg1, %mul3A : i32
    %add3A = arith.addi %mul3A_0, %arg0 : i32
    %mul3A_1 = arith.constant 784 : i32
    %mul3A_2 = arith.muli %add3A, %mul3A_1 : i32
    %add3A_3 = arith.constant 0 : i32
    %add3A_4 = arith.addi %add3A_3, %mul3A_2 : i32
    %multiple_of3A = tpu.assume_multiple %add3A_4, 8 : i32
    %mul3A_5 = arith.constant 784 : i32
    %mul3A_6 = arith.muli %add3A, %mul3A_5 : i32
    %add3A_7 = arith.constant 1024 : i32
    %add3A_8 = arith.addi %add3A_7, %mul3A_6 : i32
    %multiple_of3A_9 = tpu.assume_multiple %add3A_8, 8 : i32
    "tpu.region"() ({
      %run_scoped3A = tpu.sem_alloc : memref<!tpu.dma_semaphore, #tpu.memory_space<semaphore_mem>>
      %dma_start3A_509 = tpu.memref_slice %arg2[%multiple_of3A] : memref<51200xi32, #tpu.memory_space<hbm>> -> memref<784xi32, #tpu.memory_space<hbm>>
      %dma_start3A_510 = tpu.memref_slice %arg2[%multiple_of3A] : memref<51200xi32, #tpu.memory_space<hbm>> -> memref<784xi32, #tpu.memory_space<hbm>>
      tpu.enqueue_dma source(%dma_start3A_510 : memref<784xi32, #tpu.memory_space<hbm>>) target(%arg6 : memref<784xi32, #tpu.memory_space<vmem>>) target_semaphore(%run_scoped3A : memref<!tpu.dma_semaphore, #tpu.memory_space<semaphore_mem>>)
      %dma_wait3A_511 = tpu.memref_slice %arg2[%multiple_of3A] : memref<51200xi32, #tpu.memory_space<hbm>> -> memref<784xi32, #tpu.memory_space<hbm>>
      %dma_wait3A_512 = tpu.memref_slice %arg2[%multiple_of3A] : memref<51200xi32, #tpu.memory_space<hbm>> -> memref<784xi32, #tpu.memory_space<hbm>>
      tpu.wait_dma2 semaphore(%run_scoped3A : memref<!tpu.dma_semaphore, #tpu.memory_space<semaphore_mem>>) src(%dma_wait3A_512 : memref<784xi32, #tpu.memory_space<hbm>>) dst(%arg6 : memref<784xi32, #tpu.memory_space<vmem>>)
      tpu.yield
    }) : () -> ()
    %mul3A_10 = arith.constant 32 : i32
    %mul3A_11 = arith.muli %add3A, %mul3A_10 : i32
    %multiple_of3A_12 = tpu.assume_multiple %mul3A_11, 8 : i32
    "tpu.region"() ({
      %run_scoped3A = tpu.sem_alloc : memref<!tpu.dma_semaphore, #tpu.memory_space<semaphore_mem>>
      %dma_start3A_509 = arith.constant 0 : i32
      %dma_start3A_510 = tpu.memref_slice %arg3[%multiple_of3A_12, %dma_start3A_509] : memref<1024x128xf32, #tpu.memory_space<hbm>> -> memref<32x128xf32, #tpu.memory_space<hbm>>
      %dma_start3A_511 = arith.constant 0 : i32
      %dma_start3A_512 = tpu.memref_slice %arg3[%multiple_of3A_12, %dma_start3A_511] : memref<1024x128xf32, #tpu.memory_space<hbm>> -> memref<32x128xf32, #tpu.memory_space<hbm>>
      tpu.enqueue_dma source(%dma_start3A_512 : memref<32x128xf32, #tpu.memory_space<hbm>>) target(%arg7 : memref<32x128xf32, #tpu.memory_space<vmem>>) target_semaphore(%run_scoped3A : memref<!tpu.dma_semaphore, #tpu.memory_space<semaphore_mem>>)
      %dma_wait3A_513 = arith.constant 0 : i32
      %dma_wait3A_514 = tpu.memref_slice %arg3[%multiple_of3A_12, %dma_wait3A_513] : memref<1024x128xf32, #tpu.memory_space<hbm>> -> memref<32x128xf32, #tpu.memory_space<hbm>>
      %dma_wait3A_515 = arith.constant 0 : i32
      %dma_wait3A_516 = tpu.memref_slice %arg3[%multiple_of3A_12, %dma_wait3A_515] : memref<1024x128xf32, #tpu.memory_space<hbm>> -> memref<32x128xf32, #tpu.memory_space<hbm>>
      tpu.wait_dma2 semaphore(%run_scoped3A : memref<!tpu.dma_semaphore, #tpu.memory_space<semaphore_mem>>) src(%dma_wait3A_516 : memref<32x128xf32, #tpu.memory_space<hbm>>) dst(%arg7 : memref<32x128xf32, #tpu.memory_space<vmem>>)
      tpu.yield
    }) : () -> ()
    %dma_start3A = arith.constant 0 : i32
    %dma_start3A_13 = tpu.memref_slice %arg5[%multiple_of3A_12, %dma_start3A] : memref<26112x128xf32, #tpu.memory_space<hbm>> -> memref<32x128xf32, #tpu.memory_space<hbm>>
    %dma_start3A_14 = arith.constant 0 : i32
    %dma_start3A_15 = tpu.memref_slice %arg5[%multiple_of3A_12, %dma_start3A_14] : memref<26112x128xf32, #tpu.memory_space<hbm>> -> memref<32x128xf32, #tpu.memory_space<hbm>>
    tpu.enqueue_dma source(%arg7 : memref<32x128xf32, #tpu.memory_space<vmem>>) target(%dma_start3A_15 : memref<32x128xf32, #tpu.memory_space<hbm>>) target_semaphore(%arg25 : memref<!tpu.dma_semaphore, #tpu.memory_space<semaphore_mem>>)
    %dma_start3A_16 = arith.constant 0 : i32
    %dma_start3A_17 = arith.constant 0 : i32
    %dma_start3A_18 = arith.constant 0 : i32
    %dma_start3A_19 = tpu.memref_slice %arg8[%dma_start3A_16, %dma_start3A_17, %dma_start3A_18] : memref<8x80x128xf32, #tpu.memory_space<vmem>> -> memref<1x80x128xf32, #tpu.memory_space<vmem>>
    %dma_start3A_20 = tpu.memref_squeeze %dma_start3A_19 : memref<1x80x128xf32, #tpu.memory_space<vmem>> -> memref<80x128xf32, #tpu.memory_space<vmem>>
    %dma_start3A_21 = arith.constant 0 : i32
    %dma_start3A_22 = tpu.memref_slice %arg6[%dma_start3A_21] : memref<784xi32, #tpu.memory_space<vmem>> -> memref<80xi32, #tpu.memory_space<vmem>>
    %dma_start3A_23 = arith.constant 0 : i32
    %dma_start3A_24 = arith.constant 0 : i32
    %dma_start3A_25 = tpu.memref_slice %arg4[%dma_start3A_23, %dma_start3A_24] : memref<100000x128xf32, #tpu.memory_space<hbm>> -> memref<100000x128xf32, #tpu.memory_space<hbm>>
    tpu.enqueue_indirect_dma source(%dma_start3A_25 : memref<100000x128xf32, #tpu.memory_space<hbm>>) target(%dma_start3A_20 : memref<80x128xf32, #tpu.memory_space<vmem>>) offsets(%dma_start3A_22 : memref<80xi32, #tpu.memory_space<vmem>>) semaphore(%arg9 : memref<!tpu.dma_semaphore, #tpu.memory_space<semaphore_mem>>)
    %dma_start3A_26 = arith.constant 1 : i32
    %dma_start3A_27 = arith.constant 0 : i32
    %dma_start3A_28 = arith.constant 0 : i32
    %dma_start3A_29 = tpu.memref_slice %arg8[%dma_start3A_26, %dma_start3A_27, %dma_start3A_28] : memref<8x80x128xf32, #tpu.memory_space<vmem>> -> memref<1x80x128xf32, #tpu.memory_space<vmem>>
    %dma_start3A_30 = tpu.memref_squeeze %dma_start3A_29 : memref<1x80x128xf32, #tpu.memory_space<vmem>> -> memref<80x128xf32, #tpu.memory_space<vmem>>
    %dma_start3A_31 = arith.constant 80 : i32
    %dma_start3A_32 = tpu.memref_slice %arg6[%dma_start3A_31] : memref<784xi32, #tpu.memory_space<vmem>> -> memref<80xi32, #tpu.memory_space<vmem>>
    %dma_start3A_33 = arith.constant 0 : i32
    %dma_start3A_34 = arith.constant 0 : i32
    %dma_start3A_35 = tpu.memref_slice %arg4[%dma_start3A_33, %dma_start3A_34] : memref<100000x128xf32, #tpu.memory_space<hbm>> -> memref<100000x128xf32, #tpu.memory_space<hbm>>
    tpu.enqueue_indirect_dma source(%dma_start3A_35 : memref<100000x128xf32, #tpu.memory_space<hbm>>) target(%dma_start3A_30 : memref<80x128xf32, #tpu.memory_space<vmem>>) offsets(%dma_start3A_32 : memref<80xi32, #tpu.memory_space<vmem>>) semaphore(%arg10 : memref<!tpu.dma_semaphore, #tpu.memory_space<semaphore_mem>>)
    %dma_start3A_36 = arith.constant 2 : i32
    %dma_start3A_37 = arith.constant 0 : i32
    %dma_start3A_38 = arith.constant 0 : i32
    %dma_start3A_39 = tpu.memref_slice %arg8[%dma_start3A_36, %dma_start3A_37, %dma_start3A_38] : memref<8x80x128xf32, #tpu.memory_space<vmem>> -> memref<1x80x128xf32, #tpu.memory_space<vmem>>
    %dma_start3A_40 = tpu.memref_squeeze %dma_start3A_39 : memref<1x80x128xf32, #tpu.memory_space<vmem>> -> memref<80x128xf32, #tpu.memory_space<vmem>>
    %dma_start3A_41 = arith.constant 160 : i32
    %dma_start3A_42 = tpu.memref_slice %arg6[%dma_start3A_41] : memref<784xi32, #tpu.memory_space<vmem>> -> memref<80xi32, #tpu.memory_space<vmem>>
    %dma_start3A_43 = arith.constant 0 : i32
    %dma_start3A_44 = arith.constant 0 : i32
    %dma_start3A_45 = tpu.memref_slice %arg4[%dma_start3A_43, %dma_start3A_44] : memref<100000x128xf32, #tpu.memory_space<hbm>> -> memref<100000x128xf32, #tpu.memory_space<hbm>>
    tpu.enqueue_indirect_dma source(%dma_start3A_45 : memref<100000x128xf32, #tpu.memory_space<hbm>>) target(%dma_start3A_40 : memref<80x128xf32, #tpu.memory_space<vmem>>) offsets(%dma_start3A_42 : memref<80xi32, #tpu.memory_space<vmem>>) semaphore(%arg11 : memref<!tpu.dma_semaphore, #tpu.memory_space<semaphore_mem>>)
    %dma_start3A_46 = arith.constant 3 : i32
    %dma_start3A_47 = arith.constant 0 : i32
    %dma_start3A_48 = arith.constant 0 : i32
    %dma_start3A_49 = tpu.memref_slice %arg8[%dma_start3A_46, %dma_start3A_47, %dma_start3A_48] : memref<8x80x128xf32, #tpu.memory_space<vmem>> -> memref<1x80x128xf32, #tpu.memory_space<vmem>>
    %dma_start3A_50 = tpu.memref_squeeze %dma_start3A_49 : memref<1x80x128xf32, #tpu.memory_space<vmem>> -> memref<80x128xf32, #tpu.memory_space<vmem>>
    %dma_start3A_51 = arith.constant 240 : i32
    %dma_start3A_52 = tpu.memref_slice %arg6[%dma_start3A_51] : memref<784xi32, #tpu.memory_space<vmem>> -> memref<80xi32, #tpu.memory_space<vmem>>
    %dma_start3A_53 = arith.constant 0 : i32
    %dma_start3A_54 = arith.constant 0 : i32
    %dma_start3A_55 = tpu.memref_slice %arg4[%dma_start3A_53, %dma_start3A_54] : memref<100000x128xf32, #tpu.memory_space<hbm>> -> memref<100000x128xf32, #tpu.memory_space<hbm>>
    tpu.enqueue_indirect_dma source(%dma_start3A_55 : memref<100000x128xf32, #tpu.memory_space<hbm>>) target(%dma_start3A_50 : memref<80x128xf32, #tpu.memory_space<vmem>>) offsets(%dma_start3A_52 : memref<80xi32, #tpu.memory_space<vmem>>) semaphore(%arg12 : memref<!tpu.dma_semaphore, #tpu.memory_space<semaphore_mem>>)
    %dma_wait3A = arith.constant 0 : i32
    %dma_wait3A_56 = arith.constant 0 : i32
    %dma_wait3A_57 = arith.constant 0 : i32
    %dma_wait3A_58 = tpu.memref_slice %arg8[%dma_wait3A, %dma_wait3A_56, %dma_wait3A_57] : memref<8x80x128xf32, #tpu.memory_space<vmem>> -> memref<1x80x128xf32, #tpu.memory_space<vmem>>
    %dma_wait3A_59 = tpu.memref_squeeze %dma_wait3A_58 : memref<1x80x128xf32, #tpu.memory_space<vmem>> -> memref<80x128xf32, #tpu.memory_space<vmem>>
    %dma_wait3A_60 = arith.constant 0 : i32
    %dma_wait3A_61 = tpu.memref_slice %arg6[%dma_wait3A_60] : memref<784xi32, #tpu.memory_space<vmem>> -> memref<80xi32, #tpu.memory_space<vmem>>
    %dma_wait3A_62 = arith.constant 0 : i32
    %dma_wait3A_63 = arith.constant 0 : i32
    %dma_wait3A_64 = tpu.memref_slice %arg4[%dma_wait3A_62, %dma_wait3A_63] : memref<100000x128xf32, #tpu.memory_space<hbm>> -> memref<100000x128xf32, #tpu.memory_space<hbm>>
    tpu.wait_indirect_dma semaphore(%arg9 : memref<!tpu.dma_semaphore, #tpu.memory_space<semaphore_mem>>) src(%dma_wait3A_64 : memref<100000x128xf32, #tpu.memory_space<hbm>>) dst(%dma_wait3A_59 : memref<80x128xf32, #tpu.memory_space<vmem>>)
    %add3A_65 = arith.constant 0 : i32
    %add3A_66 = arith.addi %multiple_of3A_9, %add3A_65 : i32
    %multiple_of3A_67 = tpu.assume_multiple %add3A_66, 8 : i32
    %dma_start3A_68 = arith.constant 0 : i32
    %dma_start3A_69 = arith.constant 0 : i32
    %dma_start3A_70 = arith.constant 0 : i32
    %dma_start3A_71 = tpu.memref_slice %arg8[%dma_start3A_68, %dma_start3A_69, %dma_start3A_70] : memref<8x80x128xf32, #tpu.memory_space<vmem>> -> memref<1x80x128xf32, #tpu.memory_space<vmem>>
    %dma_start3A_72 = tpu.memref_squeeze %dma_start3A_71 : memref<1x80x128xf32, #tpu.memory_space<vmem>> -> memref<80x128xf32, #tpu.memory_space<vmem>>
    %dma_start3A_73 = arith.constant 0 : i32
    %dma_start3A_74 = tpu.memref_slice %arg5[%multiple_of3A_67, %dma_start3A_73] : memref<26112x128xf32, #tpu.memory_space<hbm>> -> memref<80x128xf32, #tpu.memory_space<hbm>>
    %dma_start3A_75 = arith.constant 0 : i32
    %dma_start3A_76 = tpu.memref_slice %arg5[%multiple_of3A_67, %dma_start3A_75] : memref<26112x128xf32, #tpu.memory_space<hbm>> -> memref<80x128xf32, #tpu.memory_space<hbm>>
    %dma_start3A_77 = arith.constant 0 : i32
    %dma_start3A_78 = arith.constant 0 : i32
    %dma_start3A_79 = tpu.memref_slice %arg8[%dma_start3A_68, %dma_start3A_77, %dma_start3A_78] : memref<8x80x128xf32, #tpu.memory_space<vmem>> -> memref<1x80x128xf32, #tpu.memory_space<vmem>>
    %dma_start3A_80 = tpu.memref_squeeze %dma_start3A_79 : memref<1x80x128xf32, #tpu.memory_space<vmem>> -> memref<80x128xf32, #tpu.memory_space<vmem>>
    tpu.enqueue_dma source(%dma_start3A_80 : memref<80x128xf32, #tpu.memory_space<vmem>>) target(%dma_start3A_76 : memref<80x128xf32, #tpu.memory_space<hbm>>) target_semaphore(%arg17 : memref<!tpu.dma_semaphore, #tpu.memory_space<semaphore_mem>>)
    %dma_start3A_81 = arith.constant 4 : i32
    %dma_start3A_82 = arith.constant 0 : i32
    %dma_start3A_83 = arith.constant 0 : i32
    %dma_start3A_84 = tpu.memref_slice %arg8[%dma_start3A_81, %dma_start3A_82, %dma_start3A_83] : memref<8x80x128xf32, #tpu.memory_space<vmem>> -> memref<1x80x128xf32, #tpu.memory_space<vmem>>
    %dma_start3A_85 = tpu.memref_squeeze %dma_start3A_84 : memref<1x80x128xf32, #tpu.memory_space<vmem>> -> memref<80x128xf32, #tpu.memory_space<vmem>>
    %dma_start3A_86 = arith.constant 320 : i32
    %dma_start3A_87 = tpu.memref_slice %arg6[%dma_start3A_86] : memref<784xi32, #tpu.memory_space<vmem>> -> memref<80xi32, #tpu.memory_space<vmem>>
    %dma_start3A_88 = arith.constant 0 : i32
    %dma_start3A_89 = arith.constant 0 : i32
    %dma_start3A_90 = tpu.memref_slice %arg4[%dma_start3A_88, %dma_start3A_89] : memref<100000x128xf32, #tpu.memory_space<hbm>> -> memref<100000x128xf32, #tpu.memory_space<hbm>>
    tpu.enqueue_indirect_dma source(%dma_start3A_90 : memref<100000x128xf32, #tpu.memory_space<hbm>>) target(%dma_start3A_85 : memref<80x128xf32, #tpu.memory_space<vmem>>) offsets(%dma_start3A_87 : memref<80xi32, #tpu.memory_space<vmem>>) semaphore(%arg13 : memref<!tpu.dma_semaphore, #tpu.memory_space<semaphore_mem>>)
    %dma_wait3A_91 = arith.constant 1 : i32
    %dma_wait3A_92 = arith.constant 0 : i32
    %dma_wait3A_93 = arith.constant 0 : i32
    %dma_wait3A_94 = tpu.memref_slice %arg8[%dma_wait3A_91, %dma_wait3A_92, %dma_wait3A_93] : memref<8x80x128xf32, #tpu.memory_space<vmem>> -> memref<1x80x128xf32, #tpu.memory_space<vmem>>
    %dma_wait3A_95 = tpu.memref_squeeze %dma_wait3A_94 : memref<1x80x128xf32, #tpu.memory_space<vmem>> -> memref<80x128xf32, #tpu.memory_space<vmem>>
    %dma_wait3A_96 = arith.constant 80 : i32
    %dma_wait3A_97 = tpu.memref_slice %arg6[%dma_wait3A_96] : memref<784xi32, #tpu.memory_space<vmem>> -> memref<80xi32, #tpu.memory_space<vmem>>
    %dma_wait3A_98 = arith.constant 0 : i32
    %dma_wait3A_99 = arith.constant 0 : i32
    %dma_wait3A_100 = tpu.memref_slice %arg4[%dma_wait3A_98, %dma_wait3A_99] : memref<100000x128xf32, #tpu.memory_space<hbm>> -> memref<100000x128xf32, #tpu.memory_space<hbm>>
    tpu.wait_indirect_dma semaphore(%arg10 : memref<!tpu.dma_semaphore, #tpu.memory_space<semaphore_mem>>) src(%dma_wait3A_100 : memref<100000x128xf32, #tpu.memory_space<hbm>>) dst(%dma_wait3A_95 : memref<80x128xf32, #tpu.memory_space<vmem>>)
    %add3A_101 = arith.constant 80 : i32
    %add3A_102 = arith.addi %multiple_of3A_9, %add3A_101 : i32
    %multiple_of3A_103 = tpu.assume_multiple %add3A_102, 8 : i32
    %dma_start3A_104 = arith.constant 1 : i32
    %dma_start3A_105 = arith.constant 0 : i32
    %dma_start3A_106 = arith.constant 0 : i32
    %dma_start3A_107 = tpu.memref_slice %arg8[%dma_start3A_104, %dma_start3A_105, %dma_start3A_106] : memref<8x80x128xf32, #tpu.memory_space<vmem>> -> memref<1x80x128xf32, #tpu.memory_space<vmem>>
    %dma_start3A_108 = tpu.memref_squeeze %dma_start3A_107 : memref<1x80x128xf32, #tpu.memory_space<vmem>> -> memref<80x128xf32, #tpu.memory_space<vmem>>
    %dma_start3A_109 = arith.constant 0 : i32
    %dma_start3A_110 = tpu.memref_slice %arg5[%multiple_of3A_103, %dma_start3A_109] : memref<26112x128xf32, #tpu.memory_space<hbm>> -> memref<80x128xf32, #tpu.memory_space<hbm>>
    %dma_start3A_111 = arith.constant 0 : i32
    %dma_start3A_112 = tpu.memref_slice %arg5[%multiple_of3A_103, %dma_start3A_111] : memref<26112x128xf32, #tpu.memory_space<hbm>> -> memref<80x128xf32, #tpu.memory_space<hbm>>
    %dma_start3A_113 = arith.constant 0 : i32
    %dma_start3A_114 = arith.constant 0 : i32
    %dma_start3A_115 = tpu.memref_slice %arg8[%dma_start3A_104, %dma_start3A_113, %dma_start3A_114] : memref<8x80x128xf32, #tpu.memory_space<vmem>> -> memref<1x80x128xf32, #tpu.memory_space<vmem>>
    %dma_start3A_116 = tpu.memref_squeeze %dma_start3A_115 : memref<1x80x128xf32, #tpu.memory_space<vmem>> -> memref<80x128xf32, #tpu.memory_space<vmem>>
    tpu.enqueue_dma source(%dma_start3A_116 : memref<80x128xf32, #tpu.memory_space<vmem>>) target(%dma_start3A_112 : memref<80x128xf32, #tpu.memory_space<hbm>>) target_semaphore(%arg18 : memref<!tpu.dma_semaphore, #tpu.memory_space<semaphore_mem>>)
    %dma_start3A_117 = arith.constant 5 : i32
    %dma_start3A_118 = arith.constant 0 : i32
    %dma_start3A_119 = arith.constant 0 : i32
    %dma_start3A_120 = tpu.memref_slice %arg8[%dma_start3A_117, %dma_start3A_118, %dma_start3A_119] : memref<8x80x128xf32, #tpu.memory_space<vmem>> -> memref<1x80x128xf32, #tpu.memory_space<vmem>>
    %dma_start3A_121 = tpu.memref_squeeze %dma_start3A_120 : memref<1x80x128xf32, #tpu.memory_space<vmem>> -> memref<80x128xf32, #tpu.memory_space<vmem>>
    %dma_start3A_122 = arith.constant 400 : i32
    %dma_start3A_123 = tpu.memref_slice %arg6[%dma_start3A_122] : memref<784xi32, #tpu.memory_space<vmem>> -> memref<80xi32, #tpu.memory_space<vmem>>
    %dma_start3A_124 = arith.constant 0 : i32
    %dma_start3A_125 = arith.constant 0 : i32
    %dma_start3A_126 = tpu.memref_slice %arg4[%dma_start3A_124, %dma_start3A_125] : memref<100000x128xf32, #tpu.memory_space<hbm>> -> memref<100000x128xf32, #tpu.memory_space<hbm>>
    tpu.enqueue_indirect_dma source(%dma_start3A_126 : memref<100000x128xf32, #tpu.memory_space<hbm>>) target(%dma_start3A_121 : memref<80x128xf32, #tpu.memory_space<vmem>>) offsets(%dma_start3A_123 : memref<80xi32, #tpu.memory_space<vmem>>) semaphore(%arg14 : memref<!tpu.dma_semaphore, #tpu.memory_space<semaphore_mem>>)
    %dma_wait3A_127 = arith.constant 2 : i32
    %dma_wait3A_128 = arith.constant 0 : i32
    %dma_wait3A_129 = arith.constant 0 : i32
    %dma_wait3A_130 = tpu.memref_slice %arg8[%dma_wait3A_127, %dma_wait3A_128, %dma_wait3A_129] : memref<8x80x128xf32, #tpu.memory_space<vmem>> -> memref<1x80x128xf32, #tpu.memory_space<vmem>>
    %dma_wait3A_131 = tpu.memref_squeeze %dma_wait3A_130 : memref<1x80x128xf32, #tpu.memory_space<vmem>> -> memref<80x128xf32, #tpu.memory_space<vmem>>
    %dma_wait3A_132 = arith.constant 160 : i32
    %dma_wait3A_133 = tpu.memref_slice %arg6[%dma_wait3A_132] : memref<784xi32, #tpu.memory_space<vmem>> -> memref<80xi32, #tpu.memory_space<vmem>>
    %dma_wait3A_134 = arith.constant 0 : i32
    %dma_wait3A_135 = arith.constant 0 : i32
    %dma_wait3A_136 = tpu.memref_slice %arg4[%dma_wait3A_134, %dma_wait3A_135] : memref<100000x128xf32, #tpu.memory_space<hbm>> -> memref<100000x128xf32, #tpu.memory_space<hbm>>
    tpu.wait_indirect_dma semaphore(%arg11 : memref<!tpu.dma_semaphore, #tpu.memory_space<semaphore_mem>>) src(%dma_wait3A_136 : memref<100000x128xf32, #tpu.memory_space<hbm>>) dst(%dma_wait3A_131 : memref<80x128xf32, #tpu.memory_space<vmem>>)
    %add3A_137 = arith.constant 160 : i32
    %add3A_138 = arith.addi %multiple_of3A_9, %add3A_137 : i32
    %multiple_of3A_139 = tpu.assume_multiple %add3A_138, 8 : i32
    %dma_start3A_140 = arith.constant 2 : i32
    %dma_start3A_141 = arith.constant 0 : i32
    %dma_start3A_142 = arith.constant 0 : i32
    %dma_start3A_143 = tpu.memref_slice %arg8[%dma_start3A_140, %dma_start3A_141, %dma_start3A_142] : memref<8x80x128xf32, #tpu.memory_space<vmem>> -> memref<1x80x128xf32, #tpu.memory_space<vmem>>
    %dma_start3A_144 = tpu.memref_squeeze %dma_start3A_143 : memref<1x80x128xf32, #tpu.memory_space<vmem>> -> memref<80x128xf32, #tpu.memory_space<vmem>>
    %dma_start3A_145 = arith.constant 0 : i32
    %dma_start3A_146 = tpu.memref_slice %arg5[%multiple_of3A_139, %dma_start3A_145] : memref<26112x128xf32, #tpu.memory_space<hbm>> -> memref<80x128xf32, #tpu.memory_space<hbm>>
    %dma_start3A_147 = arith.constant 0 : i32
    %dma_start3A_148 = tpu.memref_slice %arg5[%multiple_of3A_139, %dma_start3A_147] : memref<26112x128xf32, #tpu.memory_space<hbm>> -> memref<80x128xf32, #tpu.memory_space<hbm>>
    %dma_start3A_149 = arith.constant 0 : i32
    %dma_start3A_150 = arith.constant 0 : i32
    %dma_start3A_151 = tpu.memref_slice %arg8[%dma_start3A_140, %dma_start3A_149, %dma_start3A_150] : memref<8x80x128xf32, #tpu.memory_space<vmem>> -> memref<1x80x128xf32, #tpu.memory_space<vmem>>
    %dma_start3A_152 = tpu.memref_squeeze %dma_start3A_151 : memref<1x80x128xf32, #tpu.memory_space<vmem>> -> memref<80x128xf32, #tpu.memory_space<vmem>>
    tpu.enqueue_dma source(%dma_start3A_152 : memref<80x128xf32, #tpu.memory_space<vmem>>) target(%dma_start3A_148 : memref<80x128xf32, #tpu.memory_space<hbm>>) target_semaphore(%arg19 : memref<!tpu.dma_semaphore, #tpu.memory_space<semaphore_mem>>)
    %dma_start3A_153 = arith.constant 6 : i32
    %dma_start3A_154 = arith.constant 0 : i32
    %dma_start3A_155 = arith.constant 0 : i32
    %dma_start3A_156 = tpu.memref_slice %arg8[%dma_start3A_153, %dma_start3A_154, %dma_start3A_155] : memref<8x80x128xf32, #tpu.memory_space<vmem>> -> memref<1x80x128xf32, #tpu.memory_space<vmem>>
    %dma_start3A_157 = tpu.memref_squeeze %dma_start3A_156 : memref<1x80x128xf32, #tpu.memory_space<vmem>> -> memref<80x128xf32, #tpu.memory_space<vmem>>
    %dma_start3A_158 = arith.constant 480 : i32
    %dma_start3A_159 = tpu.memref_slice %arg6[%dma_start3A_158] : memref<784xi32, #tpu.memory_space<vmem>> -> memref<80xi32, #tpu.memory_space<vmem>>
    %dma_start3A_160 = arith.constant 0 : i32
    %dma_start3A_161 = arith.constant 0 : i32
    %dma_start3A_162 = tpu.memref_slice %arg4[%dma_start3A_160, %dma_start3A_161] : memref<100000x128xf32, #tpu.memory_space<hbm>> -> memref<100000x128xf32, #tpu.memory_space<hbm>>
    tpu.enqueue_indirect_dma source(%dma_start3A_162 : memref<100000x128xf32, #tpu.memory_space<hbm>>) target(%dma_start3A_157 : memref<80x128xf32, #tpu.memory_space<vmem>>) offsets(%dma_start3A_159 : memref<80xi32, #tpu.memory_space<vmem>>) semaphore(%arg15 : memref<!tpu.dma_semaphore, #tpu.memory_space<semaphore_mem>>)
    %dma_wait3A_163 = arith.constant 3 : i32
    %dma_wait3A_164 = arith.constant 0 : i32
    %dma_wait3A_165 = arith.constant 0 : i32
    %dma_wait3A_166 = tpu.memref_slice %arg8[%dma_wait3A_163, %dma_wait3A_164, %dma_wait3A_165] : memref<8x80x128xf32, #tpu.memory_space<vmem>> -> memref<1x80x128xf32, #tpu.memory_space<vmem>>
    %dma_wait3A_167 = tpu.memref_squeeze %dma_wait3A_166 : memref<1x80x128xf32, #tpu.memory_space<vmem>> -> memref<80x128xf32, #tpu.memory_space<vmem>>
    %dma_wait3A_168 = arith.constant 240 : i32
    %dma_wait3A_169 = tpu.memref_slice %arg6[%dma_wait3A_168] : memref<784xi32, #tpu.memory_space<vmem>> -> memref<80xi32, #tpu.memory_space<vmem>>
    %dma_wait3A_170 = arith.constant 0 : i32
    %dma_wait3A_171 = arith.constant 0 : i32
    %dma_wait3A_172 = tpu.memref_slice %arg4[%dma_wait3A_170, %dma_wait3A_171] : memref<100000x128xf32, #tpu.memory_space<hbm>> -> memref<100000x128xf32, #tpu.memory_space<hbm>>
    tpu.wait_indirect_dma semaphore(%arg12 : memref<!tpu.dma_semaphore, #tpu.memory_space<semaphore_mem>>) src(%dma_wait3A_172 : memref<100000x128xf32, #tpu.memory_space<hbm>>) dst(%dma_wait3A_167 : memref<80x128xf32, #tpu.memory_space<vmem>>)
    %add3A_173 = arith.constant 240 : i32
    %add3A_174 = arith.addi %multiple_of3A_9, %add3A_173 : i32
    %multiple_of3A_175 = tpu.assume_multiple %add3A_174, 8 : i32
    %dma_start3A_176 = arith.constant 3 : i32
    %dma_start3A_177 = arith.constant 0 : i32
    %dma_start3A_178 = arith.constant 0 : i32
    %dma_start3A_179 = tpu.memref_slice %arg8[%dma_start3A_176, %dma_start3A_177, %dma_start3A_178] : memref<8x80x128xf32, #tpu.memory_space<vmem>> -> memref<1x80x128xf32, #tpu.memory_space<vmem>>
    %dma_start3A_180 = tpu.memref_squeeze %dma_start3A_179 : memref<1x80x128xf32, #tpu.memory_space<vmem>> -> memref<80x128xf32, #tpu.memory_space<vmem>>
    %dma_start3A_181 = arith.constant 0 : i32
    %dma_start3A_182 = tpu.memref_slice %arg5[%multiple_of3A_175, %dma_start3A_181] : memref<26112x128xf32, #tpu.memory_space<hbm>> -> memref<80x128xf32, #tpu.memory_space<hbm>>
    %dma_start3A_183 = arith.constant 0 : i32
    %dma_start3A_184 = tpu.memref_slice %arg5[%multiple_of3A_175, %dma_start3A_183] : memref<26112x128xf32, #tpu.memory_space<hbm>> -> memref<80x128xf32, #tpu.memory_space<hbm>>
    %dma_start3A_185 = arith.constant 0 : i32
    %dma_start3A_186 = arith.constant 0 : i32
    %dma_start3A_187 = tpu.memref_slice %arg8[%dma_start3A_176, %dma_start3A_185, %dma_start3A_186] : memref<8x80x128xf32, #tpu.memory_space<vmem>> -> memref<1x80x128xf32, #tpu.memory_space<vmem>>
    %dma_start3A_188 = tpu.memref_squeeze %dma_start3A_187 : memref<1x80x128xf32, #tpu.memory_space<vmem>> -> memref<80x128xf32, #tpu.memory_space<vmem>>
    tpu.enqueue_dma source(%dma_start3A_188 : memref<80x128xf32, #tpu.memory_space<vmem>>) target(%dma_start3A_184 : memref<80x128xf32, #tpu.memory_space<hbm>>) target_semaphore(%arg20 : memref<!tpu.dma_semaphore, #tpu.memory_space<semaphore_mem>>)
    %dma_start3A_189 = arith.constant 7 : i32
    %dma_start3A_190 = arith.constant 0 : i32
    %dma_start3A_191 = arith.constant 0 : i32
    %dma_start3A_192 = tpu.memref_slice %arg8[%dma_start3A_189, %dma_start3A_190, %dma_start3A_191] : memref<8x80x128xf32, #tpu.memory_space<vmem>> -> memref<1x80x128xf32, #tpu.memory_space<vmem>>
    %dma_start3A_193 = tpu.memref_squeeze %dma_start3A_192 : memref<1x80x128xf32, #tpu.memory_space<vmem>> -> memref<80x128xf32, #tpu.memory_space<vmem>>
    %dma_start3A_194 = arith.constant 560 : i32
    %dma_start3A_195 = tpu.memref_slice %arg6[%dma_start3A_194] : memref<784xi32, #tpu.memory_space<vmem>> -> memref<80xi32, #tpu.memory_space<vmem>>
    %dma_start3A_196 = arith.constant 0 : i32
    %dma_start3A_197 = arith.constant 0 : i32
    %dma_start3A_198 = tpu.memref_slice %arg4[%dma_start3A_196, %dma_start3A_197] : memref<100000x128xf32, #tpu.memory_space<hbm>> -> memref<100000x128xf32, #tpu.memory_space<hbm>>
    tpu.enqueue_indirect_dma source(%dma_start3A_198 : memref<100000x128xf32, #tpu.memory_space<hbm>>) target(%dma_start3A_193 : memref<80x128xf32, #tpu.memory_space<vmem>>) offsets(%dma_start3A_195 : memref<80xi32, #tpu.memory_space<vmem>>) semaphore(%arg16 : memref<!tpu.dma_semaphore, #tpu.memory_space<semaphore_mem>>)
    %dma_wait3A_199 = arith.constant 4 : i32
    %dma_wait3A_200 = arith.constant 0 : i32
    %dma_wait3A_201 = arith.constant 0 : i32
    %dma_wait3A_202 = tpu.memref_slice %arg8[%dma_wait3A_199, %dma_wait3A_200, %dma_wait3A_201] : memref<8x80x128xf32, #tpu.memory_space<vmem>> -> memref<1x80x128xf32, #tpu.memory_space<vmem>>
    %dma_wait3A_203 = tpu.memref_squeeze %dma_wait3A_202 : memref<1x80x128xf32, #tpu.memory_space<vmem>> -> memref<80x128xf32, #tpu.memory_space<vmem>>
    %dma_wait3A_204 = arith.constant 320 : i32
    %dma_wait3A_205 = tpu.memref_slice %arg6[%dma_wait3A_204] : memref<784xi32, #tpu.memory_space<vmem>> -> memref<80xi32, #tpu.memory_space<vmem>>
    %dma_wait3A_206 = arith.constant 0 : i32
    %dma_wait3A_207 = arith.constant 0 : i32
    %dma_wait3A_208 = tpu.memref_slice %arg4[%dma_wait3A_206, %dma_wait3A_207] : memref<100000x128xf32, #tpu.memory_space<hbm>> -> memref<100000x128xf32, #tpu.memory_space<hbm>>
    tpu.wait_indirect_dma semaphore(%arg13 : memref<!tpu.dma_semaphore, #tpu.memory_space<semaphore_mem>>) src(%dma_wait3A_208 : memref<100000x128xf32, #tpu.memory_space<hbm>>) dst(%dma_wait3A_203 : memref<80x128xf32, #tpu.memory_space<vmem>>)
    %add3A_209 = arith.constant 320 : i32
    %add3A_210 = arith.addi %multiple_of3A_9, %add3A_209 : i32
    %multiple_of3A_211 = tpu.assume_multiple %add3A_210, 8 : i32
    %dma_start3A_212 = arith.constant 4 : i32
    %dma_start3A_213 = arith.constant 0 : i32
    %dma_start3A_214 = arith.constant 0 : i32
    %dma_start3A_215 = tpu.memref_slice %arg8[%dma_start3A_212, %dma_start3A_213, %dma_start3A_214] : memref<8x80x128xf32, #tpu.memory_space<vmem>> -> memref<1x80x128xf32, #tpu.memory_space<vmem>>
    %dma_start3A_216 = tpu.memref_squeeze %dma_start3A_215 : memref<1x80x128xf32, #tpu.memory_space<vmem>> -> memref<80x128xf32, #tpu.memory_space<vmem>>
    %dma_start3A_217 = arith.constant 0 : i32
    %dma_start3A_218 = tpu.memref_slice %arg5[%multiple_of3A_211, %dma_start3A_217] : memref<26112x128xf32, #tpu.memory_space<hbm>> -> memref<80x128xf32, #tpu.memory_space<hbm>>
    %dma_start3A_219 = arith.constant 0 : i32
    %dma_start3A_220 = tpu.memref_slice %arg5[%multiple_of3A_211, %dma_start3A_219] : memref<26112x128xf32, #tpu.memory_space<hbm>> -> memref<80x128xf32, #tpu.memory_space<hbm>>
    %dma_start3A_221 = arith.constant 0 : i32
    %dma_start3A_222 = arith.constant 0 : i32
    %dma_start3A_223 = tpu.memref_slice %arg8[%dma_start3A_212, %dma_start3A_221, %dma_start3A_222] : memref<8x80x128xf32, #tpu.memory_space<vmem>> -> memref<1x80x128xf32, #tpu.memory_space<vmem>>
    %dma_start3A_224 = tpu.memref_squeeze %dma_start3A_223 : memref<1x80x128xf32, #tpu.memory_space<vmem>> -> memref<80x128xf32, #tpu.memory_space<vmem>>
    tpu.enqueue_dma source(%dma_start3A_224 : memref<80x128xf32, #tpu.memory_space<vmem>>) target(%dma_start3A_220 : memref<80x128xf32, #tpu.memory_space<hbm>>) target_semaphore(%arg21 : memref<!tpu.dma_semaphore, #tpu.memory_space<semaphore_mem>>)
    %dma_wait3A_225 = arith.constant 0 : i32
    %dma_wait3A_226 = arith.constant 0 : i32
    %dma_wait3A_227 = arith.constant 0 : i32
    %dma_wait3A_228 = tpu.memref_slice %arg8[%dma_wait3A_225, %dma_wait3A_226, %dma_wait3A_227] : memref<8x80x128xf32, #tpu.memory_space<vmem>> -> memref<1x80x128xf32, #tpu.memory_space<vmem>>
    %dma_wait3A_229 = tpu.memref_squeeze %dma_wait3A_228 : memref<1x80x128xf32, #tpu.memory_space<vmem>> -> memref<80x128xf32, #tpu.memory_space<vmem>>
    %dma_wait3A_230 = arith.constant 0 : i32
    %dma_wait3A_231 = tpu.memref_slice %arg5[%multiple_of3A_67, %dma_wait3A_230] : memref<26112x128xf32, #tpu.memory_space<hbm>> -> memref<80x128xf32, #tpu.memory_space<hbm>>
    %dma_wait3A_232 = arith.constant 0 : i32
    %dma_wait3A_233 = tpu.memref_slice %arg5[%multiple_of3A_67, %dma_wait3A_232] : memref<26112x128xf32, #tpu.memory_space<hbm>> -> memref<80x128xf32, #tpu.memory_space<hbm>>
    %dma_wait3A_234 = arith.constant 0 : i32
    %dma_wait3A_235 = arith.constant 0 : i32
    %dma_wait3A_236 = tpu.memref_slice %arg8[%dma_wait3A_225, %dma_wait3A_234, %dma_wait3A_235] : memref<8x80x128xf32, #tpu.memory_space<vmem>> -> memref<1x80x128xf32, #tpu.memory_space<vmem>>
    %dma_wait3A_237 = tpu.memref_squeeze %dma_wait3A_236 : memref<1x80x128xf32, #tpu.memory_space<vmem>> -> memref<80x128xf32, #tpu.memory_space<vmem>>
    tpu.wait_dma2 semaphore(%arg17 : memref<!tpu.dma_semaphore, #tpu.memory_space<semaphore_mem>>) src(%dma_wait3A_237 : memref<80x128xf32, #tpu.memory_space<vmem>>) dst(%dma_wait3A_233 : memref<80x128xf32, #tpu.memory_space<hbm>>)
    %dma_start3A_238 = arith.constant 0 : i32
    %dma_start3A_239 = arith.constant 0 : i32
    %dma_start3A_240 = arith.constant 0 : i32
    %dma_start3A_241 = tpu.memref_slice %arg8[%dma_start3A_238, %dma_start3A_239, %dma_start3A_240] : memref<8x80x128xf32, #tpu.memory_space<vmem>> -> memref<1x80x128xf32, #tpu.memory_space<vmem>>
    %dma_start3A_242 = tpu.memref_squeeze %dma_start3A_241 : memref<1x80x128xf32, #tpu.memory_space<vmem>> -> memref<80x128xf32, #tpu.memory_space<vmem>>
    %dma_start3A_243 = arith.constant 640 : i32
    %dma_start3A_244 = tpu.memref_slice %arg6[%dma_start3A_243] : memref<784xi32, #tpu.memory_space<vmem>> -> memref<80xi32, #tpu.memory_space<vmem>>
    %dma_start3A_245 = arith.constant 0 : i32
    %dma_start3A_246 = arith.constant 0 : i32
    %dma_start3A_247 = tpu.memref_slice %arg4[%dma_start3A_245, %dma_start3A_246] : memref<100000x128xf32, #tpu.memory_space<hbm>> -> memref<100000x128xf32, #tpu.memory_space<hbm>>
    tpu.enqueue_indirect_dma source(%dma_start3A_247 : memref<100000x128xf32, #tpu.memory_space<hbm>>) target(%dma_start3A_242 : memref<80x128xf32, #tpu.memory_space<vmem>>) offsets(%dma_start3A_244 : memref<80xi32, #tpu.memory_space<vmem>>) semaphore(%arg9 : memref<!tpu.dma_semaphore, #tpu.memory_space<semaphore_mem>>)
    %dma_wait3A_248 = arith.constant 5 : i32
    %dma_wait3A_249 = arith.constant 0 : i32
    %dma_wait3A_250 = arith.constant 0 : i32
    %dma_wait3A_251 = tpu.memref_slice %arg8[%dma_wait3A_248, %dma_wait3A_249, %dma_wait3A_250] : memref<8x80x128xf32, #tpu.memory_space<vmem>> -> memref<1x80x128xf32, #tpu.memory_space<vmem>>
    %dma_wait3A_252 = tpu.memref_squeeze %dma_wait3A_251 : memref<1x80x128xf32, #tpu.memory_space<vmem>> -> memref<80x128xf32, #tpu.memory_space<vmem>>
    %dma_wait3A_253 = arith.constant 400 : i32
    %dma_wait3A_254 = tpu.memref_slice %arg6[%dma_wait3A_253] : memref<784xi32, #tpu.memory_space<vmem>> -> memref<80xi32, #tpu.memory_space<vmem>>
    %dma_wait3A_255 = arith.constant 0 : i32
    %dma_wait3A_256 = arith.constant 0 : i32
    %dma_wait3A_257 = tpu.memref_slice %arg4[%dma_wait3A_255, %dma_wait3A_256] : memref<100000x128xf32, #tpu.memory_space<hbm>> -> memref<100000x128xf32, #tpu.memory_space<hbm>>
    tpu.wait_indirect_dma semaphore(%arg14 : memref<!tpu.dma_semaphore, #tpu.memory_space<semaphore_mem>>) src(%dma_wait3A_257 : memref<100000x128xf32, #tpu.memory_space<hbm>>) dst(%dma_wait3A_252 : memref<80x128xf32, #tpu.memory_space<vmem>>)
    %add3A_258 = arith.constant 400 : i32
    %add3A_259 = arith.addi %multiple_of3A_9, %add3A_258 : i32
    %multiple_of3A_260 = tpu.assume_multiple %add3A_259, 8 : i32
    %dma_start3A_261 = arith.constant 5 : i32
    %dma_start3A_262 = arith.constant 0 : i32
    %dma_start3A_263 = arith.constant 0 : i32
    %dma_start3A_264 = tpu.memref_slice %arg8[%dma_start3A_261, %dma_start3A_262, %dma_start3A_263] : memref<8x80x128xf32, #tpu.memory_space<vmem>> -> memref<1x80x128xf32, #tpu.memory_space<vmem>>
    %dma_start3A_265 = tpu.memref_squeeze %dma_start3A_264 : memref<1x80x128xf32, #tpu.memory_space<vmem>> -> memref<80x128xf32, #tpu.memory_space<vmem>>
    %dma_start3A_266 = arith.constant 0 : i32
    %dma_start3A_267 = tpu.memref_slice %arg5[%multiple_of3A_260, %dma_start3A_266] : memref<26112x128xf32, #tpu.memory_space<hbm>> -> memref<80x128xf32, #tpu.memory_space<hbm>>
    %dma_start3A_268 = arith.constant 0 : i32
    %dma_start3A_269 = tpu.memref_slice %arg5[%multiple_of3A_260, %dma_start3A_268] : memref<26112x128xf32, #tpu.memory_space<hbm>> -> memref<80x128xf32, #tpu.memory_space<hbm>>
    %dma_start3A_270 = arith.constant 0 : i32
    %dma_start3A_271 = arith.constant 0 : i32
    %dma_start3A_272 = tpu.memref_slice %arg8[%dma_start3A_261, %dma_start3A_270, %dma_start3A_271] : memref<8x80x128xf32, #tpu.memory_space<vmem>> -> memref<1x80x128xf32, #tpu.memory_space<vmem>>
    %dma_start3A_273 = tpu.memref_squeeze %dma_start3A_272 : memref<1x80x128xf32, #tpu.memory_space<vmem>> -> memref<80x128xf32, #tpu.memory_space<vmem>>
    tpu.enqueue_dma source(%dma_start3A_273 : memref<80x128xf32, #tpu.memory_space<vmem>>) target(%dma_start3A_269 : memref<80x128xf32, #tpu.memory_space<hbm>>) target_semaphore(%arg22 : memref<!tpu.dma_semaphore, #tpu.memory_space<semaphore_mem>>)
    %dma_wait3A_274 = arith.constant 1 : i32
    %dma_wait3A_275 = arith.constant 0 : i32
    %dma_wait3A_276 = arith.constant 0 : i32
    %dma_wait3A_277 = tpu.memref_slice %arg8[%dma_wait3A_274, %dma_wait3A_275, %dma_wait3A_276] : memref<8x80x128xf32, #tpu.memory_space<vmem>> -> memref<1x80x128xf32, #tpu.memory_space<vmem>>
    %dma_wait3A_278 = tpu.memref_squeeze %dma_wait3A_277 : memref<1x80x128xf32, #tpu.memory_space<vmem>> -> memref<80x128xf32, #tpu.memory_space<vmem>>
    %dma_wait3A_279 = arith.constant 0 : i32
    %dma_wait3A_280 = tpu.memref_slice %arg5[%multiple_of3A_103, %dma_wait3A_279] : memref<26112x128xf32, #tpu.memory_space<hbm>> -> memref<80x128xf32, #tpu.memory_space<hbm>>
    %dma_wait3A_281 = arith.constant 0 : i32
    %dma_wait3A_282 = tpu.memref_slice %arg5[%multiple_of3A_103, %dma_wait3A_281] : memref<26112x128xf32, #tpu.memory_space<hbm>> -> memref<80x128xf32, #tpu.memory_space<hbm>>
    %dma_wait3A_283 = arith.constant 0 : i32
    %dma_wait3A_284 = arith.constant 0 : i32
    %dma_wait3A_285 = tpu.memref_slice %arg8[%dma_wait3A_274, %dma_wait3A_283, %dma_wait3A_284] : memref<8x80x128xf32, #tpu.memory_space<vmem>> -> memref<1x80x128xf32, #tpu.memory_space<vmem>>
    %dma_wait3A_286 = tpu.memref_squeeze %dma_wait3A_285 : memref<1x80x128xf32, #tpu.memory_space<vmem>> -> memref<80x128xf32, #tpu.memory_space<vmem>>
    tpu.wait_dma2 semaphore(%arg18 : memref<!tpu.dma_semaphore, #tpu.memory_space<semaphore_mem>>) src(%dma_wait3A_286 : memref<80x128xf32, #tpu.memory_space<vmem>>) dst(%dma_wait3A_282 : memref<80x128xf32, #tpu.memory_space<hbm>>)
    %dma_start3A_287 = arith.constant 1 : i32
    %dma_start3A_288 = arith.constant 0 : i32
    %dma_start3A_289 = arith.constant 0 : i32
    %dma_start3A_290 = tpu.memref_slice %arg8[%dma_start3A_287, %dma_start3A_288, %dma_start3A_289] : memref<8x80x128xf32, #tpu.memory_space<vmem>> -> memref<1x64x128xf32, #tpu.memory_space<vmem>>
    %dma_start3A_291 = tpu.memref_squeeze %dma_start3A_290 : memref<1x64x128xf32, #tpu.memory_space<vmem>> -> memref<64x128xf32, #tpu.memory_space<vmem>>
    %dma_start3A_292 = arith.constant 720 : i32
    %dma_start3A_293 = tpu.memref_slice %arg6[%dma_start3A_292] : memref<784xi32, #tpu.memory_space<vmem>> -> memref<64xi32, #tpu.memory_space<vmem>>
    %dma_start3A_294 = arith.constant 0 : i32
    %dma_start3A_295 = arith.constant 0 : i32
    %dma_start3A_296 = tpu.memref_slice %arg4[%dma_start3A_294, %dma_start3A_295] : memref<100000x128xf32, #tpu.memory_space<hbm>> -> memref<100000x128xf32, #tpu.memory_space<hbm>>
    tpu.enqueue_indirect_dma source(%dma_start3A_296 : memref<100000x128xf32, #tpu.memory_space<hbm>>) target(%dma_start3A_291 : memref<64x128xf32, #tpu.memory_space<vmem>>) offsets(%dma_start3A_293 : memref<64xi32, #tpu.memory_space<vmem>>) semaphore(%arg10 : memref<!tpu.dma_semaphore, #tpu.memory_space<semaphore_mem>>)
    %dma_wait3A_297 = arith.constant 6 : i32
    %dma_wait3A_298 = arith.constant 0 : i32
    %dma_wait3A_299 = arith.constant 0 : i32
    %dma_wait3A_300 = tpu.memref_slice %arg8[%dma_wait3A_297, %dma_wait3A_298, %dma_wait3A_299] : memref<8x80x128xf32, #tpu.memory_space<vmem>> -> memref<1x80x128xf32, #tpu.memory_space<vmem>>
    %dma_wait3A_301 = tpu.memref_squeeze %dma_wait3A_300 : memref<1x80x128xf32, #tpu.memory_space<vmem>> -> memref<80x128xf32, #tpu.memory_space<vmem>>
    %dma_wait3A_302 = arith.constant 480 : i32
    %dma_wait3A_303 = tpu.memref_slice %arg6[%dma_wait3A_302] : memref<784xi32, #tpu.memory_space<vmem>> -> memref<80xi32, #tpu.memory_space<vmem>>
    %dma_wait3A_304 = arith.constant 0 : i32
    %dma_wait3A_305 = arith.constant 0 : i32
    %dma_wait3A_306 = tpu.memref_slice %arg4[%dma_wait3A_304, %dma_wait3A_305] : memref<100000x128xf32, #tpu.memory_space<hbm>> -> memref<100000x128xf32, #tpu.memory_space<hbm>>
    tpu.wait_indirect_dma semaphore(%arg15 : memref<!tpu.dma_semaphore, #tpu.memory_space<semaphore_mem>>) src(%dma_wait3A_306 : memref<100000x128xf32, #tpu.memory_space<hbm>>) dst(%dma_wait3A_301 : memref<80x128xf32, #tpu.memory_space<vmem>>)
    %add3A_307 = arith.constant 480 : i32
    %add3A_308 = arith.addi %multiple_of3A_9, %add3A_307 : i32
    %multiple_of3A_309 = tpu.assume_multiple %add3A_308, 8 : i32
    %dma_start3A_310 = arith.constant 6 : i32
    %dma_start3A_311 = arith.constant 0 : i32
    %dma_start3A_312 = arith.constant 0 : i32
    %dma_start3A_313 = tpu.memref_slice %arg8[%dma_start3A_310, %dma_start3A_311, %dma_start3A_312] : memref<8x80x128xf32, #tpu.memory_space<vmem>> -> memref<1x80x128xf32, #tpu.memory_space<vmem>>
    %dma_start3A_314 = tpu.memref_squeeze %dma_start3A_313 : memref<1x80x128xf32, #tpu.memory_space<vmem>> -> memref<80x128xf32, #tpu.memory_space<vmem>>
    %dma_start3A_315 = arith.constant 0 : i32
    %dma_start3A_316 = tpu.memref_slice %arg5[%multiple_of3A_309, %dma_start3A_315] : memref<26112x128xf32, #tpu.memory_space<hbm>> -> memref<80x128xf32, #tpu.memory_space<hbm>>
    %dma_start3A_317 = arith.constant 0 : i32
    %dma_start3A_318 = tpu.memref_slice %arg5[%multiple_of3A_309, %dma_start3A_317] : memref<26112x128xf32, #tpu.memory_space<hbm>> -> memref<80x128xf32, #tpu.memory_space<hbm>>
    %dma_start3A_319 = arith.constant 0 : i32
    %dma_start3A_320 = arith.constant 0 : i32
    %dma_start3A_321 = tpu.memref_slice %arg8[%dma_start3A_310, %dma_start3A_319, %dma_start3A_320] : memref<8x80x128xf32, #tpu.memory_space<vmem>> -> memref<1x80x128xf32, #tpu.memory_space<vmem>>
    %dma_start3A_322 = tpu.memref_squeeze %dma_start3A_321 : memref<1x80x128xf32, #tpu.memory_space<vmem>> -> memref<80x128xf32, #tpu.memory_space<vmem>>
    tpu.enqueue_dma source(%dma_start3A_322 : memref<80x128xf32, #tpu.memory_space<vmem>>) target(%dma_start3A_318 : memref<80x128xf32, #tpu.memory_space<hbm>>) target_semaphore(%arg23 : memref<!tpu.dma_semaphore, #tpu.memory_space<semaphore_mem>>)
    %dma_wait3A_323 = arith.constant 7 : i32
    %dma_wait3A_324 = arith.constant 0 : i32
    %dma_wait3A_325 = arith.constant 0 : i32
    %dma_wait3A_326 = tpu.memref_slice %arg8[%dma_wait3A_323, %dma_wait3A_324, %dma_wait3A_325] : memref<8x80x128xf32, #tpu.memory_space<vmem>> -> memref<1x80x128xf32, #tpu.memory_space<vmem>>
    %dma_wait3A_327 = tpu.memref_squeeze %dma_wait3A_326 : memref<1x80x128xf32, #tpu.memory_space<vmem>> -> memref<80x128xf32, #tpu.memory_space<vmem>>
    %dma_wait3A_328 = arith.constant 560 : i32
    %dma_wait3A_329 = tpu.memref_slice %arg6[%dma_wait3A_328] : memref<784xi32, #tpu.memory_space<vmem>> -> memref<80xi32, #tpu.memory_space<vmem>>
    %dma_wait3A_330 = arith.constant 0 : i32
    %dma_wait3A_331 = arith.constant 0 : i32
    %dma_wait3A_332 = tpu.memref_slice %arg4[%dma_wait3A_330, %dma_wait3A_331] : memref<100000x128xf32, #tpu.memory_space<hbm>> -> memref<100000x128xf32, #tpu.memory_space<hbm>>
    tpu.wait_indirect_dma semaphore(%arg16 : memref<!tpu.dma_semaphore, #tpu.memory_space<semaphore_mem>>) src(%dma_wait3A_332 : memref<100000x128xf32, #tpu.memory_space<hbm>>) dst(%dma_wait3A_327 : memref<80x128xf32, #tpu.memory_space<vmem>>)
    %add3A_333 = arith.constant 560 : i32
    %add3A_334 = arith.addi %multiple_of3A_9, %add3A_333 : i32
    %multiple_of3A_335 = tpu.assume_multiple %add3A_334, 8 : i32
    %dma_start3A_336 = arith.constant 7 : i32
    %dma_start3A_337 = arith.constant 0 : i32
    %dma_start3A_338 = arith.constant 0 : i32
    %dma_start3A_339 = tpu.memref_slice %arg8[%dma_start3A_336, %dma_start3A_337, %dma_start3A_338] : memref<8x80x128xf32, #tpu.memory_space<vmem>> -> memref<1x80x128xf32, #tpu.memory_space<vmem>>
    %dma_start3A_340 = tpu.memref_squeeze %dma_start3A_339 : memref<1x80x128xf32, #tpu.memory_space<vmem>> -> memref<80x128xf32, #tpu.memory_space<vmem>>
    %dma_start3A_341 = arith.constant 0 : i32
    %dma_start3A_342 = tpu.memref_slice %arg5[%multiple_of3A_335, %dma_start3A_341] : memref<26112x128xf32, #tpu.memory_space<hbm>> -> memref<80x128xf32, #tpu.memory_space<hbm>>
    %dma_start3A_343 = arith.constant 0 : i32
    %dma_start3A_344 = tpu.memref_slice %arg5[%multiple_of3A_335, %dma_start3A_343] : memref<26112x128xf32, #tpu.memory_space<hbm>> -> memref<80x128xf32, #tpu.memory_space<hbm>>
    %dma_start3A_345 = arith.constant 0 : i32
    %dma_start3A_346 = arith.constant 0 : i32
    %dma_start3A_347 = tpu.memref_slice %arg8[%dma_start3A_336, %dma_start3A_345, %dma_start3A_346] : memref<8x80x128xf32, #tpu.memory_space<vmem>> -> memref<1x80x128xf32, #tpu.memory_space<vmem>>
    %dma_start3A_348 = tpu.memref_squeeze %dma_start3A_347 : memref<1x80x128xf32, #tpu.memory_space<vmem>> -> memref<80x128xf32, #tpu.memory_space<vmem>>
    tpu.enqueue_dma source(%dma_start3A_348 : memref<80x128xf32, #tpu.memory_space<vmem>>) target(%dma_start3A_344 : memref<80x128xf32, #tpu.memory_space<hbm>>) target_semaphore(%arg24 : memref<!tpu.dma_semaphore, #tpu.memory_space<semaphore_mem>>)
    %dma_wait3A_349 = arith.constant 0 : i32
    %dma_wait3A_350 = arith.constant 0 : i32
    %dma_wait3A_351 = arith.constant 0 : i32
    %dma_wait3A_352 = tpu.memref_slice %arg8[%dma_wait3A_349, %dma_wait3A_350, %dma_wait3A_351] : memref<8x80x128xf32, #tpu.memory_space<vmem>> -> memref<1x80x128xf32, #tpu.memory_space<vmem>>
    %dma_wait3A_353 = tpu.memref_squeeze %dma_wait3A_352 : memref<1x80x128xf32, #tpu.memory_space<vmem>> -> memref<80x128xf32, #tpu.memory_space<vmem>>
    %dma_wait3A_354 = arith.constant 640 : i32
    %dma_wait3A_355 = tpu.memref_slice %arg6[%dma_wait3A_354] : memref<784xi32, #tpu.memory_space<vmem>> -> memref<80xi32, #tpu.memory_space<vmem>>
    %dma_wait3A_356 = arith.constant 0 : i32
    %dma_wait3A_357 = arith.constant 0 : i32
    %dma_wait3A_358 = tpu.memref_slice %arg4[%dma_wait3A_356, %dma_wait3A_357] : memref<100000x128xf32, #tpu.memory_space<hbm>> -> memref<100000x128xf32, #tpu.memory_space<hbm>>
    tpu.wait_indirect_dma semaphore(%arg9 : memref<!tpu.dma_semaphore, #tpu.memory_space<semaphore_mem>>) src(%dma_wait3A_358 : memref<100000x128xf32, #tpu.memory_space<hbm>>) dst(%dma_wait3A_353 : memref<80x128xf32, #tpu.memory_space<vmem>>)
    %add3A_359 = arith.constant 640 : i32
    %add3A_360 = arith.addi %multiple_of3A_9, %add3A_359 : i32
    %multiple_of3A_361 = tpu.assume_multiple %add3A_360, 8 : i32
    %dma_start3A_362 = arith.constant 0 : i32
    %dma_start3A_363 = arith.constant 0 : i32
    %dma_start3A_364 = arith.constant 0 : i32
    %dma_start3A_365 = tpu.memref_slice %arg8[%dma_start3A_362, %dma_start3A_363, %dma_start3A_364] : memref<8x80x128xf32, #tpu.memory_space<vmem>> -> memref<1x80x128xf32, #tpu.memory_space<vmem>>
    %dma_start3A_366 = tpu.memref_squeeze %dma_start3A_365 : memref<1x80x128xf32, #tpu.memory_space<vmem>> -> memref<80x128xf32, #tpu.memory_space<vmem>>
    %dma_start3A_367 = arith.constant 0 : i32
    %dma_start3A_368 = tpu.memref_slice %arg5[%multiple_of3A_361, %dma_start3A_367] : memref<26112x128xf32, #tpu.memory_space<hbm>> -> memref<80x128xf32, #tpu.memory_space<hbm>>
    %dma_start3A_369 = arith.constant 0 : i32
    %dma_start3A_370 = tpu.memref_slice %arg5[%multiple_of3A_361, %dma_start3A_369] : memref<26112x128xf32, #tpu.memory_space<hbm>> -> memref<80x128xf32, #tpu.memory_space<hbm>>
    %dma_start3A_371 = arith.constant 0 : i32
    %dma_start3A_372 = arith.constant 0 : i32
    %dma_start3A_373 = tpu.memref_slice %arg8[%dma_start3A_362, %dma_start3A_371, %dma_start3A_372] : memref<8x80x128xf32, #tpu.memory_space<vmem>> -> memref<1x80x128xf32, #tpu.memory_space<vmem>>
    %dma_start3A_374 = tpu.memref_squeeze %dma_start3A_373 : memref<1x80x128xf32, #tpu.memory_space<vmem>> -> memref<80x128xf32, #tpu.memory_space<vmem>>
    tpu.enqueue_dma source(%dma_start3A_374 : memref<80x128xf32, #tpu.memory_space<vmem>>) target(%dma_start3A_370 : memref<80x128xf32, #tpu.memory_space<hbm>>) target_semaphore(%arg17 : memref<!tpu.dma_semaphore, #tpu.memory_space<semaphore_mem>>)
    %dma_wait3A_375 = arith.constant 1 : i32
    %dma_wait3A_376 = arith.constant 0 : i32
    %dma_wait3A_377 = arith.constant 0 : i32
    %dma_wait3A_378 = tpu.memref_slice %arg8[%dma_wait3A_375, %dma_wait3A_376, %dma_wait3A_377] : memref<8x80x128xf32, #tpu.memory_space<vmem>> -> memref<1x64x128xf32, #tpu.memory_space<vmem>>
    %dma_wait3A_379 = tpu.memref_squeeze %dma_wait3A_378 : memref<1x64x128xf32, #tpu.memory_space<vmem>> -> memref<64x128xf32, #tpu.memory_space<vmem>>
    %dma_wait3A_380 = arith.constant 720 : i32
    %dma_wait3A_381 = tpu.memref_slice %arg6[%dma_wait3A_380] : memref<784xi32, #tpu.memory_space<vmem>> -> memref<64xi32, #tpu.memory_space<vmem>>
    %dma_wait3A_382 = arith.constant 0 : i32
    %dma_wait3A_383 = arith.constant 0 : i32
    %dma_wait3A_384 = tpu.memref_slice %arg4[%dma_wait3A_382, %dma_wait3A_383] : memref<100000x128xf32, #tpu.memory_space<hbm>> -> memref<100000x128xf32, #tpu.memory_space<hbm>>
    tpu.wait_indirect_dma semaphore(%arg10 : memref<!tpu.dma_semaphore, #tpu.memory_space<semaphore_mem>>) src(%dma_wait3A_384 : memref<100000x128xf32, #tpu.memory_space<hbm>>) dst(%dma_wait3A_379 : memref<64x128xf32, #tpu.memory_space<vmem>>)
    %add3A_385 = arith.constant 720 : i32
    %add3A_386 = arith.addi %multiple_of3A_9, %add3A_385 : i32
    %multiple_of3A_387 = tpu.assume_multiple %add3A_386, 8 : i32
    %dma_start3A_388 = arith.constant 1 : i32
    %dma_start3A_389 = arith.constant 0 : i32
    %dma_start3A_390 = arith.constant 0 : i32
    %dma_start3A_391 = tpu.memref_slice %arg8[%dma_start3A_388, %dma_start3A_389, %dma_start3A_390] : memref<8x80x128xf32, #tpu.memory_space<vmem>> -> memref<1x64x128xf32, #tpu.memory_space<vmem>>
    %dma_start3A_392 = tpu.memref_squeeze %dma_start3A_391 : memref<1x64x128xf32, #tpu.memory_space<vmem>> -> memref<64x128xf32, #tpu.memory_space<vmem>>
    %dma_start3A_393 = arith.constant 0 : i32
    %dma_start3A_394 = tpu.memref_slice %arg5[%multiple_of3A_387, %dma_start3A_393] : memref<26112x128xf32, #tpu.memory_space<hbm>> -> memref<64x128xf32, #tpu.memory_space<hbm>>
    %dma_start3A_395 = arith.constant 0 : i32
    %dma_start3A_396 = tpu.memref_slice %arg5[%multiple_of3A_387, %dma_start3A_395] : memref<26112x128xf32, #tpu.memory_space<hbm>> -> memref<64x128xf32, #tpu.memory_space<hbm>>
    %dma_start3A_397 = arith.constant 0 : i32
    %dma_start3A_398 = arith.constant 0 : i32
    %dma_start3A_399 = tpu.memref_slice %arg8[%dma_start3A_388, %dma_start3A_397, %dma_start3A_398] : memref<8x80x128xf32, #tpu.memory_space<vmem>> -> memref<1x64x128xf32, #tpu.memory_space<vmem>>
    %dma_start3A_400 = tpu.memref_squeeze %dma_start3A_399 : memref<1x64x128xf32, #tpu.memory_space<vmem>> -> memref<64x128xf32, #tpu.memory_space<vmem>>
    tpu.enqueue_dma source(%dma_start3A_400 : memref<64x128xf32, #tpu.memory_space<vmem>>) target(%dma_start3A_396 : memref<64x128xf32, #tpu.memory_space<hbm>>) target_semaphore(%arg18 : memref<!tpu.dma_semaphore, #tpu.memory_space<semaphore_mem>>)
    %dma_wait3A_401 = arith.constant 0 : i32
    %dma_wait3A_402 = arith.constant 0 : i32
    %dma_wait3A_403 = arith.constant 0 : i32
    %dma_wait3A_404 = tpu.memref_slice %arg8[%dma_wait3A_401, %dma_wait3A_402, %dma_wait3A_403] : memref<8x80x128xf32, #tpu.memory_space<vmem>> -> memref<1x80x128xf32, #tpu.memory_space<vmem>>
    %dma_wait3A_405 = tpu.memref_squeeze %dma_wait3A_404 : memref<1x80x128xf32, #tpu.memory_space<vmem>> -> memref<80x128xf32, #tpu.memory_space<vmem>>
    %dma_wait3A_406 = arith.constant 0 : i32
    %dma_wait3A_407 = tpu.memref_slice %arg5[%multiple_of3A_361, %dma_wait3A_406] : memref<26112x128xf32, #tpu.memory_space<hbm>> -> memref<80x128xf32, #tpu.memory_space<hbm>>
    %dma_wait3A_408 = arith.constant 0 : i32
    %dma_wait3A_409 = tpu.memref_slice %arg5[%multiple_of3A_361, %dma_wait3A_408] : memref<26112x128xf32, #tpu.memory_space<hbm>> -> memref<80x128xf32, #tpu.memory_space<hbm>>
    %dma_wait3A_410 = arith.constant 0 : i32
    %dma_wait3A_411 = arith.constant 0 : i32
    %dma_wait3A_412 = tpu.memref_slice %arg8[%dma_wait3A_401, %dma_wait3A_410, %dma_wait3A_411] : memref<8x80x128xf32, #tpu.memory_space<vmem>> -> memref<1x80x128xf32, #tpu.memory_space<vmem>>
    %dma_wait3A_413 = tpu.memref_squeeze %dma_wait3A_412 : memref<1x80x128xf32, #tpu.memory_space<vmem>> -> memref<80x128xf32, #tpu.memory_space<vmem>>
    tpu.wait_dma2 semaphore(%arg17 : memref<!tpu.dma_semaphore, #tpu.memory_space<semaphore_mem>>) src(%dma_wait3A_413 : memref<80x128xf32, #tpu.memory_space<vmem>>) dst(%dma_wait3A_409 : memref<80x128xf32, #tpu.memory_space<hbm>>)
    %dma_wait3A_414 = arith.constant 1 : i32
    %dma_wait3A_415 = arith.constant 0 : i32
    %dma_wait3A_416 = arith.constant 0 : i32
    %dma_wait3A_417 = tpu.memref_slice %arg8[%dma_wait3A_414, %dma_wait3A_415, %dma_wait3A_416] : memref<8x80x128xf32, #tpu.memory_space<vmem>> -> memref<1x64x128xf32, #tpu.memory_space<vmem>>
    %dma_wait3A_418 = tpu.memref_squeeze %dma_wait3A_417 : memref<1x64x128xf32, #tpu.memory_space<vmem>> -> memref<64x128xf32, #tpu.memory_space<vmem>>
    %dma_wait3A_419 = arith.constant 0 : i32
    %dma_wait3A_420 = tpu.memref_slice %arg5[%multiple_of3A_387, %dma_wait3A_419] : memref<26112x128xf32, #tpu.memory_space<hbm>> -> memref<64x128xf32, #tpu.memory_space<hbm>>
    %dma_wait3A_421 = arith.constant 0 : i32
    %dma_wait3A_422 = tpu.memref_slice %arg5[%multiple_of3A_387, %dma_wait3A_421] : memref<26112x128xf32, #tpu.memory_space<hbm>> -> memref<64x128xf32, #tpu.memory_space<hbm>>
    %dma_wait3A_423 = arith.constant 0 : i32
    %dma_wait3A_424 = arith.constant 0 : i32
    %dma_wait3A_425 = tpu.memref_slice %arg8[%dma_wait3A_414, %dma_wait3A_423, %dma_wait3A_424] : memref<8x80x128xf32, #tpu.memory_space<vmem>> -> memref<1x64x128xf32, #tpu.memory_space<vmem>>
    %dma_wait3A_426 = tpu.memref_squeeze %dma_wait3A_425 : memref<1x64x128xf32, #tpu.memory_space<vmem>> -> memref<64x128xf32, #tpu.memory_space<vmem>>
    tpu.wait_dma2 semaphore(%arg18 : memref<!tpu.dma_semaphore, #tpu.memory_space<semaphore_mem>>) src(%dma_wait3A_426 : memref<64x128xf32, #tpu.memory_space<vmem>>) dst(%dma_wait3A_422 : memref<64x128xf32, #tpu.memory_space<hbm>>)
    %dma_wait3A_427 = arith.constant 2 : i32
    %dma_wait3A_428 = arith.constant 0 : i32
    %dma_wait3A_429 = arith.constant 0 : i32
    %dma_wait3A_430 = tpu.memref_slice %arg8[%dma_wait3A_427, %dma_wait3A_428, %dma_wait3A_429] : memref<8x80x128xf32, #tpu.memory_space<vmem>> -> memref<1x80x128xf32, #tpu.memory_space<vmem>>
    %dma_wait3A_431 = tpu.memref_squeeze %dma_wait3A_430 : memref<1x80x128xf32, #tpu.memory_space<vmem>> -> memref<80x128xf32, #tpu.memory_space<vmem>>
    %dma_wait3A_432 = arith.constant 0 : i32
    %dma_wait3A_433 = tpu.memref_slice %arg5[%multiple_of3A_139, %dma_wait3A_432] : memref<26112x128xf32, #tpu.memory_space<hbm>> -> memref<80x128xf32, #tpu.memory_space<hbm>>
    %dma_wait3A_434 = arith.constant 0 : i32
    %dma_wait3A_435 = tpu.memref_slice %arg5[%multiple_of3A_139, %dma_wait3A_434] : memref<26112x128xf32, #tpu.memory_space<hbm>> -> memref<80x128xf32, #tpu.memory_space<hbm>>
    %dma_wait3A_436 = arith.constant 0 : i32
    %dma_wait3A_437 = arith.constant 0 : i32
    %dma_wait3A_438 = tpu.memref_slice %arg8[%dma_wait3A_427, %dma_wait3A_436, %dma_wait3A_437] : memref<8x80x128xf32, #tpu.memory_space<vmem>> -> memref<1x80x128xf32, #tpu.memory_space<vmem>>
    %dma_wait3A_439 = tpu.memref_squeeze %dma_wait3A_438 : memref<1x80x128xf32, #tpu.memory_space<vmem>> -> memref<80x128xf32, #tpu.memory_space<vmem>>
    tpu.wait_dma2 semaphore(%arg19 : memref<!tpu.dma_semaphore, #tpu.memory_space<semaphore_mem>>) src(%dma_wait3A_439 : memref<80x128xf32, #tpu.memory_space<vmem>>) dst(%dma_wait3A_435 : memref<80x128xf32, #tpu.memory_space<hbm>>)
    %dma_wait3A_440 = arith.constant 3 : i32
    %dma_wait3A_441 = arith.constant 0 : i32
    %dma_wait3A_442 = arith.constant 0 : i32
    %dma_wait3A_443 = tpu.memref_slice %arg8[%dma_wait3A_440, %dma_wait3A_441, %dma_wait3A_442] : memref<8x80x128xf32, #tpu.memory_space<vmem>> -> memref<1x80x128xf32, #tpu.memory_space<vmem>>
    %dma_wait3A_444 = tpu.memref_squeeze %dma_wait3A_443 : memref<1x80x128xf32, #tpu.memory_space<vmem>> -> memref<80x128xf32, #tpu.memory_space<vmem>>
    %dma_wait3A_445 = arith.constant 0 : i32
    %dma_wait3A_446 = tpu.memref_slice %arg5[%multiple_of3A_175, %dma_wait3A_445] : memref<26112x128xf32, #tpu.memory_space<hbm>> -> memref<80x128xf32, #tpu.memory_space<hbm>>
    %dma_wait3A_447 = arith.constant 0 : i32
    %dma_wait3A_448 = tpu.memref_slice %arg5[%multiple_of3A_175, %dma_wait3A_447] : memref<26112x128xf32, #tpu.memory_space<hbm>> -> memref<80x128xf32, #tpu.memory_space<hbm>>
    %dma_wait3A_449 = arith.constant 0 : i32
    %dma_wait3A_450 = arith.constant 0 : i32
    %dma_wait3A_451 = tpu.memref_slice %arg8[%dma_wait3A_440, %dma_wait3A_449, %dma_wait3A_450] : memref<8x80x128xf32, #tpu.memory_space<vmem>> -> memref<1x80x128xf32, #tpu.memory_space<vmem>>
    %dma_wait3A_452 = tpu.memref_squeeze %dma_wait3A_451 : memref<1x80x128xf32, #tpu.memory_space<vmem>> -> memref<80x128xf32, #tpu.memory_space<vmem>>
    tpu.wait_dma2 semaphore(%arg20 : memref<!tpu.dma_semaphore, #tpu.memory_space<semaphore_mem>>) src(%dma_wait3A_452 : memref<80x128xf32, #tpu.memory_space<vmem>>) dst(%dma_wait3A_448 : memref<80x128xf32, #tpu.memory_space<hbm>>)
    %dma_wait3A_453 = arith.constant 4 : i32
    %dma_wait3A_454 = arith.constant 0 : i32
    %dma_wait3A_455 = arith.constant 0 : i32
    %dma_wait3A_456 = tpu.memref_slice %arg8[%dma_wait3A_453, %dma_wait3A_454, %dma_wait3A_455] : memref<8x80x128xf32, #tpu.memory_space<vmem>> -> memref<1x80x128xf32, #tpu.memory_space<vmem>>
    %dma_wait3A_457 = tpu.memref_squeeze %dma_wait3A_456 : memref<1x80x128xf32, #tpu.memory_space<vmem>> -> memref<80x128xf32, #tpu.memory_space<vmem>>
    %dma_wait3A_458 = arith.constant 0 : i32
    %dma_wait3A_459 = tpu.memref_slice %arg5[%multiple_of3A_211, %dma_wait3A_458] : memref<26112x128xf32, #tpu.memory_space<hbm>> -> memref<80x128xf32, #tpu.memory_space<hbm>>
    %dma_wait3A_460 = arith.constant 0 : i32
    %dma_wait3A_461 = tpu.memref_slice %arg5[%multiple_of3A_211, %dma_wait3A_460] : memref<26112x128xf32, #tpu.memory_space<hbm>> -> memref<80x128xf32, #tpu.memory_space<hbm>>
    %dma_wait3A_462 = arith.constant 0 : i32
    %dma_wait3A_463 = arith.constant 0 : i32
    %dma_wait3A_464 = tpu.memref_slice %arg8[%dma_wait3A_453, %dma_wait3A_462, %dma_wait3A_463] : memref<8x80x128xf32, #tpu.memory_space<vmem>> -> memref<1x80x128xf32, #tpu.memory_space<vmem>>
    %dma_wait3A_465 = tpu.memref_squeeze %dma_wait3A_464 : memref<1x80x128xf32, #tpu.memory_space<vmem>> -> memref<80x128xf32, #tpu.memory_space<vmem>>
    tpu.wait_dma2 semaphore(%arg21 : memref<!tpu.dma_semaphore, #tpu.memory_space<semaphore_mem>>) src(%dma_wait3A_465 : memref<80x128xf32, #tpu.memory_space<vmem>>) dst(%dma_wait3A_461 : memref<80x128xf32, #tpu.memory_space<hbm>>)
    %dma_wait3A_466 = arith.constant 5 : i32
    %dma_wait3A_467 = arith.constant 0 : i32
    %dma_wait3A_468 = arith.constant 0 : i32
    %dma_wait3A_469 = tpu.memref_slice %arg8[%dma_wait3A_466, %dma_wait3A_467, %dma_wait3A_468] : memref<8x80x128xf32, #tpu.memory_space<vmem>> -> memref<1x80x128xf32, #tpu.memory_space<vmem>>
    %dma_wait3A_470 = tpu.memref_squeeze %dma_wait3A_469 : memref<1x80x128xf32, #tpu.memory_space<vmem>> -> memref<80x128xf32, #tpu.memory_space<vmem>>
    %dma_wait3A_471 = arith.constant 0 : i32
    %dma_wait3A_472 = tpu.memref_slice %arg5[%multiple_of3A_260, %dma_wait3A_471] : memref<26112x128xf32, #tpu.memory_space<hbm>> -> memref<80x128xf32, #tpu.memory_space<hbm>>
    %dma_wait3A_473 = arith.constant 0 : i32
    %dma_wait3A_474 = tpu.memref_slice %arg5[%multiple_of3A_260, %dma_wait3A_473] : memref<26112x128xf32, #tpu.memory_space<hbm>> -> memref<80x128xf32, #tpu.memory_space<hbm>>
    %dma_wait3A_475 = arith.constant 0 : i32
    %dma_wait3A_476 = arith.constant 0 : i32
    %dma_wait3A_477 = tpu.memref_slice %arg8[%dma_wait3A_466, %dma_wait3A_475, %dma_wait3A_476] : memref<8x80x128xf32, #tpu.memory_space<vmem>> -> memref<1x80x128xf32, #tpu.memory_space<vmem>>
    %dma_wait3A_478 = tpu.memref_squeeze %dma_wait3A_477 : memref<1x80x128xf32, #tpu.memory_space<vmem>> -> memref<80x128xf32, #tpu.memory_space<vmem>>
    tpu.wait_dma2 semaphore(%arg22 : memref<!tpu.dma_semaphore, #tpu.memory_space<semaphore_mem>>) src(%dma_wait3A_478 : memref<80x128xf32, #tpu.memory_space<vmem>>) dst(%dma_wait3A_474 : memref<80x128xf32, #tpu.memory_space<hbm>>)
    %dma_wait3A_479 = arith.constant 6 : i32
    %dma_wait3A_480 = arith.constant 0 : i32
    %dma_wait3A_481 = arith.constant 0 : i32
    %dma_wait3A_482 = tpu.memref_slice %arg8[%dma_wait3A_479, %dma_wait3A_480, %dma_wait3A_481] : memref<8x80x128xf32, #tpu.memory_space<vmem>> -> memref<1x80x128xf32, #tpu.memory_space<vmem>>
    %dma_wait3A_483 = tpu.memref_squeeze %dma_wait3A_482 : memref<1x80x128xf32, #tpu.memory_space<vmem>> -> memref<80x128xf32, #tpu.memory_space<vmem>>
    %dma_wait3A_484 = arith.constant 0 : i32
    %dma_wait3A_485 = tpu.memref_slice %arg5[%multiple_of3A_309, %dma_wait3A_484] : memref<26112x128xf32, #tpu.memory_space<hbm>> -> memref<80x128xf32, #tpu.memory_space<hbm>>
    %dma_wait3A_486 = arith.constant 0 : i32
    %dma_wait3A_487 = tpu.memref_slice %arg5[%multiple_of3A_309, %dma_wait3A_486] : memref<26112x128xf32, #tpu.memory_space<hbm>> -> memref<80x128xf32, #tpu.memory_space<hbm>>
    %dma_wait3A_488 = arith.constant 0 : i32
    %dma_wait3A_489 = arith.constant 0 : i32
    %dma_wait3A_490 = tpu.memref_slice %arg8[%dma_wait3A_479, %dma_wait3A_488, %dma_wait3A_489] : memref<8x80x128xf32, #tpu.memory_space<vmem>> -> memref<1x80x128xf32, #tpu.memory_space<vmem>>
    %dma_wait3A_491 = tpu.memref_squeeze %dma_wait3A_490 : memref<1x80x128xf32, #tpu.memory_space<vmem>> -> memref<80x128xf32, #tpu.memory_space<vmem>>
    tpu.wait_dma2 semaphore(%arg23 : memref<!tpu.dma_semaphore, #tpu.memory_space<semaphore_mem>>) src(%dma_wait3A_491 : memref<80x128xf32, #tpu.memory_space<vmem>>) dst(%dma_wait3A_487 : memref<80x128xf32, #tpu.memory_space<hbm>>)
    %dma_wait3A_492 = arith.constant 7 : i32
    %dma_wait3A_493 = arith.constant 0 : i32
    %dma_wait3A_494 = arith.constant 0 : i32
    %dma_wait3A_495 = tpu.memref_slice %arg8[%dma_wait3A_492, %dma_wait3A_493, %dma_wait3A_494] : memref<8x80x128xf32, #tpu.memory_space<vmem>> -> memref<1x80x128xf32, #tpu.memory_space<vmem>>
    %dma_wait3A_496 = tpu.memref_squeeze %dma_wait3A_495 : memref<1x80x128xf32, #tpu.memory_space<vmem>> -> memref<80x128xf32, #tpu.memory_space<vmem>>
    %dma_wait3A_497 = arith.constant 0 : i32
    %dma_wait3A_498 = tpu.memref_slice %arg5[%multiple_of3A_335, %dma_wait3A_497] : memref<26112x128xf32, #tpu.memory_space<hbm>> -> memref<80x128xf32, #tpu.memory_space<hbm>>
    %dma_wait3A_499 = arith.constant 0 : i32
    %dma_wait3A_500 = tpu.memref_slice %arg5[%multiple_of3A_335, %dma_wait3A_499] : memref<26112x128xf32, #tpu.memory_space<hbm>> -> memref<80x128xf32, #tpu.memory_space<hbm>>
    %dma_wait3A_501 = arith.constant 0 : i32
    %dma_wait3A_502 = arith.constant 0 : i32
    %dma_wait3A_503 = tpu.memref_slice %arg8[%dma_wait3A_492, %dma_wait3A_501, %dma_wait3A_502] : memref<8x80x128xf32, #tpu.memory_space<vmem>> -> memref<1x80x128xf32, #tpu.memory_space<vmem>>
    %dma_wait3A_504 = tpu.memref_squeeze %dma_wait3A_503 : memref<1x80x128xf32, #tpu.memory_space<vmem>> -> memref<80x128xf32, #tpu.memory_space<vmem>>
    tpu.wait_dma2 semaphore(%arg24 : memref<!tpu.dma_semaphore, #tpu.memory_space<semaphore_mem>>) src(%dma_wait3A_504 : memref<80x128xf32, #tpu.memory_space<vmem>>) dst(%dma_wait3A_500 : memref<80x128xf32, #tpu.memory_space<hbm>>)
    %dma_wait3A_505 = arith.constant 0 : i32
    %dma_wait3A_506 = tpu.memref_slice %arg5[%multiple_of3A_12, %dma_wait3A_505] : memref<26112x128xf32, #tpu.memory_space<hbm>> -> memref<32x128xf32, #tpu.memory_space<hbm>>
    %dma_wait3A_507 = arith.constant 0 : i32
    %dma_wait3A_508 = tpu.memref_slice %arg5[%multiple_of3A_12, %dma_wait3A_507] : memref<26112x128xf32, #tpu.memory_space<hbm>> -> memref<32x128xf32, #tpu.memory_space<hbm>>
    tpu.wait_dma2 semaphore(%arg25 : memref<!tpu.dma_semaphore, #tpu.memory_space<semaphore_mem>>) src(%arg7 : memref<32x128xf32, #tpu.memory_space<vmem>>) dst(%dma_wait3A_508 : memref<32x128xf32, #tpu.memory_space<hbm>>)
    return
  }
}

#map = affine_map<(d0, d1) -> (0)>
#map1 = affine_map<(d0, d1) -> (0, 0)>
module attributes {stable_mosaic.version = 14 : i64} {
  func.func @sc_kernel(%arg0: i32, %arg1: i32, %arg2: memref<51200xi32, #tpu.memory_space<hbm>>, %arg3: memref<1024x128xf32, #tpu.memory_space<hbm>>, %arg4: memref<100000x128xf32, #tpu.memory_space<hbm>>, %arg5: memref<26112x128xf32, #tpu.memory_space<hbm>>, %arg6: memref<816xi32, #tpu.memory_space<vmem>>, %arg7: memref<32x128xf32, #tpu.memory_space<vmem>>, %arg8: memref<8x80x128xf32, #tpu.memory_space<vmem>>, %arg9: memref<!tpu.dma_semaphore, #tpu.memory_space<semaphore_mem>>, %arg10: memref<!tpu.dma_semaphore, #tpu.memory_space<semaphore_mem>>, %arg11: memref<!tpu.dma_semaphore, #tpu.memory_space<semaphore_mem>>, %arg12: memref<!tpu.dma_semaphore, #tpu.memory_space<semaphore_mem>>, %arg13: memref<!tpu.dma_semaphore, #tpu.memory_space<semaphore_mem>>, %arg14: memref<!tpu.dma_semaphore, #tpu.memory_space<semaphore_mem>>, %arg15: memref<!tpu.dma_semaphore, #tpu.memory_space<semaphore_mem>>, %arg16: memref<!tpu.dma_semaphore, #tpu.memory_space<semaphore_mem>>, %arg17: memref<!tpu.dma_semaphore, #tpu.memory_space<semaphore_mem>>, %arg18: memref<!tpu.dma_semaphore, #tpu.memory_space<semaphore_mem>>, %arg19: memref<!tpu.dma_semaphore, #tpu.memory_space<semaphore_mem>>, %arg20: memref<!tpu.dma_semaphore, #tpu.memory_space<semaphore_mem>>, %arg21: memref<!tpu.dma_semaphore, #tpu.memory_space<semaphore_mem>>, %arg22: memref<!tpu.dma_semaphore, #tpu.memory_space<semaphore_mem>>, %arg23: memref<!tpu.dma_semaphore, #tpu.memory_space<semaphore_mem>>, %arg24: memref<!tpu.dma_semaphore, #tpu.memory_space<semaphore_mem>>, %arg25: memref<!tpu.dma_semaphore, #tpu.memory_space<semaphore_mem>>) attributes {dimension_semantics = [#tpu.dimension_semantics<core_parallel>, #tpu.dimension_semantics<subcore_parallel>], iteration_bounds = array<i64: 2, 16>, scalar_prefetch = 0 : i64, scratch_operands = 20 : i64, tpu.core_type = #tpu.core_type<sc_vector_subcore>, window_params = [{transform_indices = #map}, {transform_indices = #map1}, {transform_indices = #map1}, {transform_indices = #map1}]} {
    %mul3A = arith.constant 2 : i32
    %mul3A_0 = arith.muli %arg1, %mul3A : i32
    %add3A = arith.addi %mul3A_0, %arg0 : i32
    %mul3A_1 = arith.constant 816 : i32
    %mul3A_2 = arith.muli %add3A, %mul3A_1 : i32
    %add3A_3 = arith.constant 25088 : i32
    %add3A_4 = arith.addi %add3A_3, %mul3A_2 : i32
    %multiple_of3A = tpu.assume_multiple %add3A_4, 8 : i32
    %mul3A_5 = arith.constant 816 : i32
    %mul3A_6 = arith.muli %add3A, %mul3A_5 : i32
    %add3A_7 = arith.constant 0 : i32
    %add3A_8 = arith.addi %add3A_7, %mul3A_6 : i32
    %multiple_of3A_9 = tpu.assume_multiple %add3A_8, 8 : i32
    "tpu.region"() ({
      %run_scoped3A = tpu.sem_alloc : memref<!tpu.dma_semaphore, #tpu.memory_space<semaphore_mem>>
      %dma_start3A_547 = tpu.memref_slice %arg2[%multiple_of3A] : memref<51200xi32, #tpu.memory_space<hbm>> -> memref<816xi32, #tpu.memory_space<hbm>>
      %dma_start3A_548 = tpu.memref_slice %arg2[%multiple_of3A] : memref<51200xi32, #tpu.memory_space<hbm>> -> memref<816xi32, #tpu.memory_space<hbm>>
      tpu.enqueue_dma source(%dma_start3A_548 : memref<816xi32, #tpu.memory_space<hbm>>) target(%arg6 : memref<816xi32, #tpu.memory_space<vmem>>) target_semaphore(%run_scoped3A : memref<!tpu.dma_semaphore, #tpu.memory_space<semaphore_mem>>)
      %dma_wait3A_549 = tpu.memref_slice %arg2[%multiple_of3A] : memref<51200xi32, #tpu.memory_space<hbm>> -> memref<816xi32, #tpu.memory_space<hbm>>
      %dma_wait3A_550 = tpu.memref_slice %arg2[%multiple_of3A] : memref<51200xi32, #tpu.memory_space<hbm>> -> memref<816xi32, #tpu.memory_space<hbm>>
      tpu.wait_dma2 semaphore(%run_scoped3A : memref<!tpu.dma_semaphore, #tpu.memory_space<semaphore_mem>>) src(%dma_wait3A_550 : memref<816xi32, #tpu.memory_space<hbm>>) dst(%arg6 : memref<816xi32, #tpu.memory_space<vmem>>)
      tpu.yield
    }) : () -> ()
    %dma_start3A = arith.constant 0 : i32
    %dma_start3A_10 = arith.constant 0 : i32
    %dma_start3A_11 = arith.constant 0 : i32
    %dma_start3A_12 = tpu.memref_slice %arg8[%dma_start3A, %dma_start3A_10, %dma_start3A_11] : memref<8x80x128xf32, #tpu.memory_space<vmem>> -> memref<1x80x128xf32, #tpu.memory_space<vmem>>
    %dma_start3A_13 = tpu.memref_squeeze %dma_start3A_12 : memref<1x80x128xf32, #tpu.memory_space<vmem>> -> memref<80x128xf32, #tpu.memory_space<vmem>>
    %dma_start3A_14 = arith.constant 0 : i32
    %dma_start3A_15 = tpu.memref_slice %arg6[%dma_start3A_14] : memref<816xi32, #tpu.memory_space<vmem>> -> memref<80xi32, #tpu.memory_space<vmem>>
    %dma_start3A_16 = arith.constant 0 : i32
    %dma_start3A_17 = arith.constant 0 : i32
    %dma_start3A_18 = tpu.memref_slice %arg4[%dma_start3A_16, %dma_start3A_17] : memref<100000x128xf32, #tpu.memory_space<hbm>> -> memref<100000x128xf32, #tpu.memory_space<hbm>>
    tpu.enqueue_indirect_dma source(%dma_start3A_18 : memref<100000x128xf32, #tpu.memory_space<hbm>>) target(%dma_start3A_13 : memref<80x128xf32, #tpu.memory_space<vmem>>) offsets(%dma_start3A_15 : memref<80xi32, #tpu.memory_space<vmem>>) semaphore(%arg9 : memref<!tpu.dma_semaphore, #tpu.memory_space<semaphore_mem>>)
    %dma_start3A_19 = arith.constant 1 : i32
    %dma_start3A_20 = arith.constant 0 : i32
    %dma_start3A_21 = arith.constant 0 : i32
    %dma_start3A_22 = tpu.memref_slice %arg8[%dma_start3A_19, %dma_start3A_20, %dma_start3A_21] : memref<8x80x128xf32, #tpu.memory_space<vmem>> -> memref<1x80x128xf32, #tpu.memory_space<vmem>>
    %dma_start3A_23 = tpu.memref_squeeze %dma_start3A_22 : memref<1x80x128xf32, #tpu.memory_space<vmem>> -> memref<80x128xf32, #tpu.memory_space<vmem>>
    %dma_start3A_24 = arith.constant 80 : i32
    %dma_start3A_25 = tpu.memref_slice %arg6[%dma_start3A_24] : memref<816xi32, #tpu.memory_space<vmem>> -> memref<80xi32, #tpu.memory_space<vmem>>
    %dma_start3A_26 = arith.constant 0 : i32
    %dma_start3A_27 = arith.constant 0 : i32
    %dma_start3A_28 = tpu.memref_slice %arg4[%dma_start3A_26, %dma_start3A_27] : memref<100000x128xf32, #tpu.memory_space<hbm>> -> memref<100000x128xf32, #tpu.memory_space<hbm>>
    tpu.enqueue_indirect_dma source(%dma_start3A_28 : memref<100000x128xf32, #tpu.memory_space<hbm>>) target(%dma_start3A_23 : memref<80x128xf32, #tpu.memory_space<vmem>>) offsets(%dma_start3A_25 : memref<80xi32, #tpu.memory_space<vmem>>) semaphore(%arg10 : memref<!tpu.dma_semaphore, #tpu.memory_space<semaphore_mem>>)
    %dma_start3A_29 = arith.constant 2 : i32
    %dma_start3A_30 = arith.constant 0 : i32
    %dma_start3A_31 = arith.constant 0 : i32
    %dma_start3A_32 = tpu.memref_slice %arg8[%dma_start3A_29, %dma_start3A_30, %dma_start3A_31] : memref<8x80x128xf32, #tpu.memory_space<vmem>> -> memref<1x80x128xf32, #tpu.memory_space<vmem>>
    %dma_start3A_33 = tpu.memref_squeeze %dma_start3A_32 : memref<1x80x128xf32, #tpu.memory_space<vmem>> -> memref<80x128xf32, #tpu.memory_space<vmem>>
    %dma_start3A_34 = arith.constant 160 : i32
    %dma_start3A_35 = tpu.memref_slice %arg6[%dma_start3A_34] : memref<816xi32, #tpu.memory_space<vmem>> -> memref<80xi32, #tpu.memory_space<vmem>>
    %dma_start3A_36 = arith.constant 0 : i32
    %dma_start3A_37 = arith.constant 0 : i32
    %dma_start3A_38 = tpu.memref_slice %arg4[%dma_start3A_36, %dma_start3A_37] : memref<100000x128xf32, #tpu.memory_space<hbm>> -> memref<100000x128xf32, #tpu.memory_space<hbm>>
    tpu.enqueue_indirect_dma source(%dma_start3A_38 : memref<100000x128xf32, #tpu.memory_space<hbm>>) target(%dma_start3A_33 : memref<80x128xf32, #tpu.memory_space<vmem>>) offsets(%dma_start3A_35 : memref<80xi32, #tpu.memory_space<vmem>>) semaphore(%arg11 : memref<!tpu.dma_semaphore, #tpu.memory_space<semaphore_mem>>)
    %dma_start3A_39 = arith.constant 3 : i32
    %dma_start3A_40 = arith.constant 0 : i32
    %dma_start3A_41 = arith.constant 0 : i32
    %dma_start3A_42 = tpu.memref_slice %arg8[%dma_start3A_39, %dma_start3A_40, %dma_start3A_41] : memref<8x80x128xf32, #tpu.memory_space<vmem>> -> memref<1x80x128xf32, #tpu.memory_space<vmem>>
    %dma_start3A_43 = tpu.memref_squeeze %dma_start3A_42 : memref<1x80x128xf32, #tpu.memory_space<vmem>> -> memref<80x128xf32, #tpu.memory_space<vmem>>
    %dma_start3A_44 = arith.constant 240 : i32
    %dma_start3A_45 = tpu.memref_slice %arg6[%dma_start3A_44] : memref<816xi32, #tpu.memory_space<vmem>> -> memref<80xi32, #tpu.memory_space<vmem>>
    %dma_start3A_46 = arith.constant 0 : i32
    %dma_start3A_47 = arith.constant 0 : i32
    %dma_start3A_48 = tpu.memref_slice %arg4[%dma_start3A_46, %dma_start3A_47] : memref<100000x128xf32, #tpu.memory_space<hbm>> -> memref<100000x128xf32, #tpu.memory_space<hbm>>
    tpu.enqueue_indirect_dma source(%dma_start3A_48 : memref<100000x128xf32, #tpu.memory_space<hbm>>) target(%dma_start3A_43 : memref<80x128xf32, #tpu.memory_space<vmem>>) offsets(%dma_start3A_45 : memref<80xi32, #tpu.memory_space<vmem>>) semaphore(%arg12 : memref<!tpu.dma_semaphore, #tpu.memory_space<semaphore_mem>>)
    %dma_wait3A = arith.constant 0 : i32
    %dma_wait3A_49 = arith.constant 0 : i32
    %dma_wait3A_50 = arith.constant 0 : i32
    %dma_wait3A_51 = tpu.memref_slice %arg8[%dma_wait3A, %dma_wait3A_49, %dma_wait3A_50] : memref<8x80x128xf32, #tpu.memory_space<vmem>> -> memref<1x80x128xf32, #tpu.memory_space<vmem>>
    %dma_wait3A_52 = tpu.memref_squeeze %dma_wait3A_51 : memref<1x80x128xf32, #tpu.memory_space<vmem>> -> memref<80x128xf32, #tpu.memory_space<vmem>>
    %dma_wait3A_53 = arith.constant 0 : i32
    %dma_wait3A_54 = tpu.memref_slice %arg6[%dma_wait3A_53] : memref<816xi32, #tpu.memory_space<vmem>> -> memref<80xi32, #tpu.memory_space<vmem>>
    %dma_wait3A_55 = arith.constant 0 : i32
    %dma_wait3A_56 = arith.constant 0 : i32
    %dma_wait3A_57 = tpu.memref_slice %arg4[%dma_wait3A_55, %dma_wait3A_56] : memref<100000x128xf32, #tpu.memory_space<hbm>> -> memref<100000x128xf32, #tpu.memory_space<hbm>>
    tpu.wait_indirect_dma semaphore(%arg9 : memref<!tpu.dma_semaphore, #tpu.memory_space<semaphore_mem>>) src(%dma_wait3A_57 : memref<100000x128xf32, #tpu.memory_space<hbm>>) dst(%dma_wait3A_52 : memref<80x128xf32, #tpu.memory_space<vmem>>)
    %add3A_58 = arith.constant 0 : i32
    %add3A_59 = arith.addi %multiple_of3A_9, %add3A_58 : i32
    %multiple_of3A_60 = tpu.assume_multiple %add3A_59, 8 : i32
    %dma_start3A_61 = arith.constant 0 : i32
    %dma_start3A_62 = arith.constant 0 : i32
    %dma_start3A_63 = arith.constant 0 : i32
    %dma_start3A_64 = tpu.memref_slice %arg8[%dma_start3A_61, %dma_start3A_62, %dma_start3A_63] : memref<8x80x128xf32, #tpu.memory_space<vmem>> -> memref<1x80x128xf32, #tpu.memory_space<vmem>>
    %dma_start3A_65 = tpu.memref_squeeze %dma_start3A_64 : memref<1x80x128xf32, #tpu.memory_space<vmem>> -> memref<80x128xf32, #tpu.memory_space<vmem>>
    %dma_start3A_66 = arith.constant 0 : i32
    %dma_start3A_67 = tpu.memref_slice %arg5[%multiple_of3A_60, %dma_start3A_66] : memref<26112x128xf32, #tpu.memory_space<hbm>> -> memref<80x128xf32, #tpu.memory_space<hbm>>
    %dma_start3A_68 = arith.constant 0 : i32
    %dma_start3A_69 = tpu.memref_slice %arg5[%multiple_of3A_60, %dma_start3A_68] : memref<26112x128xf32, #tpu.memory_space<hbm>> -> memref<80x128xf32, #tpu.memory_space<hbm>>
    %dma_start3A_70 = arith.constant 0 : i32
    %dma_start3A_71 = arith.constant 0 : i32
    %dma_start3A_72 = tpu.memref_slice %arg8[%dma_start3A_61, %dma_start3A_70, %dma_start3A_71] : memref<8x80x128xf32, #tpu.memory_space<vmem>> -> memref<1x80x128xf32, #tpu.memory_space<vmem>>
    %dma_start3A_73 = tpu.memref_squeeze %dma_start3A_72 : memref<1x80x128xf32, #tpu.memory_space<vmem>> -> memref<80x128xf32, #tpu.memory_space<vmem>>
    tpu.enqueue_dma source(%dma_start3A_73 : memref<80x128xf32, #tpu.memory_space<vmem>>) target(%dma_start3A_69 : memref<80x128xf32, #tpu.memory_space<hbm>>) target_semaphore(%arg17 : memref<!tpu.dma_semaphore, #tpu.memory_space<semaphore_mem>>)
    %dma_start3A_74 = arith.constant 4 : i32
    %dma_start3A_75 = arith.constant 0 : i32
    %dma_start3A_76 = arith.constant 0 : i32
    %dma_start3A_77 = tpu.memref_slice %arg8[%dma_start3A_74, %dma_start3A_75, %dma_start3A_76] : memref<8x80x128xf32, #tpu.memory_space<vmem>> -> memref<1x80x128xf32, #tpu.memory_space<vmem>>
    %dma_start3A_78 = tpu.memref_squeeze %dma_start3A_77 : memref<1x80x128xf32, #tpu.memory_space<vmem>> -> memref<80x128xf32, #tpu.memory_space<vmem>>
    %dma_start3A_79 = arith.constant 320 : i32
    %dma_start3A_80 = tpu.memref_slice %arg6[%dma_start3A_79] : memref<816xi32, #tpu.memory_space<vmem>> -> memref<80xi32, #tpu.memory_space<vmem>>
    %dma_start3A_81 = arith.constant 0 : i32
    %dma_start3A_82 = arith.constant 0 : i32
    %dma_start3A_83 = tpu.memref_slice %arg4[%dma_start3A_81, %dma_start3A_82] : memref<100000x128xf32, #tpu.memory_space<hbm>> -> memref<100000x128xf32, #tpu.memory_space<hbm>>
    tpu.enqueue_indirect_dma source(%dma_start3A_83 : memref<100000x128xf32, #tpu.memory_space<hbm>>) target(%dma_start3A_78 : memref<80x128xf32, #tpu.memory_space<vmem>>) offsets(%dma_start3A_80 : memref<80xi32, #tpu.memory_space<vmem>>) semaphore(%arg13 : memref<!tpu.dma_semaphore, #tpu.memory_space<semaphore_mem>>)
    %dma_wait3A_84 = arith.constant 1 : i32
    %dma_wait3A_85 = arith.constant 0 : i32
    %dma_wait3A_86 = arith.constant 0 : i32
    %dma_wait3A_87 = tpu.memref_slice %arg8[%dma_wait3A_84, %dma_wait3A_85, %dma_wait3A_86] : memref<8x80x128xf32, #tpu.memory_space<vmem>> -> memref<1x80x128xf32, #tpu.memory_space<vmem>>
    %dma_wait3A_88 = tpu.memref_squeeze %dma_wait3A_87 : memref<1x80x128xf32, #tpu.memory_space<vmem>> -> memref<80x128xf32, #tpu.memory_space<vmem>>
    %dma_wait3A_89 = arith.constant 80 : i32
    %dma_wait3A_90 = tpu.memref_slice %arg6[%dma_wait3A_89] : memref<816xi32, #tpu.memory_space<vmem>> -> memref<80xi32, #tpu.memory_space<vmem>>
    %dma_wait3A_91 = arith.constant 0 : i32
    %dma_wait3A_92 = arith.constant 0 : i32
    %dma_wait3A_93 = tpu.memref_slice %arg4[%dma_wait3A_91, %dma_wait3A_92] : memref<100000x128xf32, #tpu.memory_space<hbm>> -> memref<100000x128xf32, #tpu.memory_space<hbm>>
    tpu.wait_indirect_dma semaphore(%arg10 : memref<!tpu.dma_semaphore, #tpu.memory_space<semaphore_mem>>) src(%dma_wait3A_93 : memref<100000x128xf32, #tpu.memory_space<hbm>>) dst(%dma_wait3A_88 : memref<80x128xf32, #tpu.memory_space<vmem>>)
    %add3A_94 = arith.constant 80 : i32
    %add3A_95 = arith.addi %multiple_of3A_9, %add3A_94 : i32
    %multiple_of3A_96 = tpu.assume_multiple %add3A_95, 8 : i32
    %dma_start3A_97 = arith.constant 1 : i32
    %dma_start3A_98 = arith.constant 0 : i32
    %dma_start3A_99 = arith.constant 0 : i32
    %dma_start3A_100 = tpu.memref_slice %arg8[%dma_start3A_97, %dma_start3A_98, %dma_start3A_99] : memref<8x80x128xf32, #tpu.memory_space<vmem>> -> memref<1x80x128xf32, #tpu.memory_space<vmem>>
    %dma_start3A_101 = tpu.memref_squeeze %dma_start3A_100 : memref<1x80x128xf32, #tpu.memory_space<vmem>> -> memref<80x128xf32, #tpu.memory_space<vmem>>
    %dma_start3A_102 = arith.constant 0 : i32
    %dma_start3A_103 = tpu.memref_slice %arg5[%multiple_of3A_96, %dma_start3A_102] : memref<26112x128xf32, #tpu.memory_space<hbm>> -> memref<80x128xf32, #tpu.memory_space<hbm>>
    %dma_start3A_104 = arith.constant 0 : i32
    %dma_start3A_105 = tpu.memref_slice %arg5[%multiple_of3A_96, %dma_start3A_104] : memref<26112x128xf32, #tpu.memory_space<hbm>> -> memref<80x128xf32, #tpu.memory_space<hbm>>
    %dma_start3A_106 = arith.constant 0 : i32
    %dma_start3A_107 = arith.constant 0 : i32
    %dma_start3A_108 = tpu.memref_slice %arg8[%dma_start3A_97, %dma_start3A_106, %dma_start3A_107] : memref<8x80x128xf32, #tpu.memory_space<vmem>> -> memref<1x80x128xf32, #tpu.memory_space<vmem>>
    %dma_start3A_109 = tpu.memref_squeeze %dma_start3A_108 : memref<1x80x128xf32, #tpu.memory_space<vmem>> -> memref<80x128xf32, #tpu.memory_space<vmem>>
    tpu.enqueue_dma source(%dma_start3A_109 : memref<80x128xf32, #tpu.memory_space<vmem>>) target(%dma_start3A_105 : memref<80x128xf32, #tpu.memory_space<hbm>>) target_semaphore(%arg18 : memref<!tpu.dma_semaphore, #tpu.memory_space<semaphore_mem>>)
    %dma_start3A_110 = arith.constant 5 : i32
    %dma_start3A_111 = arith.constant 0 : i32
    %dma_start3A_112 = arith.constant 0 : i32
    %dma_start3A_113 = tpu.memref_slice %arg8[%dma_start3A_110, %dma_start3A_111, %dma_start3A_112] : memref<8x80x128xf32, #tpu.memory_space<vmem>> -> memref<1x80x128xf32, #tpu.memory_space<vmem>>
    %dma_start3A_114 = tpu.memref_squeeze %dma_start3A_113 : memref<1x80x128xf32, #tpu.memory_space<vmem>> -> memref<80x128xf32, #tpu.memory_space<vmem>>
    %dma_start3A_115 = arith.constant 400 : i32
    %dma_start3A_116 = tpu.memref_slice %arg6[%dma_start3A_115] : memref<816xi32, #tpu.memory_space<vmem>> -> memref<80xi32, #tpu.memory_space<vmem>>
    %dma_start3A_117 = arith.constant 0 : i32
    %dma_start3A_118 = arith.constant 0 : i32
    %dma_start3A_119 = tpu.memref_slice %arg4[%dma_start3A_117, %dma_start3A_118] : memref<100000x128xf32, #tpu.memory_space<hbm>> -> memref<100000x128xf32, #tpu.memory_space<hbm>>
    tpu.enqueue_indirect_dma source(%dma_start3A_119 : memref<100000x128xf32, #tpu.memory_space<hbm>>) target(%dma_start3A_114 : memref<80x128xf32, #tpu.memory_space<vmem>>) offsets(%dma_start3A_116 : memref<80xi32, #tpu.memory_space<vmem>>) semaphore(%arg14 : memref<!tpu.dma_semaphore, #tpu.memory_space<semaphore_mem>>)
    %dma_wait3A_120 = arith.constant 2 : i32
    %dma_wait3A_121 = arith.constant 0 : i32
    %dma_wait3A_122 = arith.constant 0 : i32
    %dma_wait3A_123 = tpu.memref_slice %arg8[%dma_wait3A_120, %dma_wait3A_121, %dma_wait3A_122] : memref<8x80x128xf32, #tpu.memory_space<vmem>> -> memref<1x80x128xf32, #tpu.memory_space<vmem>>
    %dma_wait3A_124 = tpu.memref_squeeze %dma_wait3A_123 : memref<1x80x128xf32, #tpu.memory_space<vmem>> -> memref<80x128xf32, #tpu.memory_space<vmem>>
    %dma_wait3A_125 = arith.constant 160 : i32
    %dma_wait3A_126 = tpu.memref_slice %arg6[%dma_wait3A_125] : memref<816xi32, #tpu.memory_space<vmem>> -> memref<80xi32, #tpu.memory_space<vmem>>
    %dma_wait3A_127 = arith.constant 0 : i32
    %dma_wait3A_128 = arith.constant 0 : i32
    %dma_wait3A_129 = tpu.memref_slice %arg4[%dma_wait3A_127, %dma_wait3A_128] : memref<100000x128xf32, #tpu.memory_space<hbm>> -> memref<100000x128xf32, #tpu.memory_space<hbm>>
    tpu.wait_indirect_dma semaphore(%arg11 : memref<!tpu.dma_semaphore, #tpu.memory_space<semaphore_mem>>) src(%dma_wait3A_129 : memref<100000x128xf32, #tpu.memory_space<hbm>>) dst(%dma_wait3A_124 : memref<80x128xf32, #tpu.memory_space<vmem>>)
    %add3A_130 = arith.constant 160 : i32
    %add3A_131 = arith.addi %multiple_of3A_9, %add3A_130 : i32
    %multiple_of3A_132 = tpu.assume_multiple %add3A_131, 8 : i32
    %dma_start3A_133 = arith.constant 2 : i32
    %dma_start3A_134 = arith.constant 0 : i32
    %dma_start3A_135 = arith.constant 0 : i32
    %dma_start3A_136 = tpu.memref_slice %arg8[%dma_start3A_133, %dma_start3A_134, %dma_start3A_135] : memref<8x80x128xf32, #tpu.memory_space<vmem>> -> memref<1x80x128xf32, #tpu.memory_space<vmem>>
    %dma_start3A_137 = tpu.memref_squeeze %dma_start3A_136 : memref<1x80x128xf32, #tpu.memory_space<vmem>> -> memref<80x128xf32, #tpu.memory_space<vmem>>
    %dma_start3A_138 = arith.constant 0 : i32
    %dma_start3A_139 = tpu.memref_slice %arg5[%multiple_of3A_132, %dma_start3A_138] : memref<26112x128xf32, #tpu.memory_space<hbm>> -> memref<80x128xf32, #tpu.memory_space<hbm>>
    %dma_start3A_140 = arith.constant 0 : i32
    %dma_start3A_141 = tpu.memref_slice %arg5[%multiple_of3A_132, %dma_start3A_140] : memref<26112x128xf32, #tpu.memory_space<hbm>> -> memref<80x128xf32, #tpu.memory_space<hbm>>
    %dma_start3A_142 = arith.constant 0 : i32
    %dma_start3A_143 = arith.constant 0 : i32
    %dma_start3A_144 = tpu.memref_slice %arg8[%dma_start3A_133, %dma_start3A_142, %dma_start3A_143] : memref<8x80x128xf32, #tpu.memory_space<vmem>> -> memref<1x80x128xf32, #tpu.memory_space<vmem>>
    %dma_start3A_145 = tpu.memref_squeeze %dma_start3A_144 : memref<1x80x128xf32, #tpu.memory_space<vmem>> -> memref<80x128xf32, #tpu.memory_space<vmem>>
    tpu.enqueue_dma source(%dma_start3A_145 : memref<80x128xf32, #tpu.memory_space<vmem>>) target(%dma_start3A_141 : memref<80x128xf32, #tpu.memory_space<hbm>>) target_semaphore(%arg19 : memref<!tpu.dma_semaphore, #tpu.memory_space<semaphore_mem>>)
    %dma_start3A_146 = arith.constant 6 : i32
    %dma_start3A_147 = arith.constant 0 : i32
    %dma_start3A_148 = arith.constant 0 : i32
    %dma_start3A_149 = tpu.memref_slice %arg8[%dma_start3A_146, %dma_start3A_147, %dma_start3A_148] : memref<8x80x128xf32, #tpu.memory_space<vmem>> -> memref<1x80x128xf32, #tpu.memory_space<vmem>>
    %dma_start3A_150 = tpu.memref_squeeze %dma_start3A_149 : memref<1x80x128xf32, #tpu.memory_space<vmem>> -> memref<80x128xf32, #tpu.memory_space<vmem>>
    %dma_start3A_151 = arith.constant 480 : i32
    %dma_start3A_152 = tpu.memref_slice %arg6[%dma_start3A_151] : memref<816xi32, #tpu.memory_space<vmem>> -> memref<80xi32, #tpu.memory_space<vmem>>
    %dma_start3A_153 = arith.constant 0 : i32
    %dma_start3A_154 = arith.constant 0 : i32
    %dma_start3A_155 = tpu.memref_slice %arg4[%dma_start3A_153, %dma_start3A_154] : memref<100000x128xf32, #tpu.memory_space<hbm>> -> memref<100000x128xf32, #tpu.memory_space<hbm>>
    tpu.enqueue_indirect_dma source(%dma_start3A_155 : memref<100000x128xf32, #tpu.memory_space<hbm>>) target(%dma_start3A_150 : memref<80x128xf32, #tpu.memory_space<vmem>>) offsets(%dma_start3A_152 : memref<80xi32, #tpu.memory_space<vmem>>) semaphore(%arg15 : memref<!tpu.dma_semaphore, #tpu.memory_space<semaphore_mem>>)
    %dma_wait3A_156 = arith.constant 3 : i32
    %dma_wait3A_157 = arith.constant 0 : i32
    %dma_wait3A_158 = arith.constant 0 : i32
    %dma_wait3A_159 = tpu.memref_slice %arg8[%dma_wait3A_156, %dma_wait3A_157, %dma_wait3A_158] : memref<8x80x128xf32, #tpu.memory_space<vmem>> -> memref<1x80x128xf32, #tpu.memory_space<vmem>>
    %dma_wait3A_160 = tpu.memref_squeeze %dma_wait3A_159 : memref<1x80x128xf32, #tpu.memory_space<vmem>> -> memref<80x128xf32, #tpu.memory_space<vmem>>
    %dma_wait3A_161 = arith.constant 240 : i32
    %dma_wait3A_162 = tpu.memref_slice %arg6[%dma_wait3A_161] : memref<816xi32, #tpu.memory_space<vmem>> -> memref<80xi32, #tpu.memory_space<vmem>>
    %dma_wait3A_163 = arith.constant 0 : i32
    %dma_wait3A_164 = arith.constant 0 : i32
    %dma_wait3A_165 = tpu.memref_slice %arg4[%dma_wait3A_163, %dma_wait3A_164] : memref<100000x128xf32, #tpu.memory_space<hbm>> -> memref<100000x128xf32, #tpu.memory_space<hbm>>
    tpu.wait_indirect_dma semaphore(%arg12 : memref<!tpu.dma_semaphore, #tpu.memory_space<semaphore_mem>>) src(%dma_wait3A_165 : memref<100000x128xf32, #tpu.memory_space<hbm>>) dst(%dma_wait3A_160 : memref<80x128xf32, #tpu.memory_space<vmem>>)
    %add3A_166 = arith.constant 240 : i32
    %add3A_167 = arith.addi %multiple_of3A_9, %add3A_166 : i32
    %multiple_of3A_168 = tpu.assume_multiple %add3A_167, 8 : i32
    %dma_start3A_169 = arith.constant 3 : i32
    %dma_start3A_170 = arith.constant 0 : i32
    %dma_start3A_171 = arith.constant 0 : i32
    %dma_start3A_172 = tpu.memref_slice %arg8[%dma_start3A_169, %dma_start3A_170, %dma_start3A_171] : memref<8x80x128xf32, #tpu.memory_space<vmem>> -> memref<1x80x128xf32, #tpu.memory_space<vmem>>
    %dma_start3A_173 = tpu.memref_squeeze %dma_start3A_172 : memref<1x80x128xf32, #tpu.memory_space<vmem>> -> memref<80x128xf32, #tpu.memory_space<vmem>>
    %dma_start3A_174 = arith.constant 0 : i32
    %dma_start3A_175 = tpu.memref_slice %arg5[%multiple_of3A_168, %dma_start3A_174] : memref<26112x128xf32, #tpu.memory_space<hbm>> -> memref<80x128xf32, #tpu.memory_space<hbm>>
    %dma_start3A_176 = arith.constant 0 : i32
    %dma_start3A_177 = tpu.memref_slice %arg5[%multiple_of3A_168, %dma_start3A_176] : memref<26112x128xf32, #tpu.memory_space<hbm>> -> memref<80x128xf32, #tpu.memory_space<hbm>>
    %dma_start3A_178 = arith.constant 0 : i32
    %dma_start3A_179 = arith.constant 0 : i32
    %dma_start3A_180 = tpu.memref_slice %arg8[%dma_start3A_169, %dma_start3A_178, %dma_start3A_179] : memref<8x80x128xf32, #tpu.memory_space<vmem>> -> memref<1x80x128xf32, #tpu.memory_space<vmem>>
    %dma_start3A_181 = tpu.memref_squeeze %dma_start3A_180 : memref<1x80x128xf32, #tpu.memory_space<vmem>> -> memref<80x128xf32, #tpu.memory_space<vmem>>
    tpu.enqueue_dma source(%dma_start3A_181 : memref<80x128xf32, #tpu.memory_space<vmem>>) target(%dma_start3A_177 : memref<80x128xf32, #tpu.memory_space<hbm>>) target_semaphore(%arg20 : memref<!tpu.dma_semaphore, #tpu.memory_space<semaphore_mem>>)
    %dma_start3A_182 = arith.constant 7 : i32
    %dma_start3A_183 = arith.constant 0 : i32
    %dma_start3A_184 = arith.constant 0 : i32
    %dma_start3A_185 = tpu.memref_slice %arg8[%dma_start3A_182, %dma_start3A_183, %dma_start3A_184] : memref<8x80x128xf32, #tpu.memory_space<vmem>> -> memref<1x80x128xf32, #tpu.memory_space<vmem>>
    %dma_start3A_186 = tpu.memref_squeeze %dma_start3A_185 : memref<1x80x128xf32, #tpu.memory_space<vmem>> -> memref<80x128xf32, #tpu.memory_space<vmem>>
    %dma_start3A_187 = arith.constant 560 : i32
    %dma_start3A_188 = tpu.memref_slice %arg6[%dma_start3A_187] : memref<816xi32, #tpu.memory_space<vmem>> -> memref<80xi32, #tpu.memory_space<vmem>>
    %dma_start3A_189 = arith.constant 0 : i32
    %dma_start3A_190 = arith.constant 0 : i32
    %dma_start3A_191 = tpu.memref_slice %arg4[%dma_start3A_189, %dma_start3A_190] : memref<100000x128xf32, #tpu.memory_space<hbm>> -> memref<100000x128xf32, #tpu.memory_space<hbm>>
    tpu.enqueue_indirect_dma source(%dma_start3A_191 : memref<100000x128xf32, #tpu.memory_space<hbm>>) target(%dma_start3A_186 : memref<80x128xf32, #tpu.memory_space<vmem>>) offsets(%dma_start3A_188 : memref<80xi32, #tpu.memory_space<vmem>>) semaphore(%arg16 : memref<!tpu.dma_semaphore, #tpu.memory_space<semaphore_mem>>)
    %dma_wait3A_192 = arith.constant 4 : i32
    %dma_wait3A_193 = arith.constant 0 : i32
    %dma_wait3A_194 = arith.constant 0 : i32
    %dma_wait3A_195 = tpu.memref_slice %arg8[%dma_wait3A_192, %dma_wait3A_193, %dma_wait3A_194] : memref<8x80x128xf32, #tpu.memory_space<vmem>> -> memref<1x80x128xf32, #tpu.memory_space<vmem>>
    %dma_wait3A_196 = tpu.memref_squeeze %dma_wait3A_195 : memref<1x80x128xf32, #tpu.memory_space<vmem>> -> memref<80x128xf32, #tpu.memory_space<vmem>>
    %dma_wait3A_197 = arith.constant 320 : i32
    %dma_wait3A_198 = tpu.memref_slice %arg6[%dma_wait3A_197] : memref<816xi32, #tpu.memory_space<vmem>> -> memref<80xi32, #tpu.memory_space<vmem>>
    %dma_wait3A_199 = arith.constant 0 : i32
    %dma_wait3A_200 = arith.constant 0 : i32
    %dma_wait3A_201 = tpu.memref_slice %arg4[%dma_wait3A_199, %dma_wait3A_200] : memref<100000x128xf32, #tpu.memory_space<hbm>> -> memref<100000x128xf32, #tpu.memory_space<hbm>>
    tpu.wait_indirect_dma semaphore(%arg13 : memref<!tpu.dma_semaphore, #tpu.memory_space<semaphore_mem>>) src(%dma_wait3A_201 : memref<100000x128xf32, #tpu.memory_space<hbm>>) dst(%dma_wait3A_196 : memref<80x128xf32, #tpu.memory_space<vmem>>)
    %add3A_202 = arith.constant 320 : i32
    %add3A_203 = arith.addi %multiple_of3A_9, %add3A_202 : i32
    %multiple_of3A_204 = tpu.assume_multiple %add3A_203, 8 : i32
    %dma_start3A_205 = arith.constant 4 : i32
    %dma_start3A_206 = arith.constant 0 : i32
    %dma_start3A_207 = arith.constant 0 : i32
    %dma_start3A_208 = tpu.memref_slice %arg8[%dma_start3A_205, %dma_start3A_206, %dma_start3A_207] : memref<8x80x128xf32, #tpu.memory_space<vmem>> -> memref<1x80x128xf32, #tpu.memory_space<vmem>>
    %dma_start3A_209 = tpu.memref_squeeze %dma_start3A_208 : memref<1x80x128xf32, #tpu.memory_space<vmem>> -> memref<80x128xf32, #tpu.memory_space<vmem>>
    %dma_start3A_210 = arith.constant 0 : i32
    %dma_start3A_211 = tpu.memref_slice %arg5[%multiple_of3A_204, %dma_start3A_210] : memref<26112x128xf32, #tpu.memory_space<hbm>> -> memref<80x128xf32, #tpu.memory_space<hbm>>
    %dma_start3A_212 = arith.constant 0 : i32
    %dma_start3A_213 = tpu.memref_slice %arg5[%multiple_of3A_204, %dma_start3A_212] : memref<26112x128xf32, #tpu.memory_space<hbm>> -> memref<80x128xf32, #tpu.memory_space<hbm>>
    %dma_start3A_214 = arith.constant 0 : i32
    %dma_start3A_215 = arith.constant 0 : i32
    %dma_start3A_216 = tpu.memref_slice %arg8[%dma_start3A_205, %dma_start3A_214, %dma_start3A_215] : memref<8x80x128xf32, #tpu.memory_space<vmem>> -> memref<1x80x128xf32, #tpu.memory_space<vmem>>
    %dma_start3A_217 = tpu.memref_squeeze %dma_start3A_216 : memref<1x80x128xf32, #tpu.memory_space<vmem>> -> memref<80x128xf32, #tpu.memory_space<vmem>>
    tpu.enqueue_dma source(%dma_start3A_217 : memref<80x128xf32, #tpu.memory_space<vmem>>) target(%dma_start3A_213 : memref<80x128xf32, #tpu.memory_space<hbm>>) target_semaphore(%arg21 : memref<!tpu.dma_semaphore, #tpu.memory_space<semaphore_mem>>)
    %dma_wait3A_218 = arith.constant 0 : i32
    %dma_wait3A_219 = arith.constant 0 : i32
    %dma_wait3A_220 = arith.constant 0 : i32
    %dma_wait3A_221 = tpu.memref_slice %arg8[%dma_wait3A_218, %dma_wait3A_219, %dma_wait3A_220] : memref<8x80x128xf32, #tpu.memory_space<vmem>> -> memref<1x80x128xf32, #tpu.memory_space<vmem>>
    %dma_wait3A_222 = tpu.memref_squeeze %dma_wait3A_221 : memref<1x80x128xf32, #tpu.memory_space<vmem>> -> memref<80x128xf32, #tpu.memory_space<vmem>>
    %dma_wait3A_223 = arith.constant 0 : i32
    %dma_wait3A_224 = tpu.memref_slice %arg5[%multiple_of3A_60, %dma_wait3A_223] : memref<26112x128xf32, #tpu.memory_space<hbm>> -> memref<80x128xf32, #tpu.memory_space<hbm>>
    %dma_wait3A_225 = arith.constant 0 : i32
    %dma_wait3A_226 = tpu.memref_slice %arg5[%multiple_of3A_60, %dma_wait3A_225] : memref<26112x128xf32, #tpu.memory_space<hbm>> -> memref<80x128xf32, #tpu.memory_space<hbm>>
    %dma_wait3A_227 = arith.constant 0 : i32
    %dma_wait3A_228 = arith.constant 0 : i32
    %dma_wait3A_229 = tpu.memref_slice %arg8[%dma_wait3A_218, %dma_wait3A_227, %dma_wait3A_228] : memref<8x80x128xf32, #tpu.memory_space<vmem>> -> memref<1x80x128xf32, #tpu.memory_space<vmem>>
    %dma_wait3A_230 = tpu.memref_squeeze %dma_wait3A_229 : memref<1x80x128xf32, #tpu.memory_space<vmem>> -> memref<80x128xf32, #tpu.memory_space<vmem>>
    tpu.wait_dma2 semaphore(%arg17 : memref<!tpu.dma_semaphore, #tpu.memory_space<semaphore_mem>>) src(%dma_wait3A_230 : memref<80x128xf32, #tpu.memory_space<vmem>>) dst(%dma_wait3A_226 : memref<80x128xf32, #tpu.memory_space<hbm>>)
    %dma_start3A_231 = arith.constant 0 : i32
    %dma_start3A_232 = arith.constant 0 : i32
    %dma_start3A_233 = arith.constant 0 : i32
    %dma_start3A_234 = tpu.memref_slice %arg8[%dma_start3A_231, %dma_start3A_232, %dma_start3A_233] : memref<8x80x128xf32, #tpu.memory_space<vmem>> -> memref<1x80x128xf32, #tpu.memory_space<vmem>>
    %dma_start3A_235 = tpu.memref_squeeze %dma_start3A_234 : memref<1x80x128xf32, #tpu.memory_space<vmem>> -> memref<80x128xf32, #tpu.memory_space<vmem>>
    %dma_start3A_236 = arith.constant 640 : i32
    %dma_start3A_237 = tpu.memref_slice %arg6[%dma_start3A_236] : memref<816xi32, #tpu.memory_space<vmem>> -> memref<80xi32, #tpu.memory_space<vmem>>
    %dma_start3A_238 = arith.constant 0 : i32
    %dma_start3A_239 = arith.constant 0 : i32
    %dma_start3A_240 = tpu.memref_slice %arg4[%dma_start3A_238, %dma_start3A_239] : memref<100000x128xf32, #tpu.memory_space<hbm>> -> memref<100000x128xf32, #tpu.memory_space<hbm>>
    tpu.enqueue_indirect_dma source(%dma_start3A_240 : memref<100000x128xf32, #tpu.memory_space<hbm>>) target(%dma_start3A_235 : memref<80x128xf32, #tpu.memory_space<vmem>>) offsets(%dma_start3A_237 : memref<80xi32, #tpu.memory_space<vmem>>) semaphore(%arg9 : memref<!tpu.dma_semaphore, #tpu.memory_space<semaphore_mem>>)
    %dma_wait3A_241 = arith.constant 5 : i32
    %dma_wait3A_242 = arith.constant 0 : i32
    %dma_wait3A_243 = arith.constant 0 : i32
    %dma_wait3A_244 = tpu.memref_slice %arg8[%dma_wait3A_241, %dma_wait3A_242, %dma_wait3A_243] : memref<8x80x128xf32, #tpu.memory_space<vmem>> -> memref<1x80x128xf32, #tpu.memory_space<vmem>>
    %dma_wait3A_245 = tpu.memref_squeeze %dma_wait3A_244 : memref<1x80x128xf32, #tpu.memory_space<vmem>> -> memref<80x128xf32, #tpu.memory_space<vmem>>
    %dma_wait3A_246 = arith.constant 400 : i32
    %dma_wait3A_247 = tpu.memref_slice %arg6[%dma_wait3A_246] : memref<816xi32, #tpu.memory_space<vmem>> -> memref<80xi32, #tpu.memory_space<vmem>>
    %dma_wait3A_248 = arith.constant 0 : i32
    %dma_wait3A_249 = arith.constant 0 : i32
    %dma_wait3A_250 = tpu.memref_slice %arg4[%dma_wait3A_248, %dma_wait3A_249] : memref<100000x128xf32, #tpu.memory_space<hbm>> -> memref<100000x128xf32, #tpu.memory_space<hbm>>
    tpu.wait_indirect_dma semaphore(%arg14 : memref<!tpu.dma_semaphore, #tpu.memory_space<semaphore_mem>>) src(%dma_wait3A_250 : memref<100000x128xf32, #tpu.memory_space<hbm>>) dst(%dma_wait3A_245 : memref<80x128xf32, #tpu.memory_space<vmem>>)
    %add3A_251 = arith.constant 400 : i32
    %add3A_252 = arith.addi %multiple_of3A_9, %add3A_251 : i32
    %multiple_of3A_253 = tpu.assume_multiple %add3A_252, 8 : i32
    %dma_start3A_254 = arith.constant 5 : i32
    %dma_start3A_255 = arith.constant 0 : i32
    %dma_start3A_256 = arith.constant 0 : i32
    %dma_start3A_257 = tpu.memref_slice %arg8[%dma_start3A_254, %dma_start3A_255, %dma_start3A_256] : memref<8x80x128xf32, #tpu.memory_space<vmem>> -> memref<1x80x128xf32, #tpu.memory_space<vmem>>
    %dma_start3A_258 = tpu.memref_squeeze %dma_start3A_257 : memref<1x80x128xf32, #tpu.memory_space<vmem>> -> memref<80x128xf32, #tpu.memory_space<vmem>>
    %dma_start3A_259 = arith.constant 0 : i32
    %dma_start3A_260 = tpu.memref_slice %arg5[%multiple_of3A_253, %dma_start3A_259] : memref<26112x128xf32, #tpu.memory_space<hbm>> -> memref<80x128xf32, #tpu.memory_space<hbm>>
    %dma_start3A_261 = arith.constant 0 : i32
    %dma_start3A_262 = tpu.memref_slice %arg5[%multiple_of3A_253, %dma_start3A_261] : memref<26112x128xf32, #tpu.memory_space<hbm>> -> memref<80x128xf32, #tpu.memory_space<hbm>>
    %dma_start3A_263 = arith.constant 0 : i32
    %dma_start3A_264 = arith.constant 0 : i32
    %dma_start3A_265 = tpu.memref_slice %arg8[%dma_start3A_254, %dma_start3A_263, %dma_start3A_264] : memref<8x80x128xf32, #tpu.memory_space<vmem>> -> memref<1x80x128xf32, #tpu.memory_space<vmem>>
    %dma_start3A_266 = tpu.memref_squeeze %dma_start3A_265 : memref<1x80x128xf32, #tpu.memory_space<vmem>> -> memref<80x128xf32, #tpu.memory_space<vmem>>
    tpu.enqueue_dma source(%dma_start3A_266 : memref<80x128xf32, #tpu.memory_space<vmem>>) target(%dma_start3A_262 : memref<80x128xf32, #tpu.memory_space<hbm>>) target_semaphore(%arg22 : memref<!tpu.dma_semaphore, #tpu.memory_space<semaphore_mem>>)
    %dma_wait3A_267 = arith.constant 1 : i32
    %dma_wait3A_268 = arith.constant 0 : i32
    %dma_wait3A_269 = arith.constant 0 : i32
    %dma_wait3A_270 = tpu.memref_slice %arg8[%dma_wait3A_267, %dma_wait3A_268, %dma_wait3A_269] : memref<8x80x128xf32, #tpu.memory_space<vmem>> -> memref<1x80x128xf32, #tpu.memory_space<vmem>>
    %dma_wait3A_271 = tpu.memref_squeeze %dma_wait3A_270 : memref<1x80x128xf32, #tpu.memory_space<vmem>> -> memref<80x128xf32, #tpu.memory_space<vmem>>
    %dma_wait3A_272 = arith.constant 0 : i32
    %dma_wait3A_273 = tpu.memref_slice %arg5[%multiple_of3A_96, %dma_wait3A_272] : memref<26112x128xf32, #tpu.memory_space<hbm>> -> memref<80x128xf32, #tpu.memory_space<hbm>>
    %dma_wait3A_274 = arith.constant 0 : i32
    %dma_wait3A_275 = tpu.memref_slice %arg5[%multiple_of3A_96, %dma_wait3A_274] : memref<26112x128xf32, #tpu.memory_space<hbm>> -> memref<80x128xf32, #tpu.memory_space<hbm>>
    %dma_wait3A_276 = arith.constant 0 : i32
    %dma_wait3A_277 = arith.constant 0 : i32
    %dma_wait3A_278 = tpu.memref_slice %arg8[%dma_wait3A_267, %dma_wait3A_276, %dma_wait3A_277] : memref<8x80x128xf32, #tpu.memory_space<vmem>> -> memref<1x80x128xf32, #tpu.memory_space<vmem>>
    %dma_wait3A_279 = tpu.memref_squeeze %dma_wait3A_278 : memref<1x80x128xf32, #tpu.memory_space<vmem>> -> memref<80x128xf32, #tpu.memory_space<vmem>>
    tpu.wait_dma2 semaphore(%arg18 : memref<!tpu.dma_semaphore, #tpu.memory_space<semaphore_mem>>) src(%dma_wait3A_279 : memref<80x128xf32, #tpu.memory_space<vmem>>) dst(%dma_wait3A_275 : memref<80x128xf32, #tpu.memory_space<hbm>>)
    %dma_start3A_280 = arith.constant 1 : i32
    %dma_start3A_281 = arith.constant 0 : i32
    %dma_start3A_282 = arith.constant 0 : i32
    %dma_start3A_283 = tpu.memref_slice %arg8[%dma_start3A_280, %dma_start3A_281, %dma_start3A_282] : memref<8x80x128xf32, #tpu.memory_space<vmem>> -> memref<1x80x128xf32, #tpu.memory_space<vmem>>
    %dma_start3A_284 = tpu.memref_squeeze %dma_start3A_283 : memref<1x80x128xf32, #tpu.memory_space<vmem>> -> memref<80x128xf32, #tpu.memory_space<vmem>>
    %dma_start3A_285 = arith.constant 720 : i32
    %dma_start3A_286 = tpu.memref_slice %arg6[%dma_start3A_285] : memref<816xi32, #tpu.memory_space<vmem>> -> memref<80xi32, #tpu.memory_space<vmem>>
    %dma_start3A_287 = arith.constant 0 : i32
    %dma_start3A_288 = arith.constant 0 : i32
    %dma_start3A_289 = tpu.memref_slice %arg4[%dma_start3A_287, %dma_start3A_288] : memref<100000x128xf32, #tpu.memory_space<hbm>> -> memref<100000x128xf32, #tpu.memory_space<hbm>>
    tpu.enqueue_indirect_dma source(%dma_start3A_289 : memref<100000x128xf32, #tpu.memory_space<hbm>>) target(%dma_start3A_284 : memref<80x128xf32, #tpu.memory_space<vmem>>) offsets(%dma_start3A_286 : memref<80xi32, #tpu.memory_space<vmem>>) semaphore(%arg10 : memref<!tpu.dma_semaphore, #tpu.memory_space<semaphore_mem>>)
    %dma_wait3A_290 = arith.constant 6 : i32
    %dma_wait3A_291 = arith.constant 0 : i32
    %dma_wait3A_292 = arith.constant 0 : i32
    %dma_wait3A_293 = tpu.memref_slice %arg8[%dma_wait3A_290, %dma_wait3A_291, %dma_wait3A_292] : memref<8x80x128xf32, #tpu.memory_space<vmem>> -> memref<1x80x128xf32, #tpu.memory_space<vmem>>
    %dma_wait3A_294 = tpu.memref_squeeze %dma_wait3A_293 : memref<1x80x128xf32, #tpu.memory_space<vmem>> -> memref<80x128xf32, #tpu.memory_space<vmem>>
    %dma_wait3A_295 = arith.constant 480 : i32
    %dma_wait3A_296 = tpu.memref_slice %arg6[%dma_wait3A_295] : memref<816xi32, #tpu.memory_space<vmem>> -> memref<80xi32, #tpu.memory_space<vmem>>
    %dma_wait3A_297 = arith.constant 0 : i32
    %dma_wait3A_298 = arith.constant 0 : i32
    %dma_wait3A_299 = tpu.memref_slice %arg4[%dma_wait3A_297, %dma_wait3A_298] : memref<100000x128xf32, #tpu.memory_space<hbm>> -> memref<100000x128xf32, #tpu.memory_space<hbm>>
    tpu.wait_indirect_dma semaphore(%arg15 : memref<!tpu.dma_semaphore, #tpu.memory_space<semaphore_mem>>) src(%dma_wait3A_299 : memref<100000x128xf32, #tpu.memory_space<hbm>>) dst(%dma_wait3A_294 : memref<80x128xf32, #tpu.memory_space<vmem>>)
    %add3A_300 = arith.constant 480 : i32
    %add3A_301 = arith.addi %multiple_of3A_9, %add3A_300 : i32
    %multiple_of3A_302 = tpu.assume_multiple %add3A_301, 8 : i32
    %dma_start3A_303 = arith.constant 6 : i32
    %dma_start3A_304 = arith.constant 0 : i32
    %dma_start3A_305 = arith.constant 0 : i32
    %dma_start3A_306 = tpu.memref_slice %arg8[%dma_start3A_303, %dma_start3A_304, %dma_start3A_305] : memref<8x80x128xf32, #tpu.memory_space<vmem>> -> memref<1x80x128xf32, #tpu.memory_space<vmem>>
    %dma_start3A_307 = tpu.memref_squeeze %dma_start3A_306 : memref<1x80x128xf32, #tpu.memory_space<vmem>> -> memref<80x128xf32, #tpu.memory_space<vmem>>
    %dma_start3A_308 = arith.constant 0 : i32
    %dma_start3A_309 = tpu.memref_slice %arg5[%multiple_of3A_302, %dma_start3A_308] : memref<26112x128xf32, #tpu.memory_space<hbm>> -> memref<80x128xf32, #tpu.memory_space<hbm>>
    %dma_start3A_310 = arith.constant 0 : i32
    %dma_start3A_311 = tpu.memref_slice %arg5[%multiple_of3A_302, %dma_start3A_310] : memref<26112x128xf32, #tpu.memory_space<hbm>> -> memref<80x128xf32, #tpu.memory_space<hbm>>
    %dma_start3A_312 = arith.constant 0 : i32
    %dma_start3A_313 = arith.constant 0 : i32
    %dma_start3A_314 = tpu.memref_slice %arg8[%dma_start3A_303, %dma_start3A_312, %dma_start3A_313] : memref<8x80x128xf32, #tpu.memory_space<vmem>> -> memref<1x80x128xf32, #tpu.memory_space<vmem>>
    %dma_start3A_315 = tpu.memref_squeeze %dma_start3A_314 : memref<1x80x128xf32, #tpu.memory_space<vmem>> -> memref<80x128xf32, #tpu.memory_space<vmem>>
    tpu.enqueue_dma source(%dma_start3A_315 : memref<80x128xf32, #tpu.memory_space<vmem>>) target(%dma_start3A_311 : memref<80x128xf32, #tpu.memory_space<hbm>>) target_semaphore(%arg23 : memref<!tpu.dma_semaphore, #tpu.memory_space<semaphore_mem>>)
    %dma_wait3A_316 = arith.constant 2 : i32
    %dma_wait3A_317 = arith.constant 0 : i32
    %dma_wait3A_318 = arith.constant 0 : i32
    %dma_wait3A_319 = tpu.memref_slice %arg8[%dma_wait3A_316, %dma_wait3A_317, %dma_wait3A_318] : memref<8x80x128xf32, #tpu.memory_space<vmem>> -> memref<1x80x128xf32, #tpu.memory_space<vmem>>
    %dma_wait3A_320 = tpu.memref_squeeze %dma_wait3A_319 : memref<1x80x128xf32, #tpu.memory_space<vmem>> -> memref<80x128xf32, #tpu.memory_space<vmem>>
    %dma_wait3A_321 = arith.constant 0 : i32
    %dma_wait3A_322 = tpu.memref_slice %arg5[%multiple_of3A_132, %dma_wait3A_321] : memref<26112x128xf32, #tpu.memory_space<hbm>> -> memref<80x128xf32, #tpu.memory_space<hbm>>
    %dma_wait3A_323 = arith.constant 0 : i32
    %dma_wait3A_324 = tpu.memref_slice %arg5[%multiple_of3A_132, %dma_wait3A_323] : memref<26112x128xf32, #tpu.memory_space<hbm>> -> memref<80x128xf32, #tpu.memory_space<hbm>>
    %dma_wait3A_325 = arith.constant 0 : i32
    %dma_wait3A_326 = arith.constant 0 : i32
    %dma_wait3A_327 = tpu.memref_slice %arg8[%dma_wait3A_316, %dma_wait3A_325, %dma_wait3A_326] : memref<8x80x128xf32, #tpu.memory_space<vmem>> -> memref<1x80x128xf32, #tpu.memory_space<vmem>>
    %dma_wait3A_328 = tpu.memref_squeeze %dma_wait3A_327 : memref<1x80x128xf32, #tpu.memory_space<vmem>> -> memref<80x128xf32, #tpu.memory_space<vmem>>
    tpu.wait_dma2 semaphore(%arg19 : memref<!tpu.dma_semaphore, #tpu.memory_space<semaphore_mem>>) src(%dma_wait3A_328 : memref<80x128xf32, #tpu.memory_space<vmem>>) dst(%dma_wait3A_324 : memref<80x128xf32, #tpu.memory_space<hbm>>)
    %dma_start3A_329 = arith.constant 2 : i32
    %dma_start3A_330 = arith.constant 0 : i32
    %dma_start3A_331 = arith.constant 0 : i32
    %dma_start3A_332 = tpu.memref_slice %arg8[%dma_start3A_329, %dma_start3A_330, %dma_start3A_331] : memref<8x80x128xf32, #tpu.memory_space<vmem>> -> memref<1x16x128xf32, #tpu.memory_space<vmem>>
    %dma_start3A_333 = tpu.memref_squeeze %dma_start3A_332 : memref<1x16x128xf32, #tpu.memory_space<vmem>> -> memref<16x128xf32, #tpu.memory_space<vmem>>
    %dma_start3A_334 = arith.constant 800 : i32
    %dma_start3A_335 = tpu.memref_slice %arg6[%dma_start3A_334] : memref<816xi32, #tpu.memory_space<vmem>> -> memref<16xi32, #tpu.memory_space<vmem>>
    %dma_start3A_336 = arith.constant 0 : i32
    %dma_start3A_337 = arith.constant 0 : i32
    %dma_start3A_338 = tpu.memref_slice %arg4[%dma_start3A_336, %dma_start3A_337] : memref<100000x128xf32, #tpu.memory_space<hbm>> -> memref<100000x128xf32, #tpu.memory_space<hbm>>
    tpu.enqueue_indirect_dma source(%dma_start3A_338 : memref<100000x128xf32, #tpu.memory_space<hbm>>) target(%dma_start3A_333 : memref<16x128xf32, #tpu.memory_space<vmem>>) offsets(%dma_start3A_335 : memref<16xi32, #tpu.memory_space<vmem>>) semaphore(%arg11 : memref<!tpu.dma_semaphore, #tpu.memory_space<semaphore_mem>>)
    %dma_wait3A_339 = arith.constant 7 : i32
    %dma_wait3A_340 = arith.constant 0 : i32
    %dma_wait3A_341 = arith.constant 0 : i32
    %dma_wait3A_342 = tpu.memref_slice %arg8[%dma_wait3A_339, %dma_wait3A_340, %dma_wait3A_341] : memref<8x80x128xf32, #tpu.memory_space<vmem>> -> memref<1x80x128xf32, #tpu.memory_space<vmem>>
    %dma_wait3A_343 = tpu.memref_squeeze %dma_wait3A_342 : memref<1x80x128xf32, #tpu.memory_space<vmem>> -> memref<80x128xf32, #tpu.memory_space<vmem>>
    %dma_wait3A_344 = arith.constant 560 : i32
    %dma_wait3A_345 = tpu.memref_slice %arg6[%dma_wait3A_344] : memref<816xi32, #tpu.memory_space<vmem>> -> memref<80xi32, #tpu.memory_space<vmem>>
    %dma_wait3A_346 = arith.constant 0 : i32
    %dma_wait3A_347 = arith.constant 0 : i32
    %dma_wait3A_348 = tpu.memref_slice %arg4[%dma_wait3A_346, %dma_wait3A_347] : memref<100000x128xf32, #tpu.memory_space<hbm>> -> memref<100000x128xf32, #tpu.memory_space<hbm>>
    tpu.wait_indirect_dma semaphore(%arg16 : memref<!tpu.dma_semaphore, #tpu.memory_space<semaphore_mem>>) src(%dma_wait3A_348 : memref<100000x128xf32, #tpu.memory_space<hbm>>) dst(%dma_wait3A_343 : memref<80x128xf32, #tpu.memory_space<vmem>>)
    %add3A_349 = arith.constant 560 : i32
    %add3A_350 = arith.addi %multiple_of3A_9, %add3A_349 : i32
    %multiple_of3A_351 = tpu.assume_multiple %add3A_350, 8 : i32
    %dma_start3A_352 = arith.constant 7 : i32
    %dma_start3A_353 = arith.constant 0 : i32
    %dma_start3A_354 = arith.constant 0 : i32
    %dma_start3A_355 = tpu.memref_slice %arg8[%dma_start3A_352, %dma_start3A_353, %dma_start3A_354] : memref<8x80x128xf32, #tpu.memory_space<vmem>> -> memref<1x80x128xf32, #tpu.memory_space<vmem>>
    %dma_start3A_356 = tpu.memref_squeeze %dma_start3A_355 : memref<1x80x128xf32, #tpu.memory_space<vmem>> -> memref<80x128xf32, #tpu.memory_space<vmem>>
    %dma_start3A_357 = arith.constant 0 : i32
    %dma_start3A_358 = tpu.memref_slice %arg5[%multiple_of3A_351, %dma_start3A_357] : memref<26112x128xf32, #tpu.memory_space<hbm>> -> memref<80x128xf32, #tpu.memory_space<hbm>>
    %dma_start3A_359 = arith.constant 0 : i32
    %dma_start3A_360 = tpu.memref_slice %arg5[%multiple_of3A_351, %dma_start3A_359] : memref<26112x128xf32, #tpu.memory_space<hbm>> -> memref<80x128xf32, #tpu.memory_space<hbm>>
    %dma_start3A_361 = arith.constant 0 : i32
    %dma_start3A_362 = arith.constant 0 : i32
    %dma_start3A_363 = tpu.memref_slice %arg8[%dma_start3A_352, %dma_start3A_361, %dma_start3A_362] : memref<8x80x128xf32, #tpu.memory_space<vmem>> -> memref<1x80x128xf32, #tpu.memory_space<vmem>>
    %dma_start3A_364 = tpu.memref_squeeze %dma_start3A_363 : memref<1x80x128xf32, #tpu.memory_space<vmem>> -> memref<80x128xf32, #tpu.memory_space<vmem>>
    tpu.enqueue_dma source(%dma_start3A_364 : memref<80x128xf32, #tpu.memory_space<vmem>>) target(%dma_start3A_360 : memref<80x128xf32, #tpu.memory_space<hbm>>) target_semaphore(%arg24 : memref<!tpu.dma_semaphore, #tpu.memory_space<semaphore_mem>>)
    %dma_wait3A_365 = arith.constant 0 : i32
    %dma_wait3A_366 = arith.constant 0 : i32
    %dma_wait3A_367 = arith.constant 0 : i32
    %dma_wait3A_368 = tpu.memref_slice %arg8[%dma_wait3A_365, %dma_wait3A_366, %dma_wait3A_367] : memref<8x80x128xf32, #tpu.memory_space<vmem>> -> memref<1x80x128xf32, #tpu.memory_space<vmem>>
    %dma_wait3A_369 = tpu.memref_squeeze %dma_wait3A_368 : memref<1x80x128xf32, #tpu.memory_space<vmem>> -> memref<80x128xf32, #tpu.memory_space<vmem>>
    %dma_wait3A_370 = arith.constant 640 : i32
    %dma_wait3A_371 = tpu.memref_slice %arg6[%dma_wait3A_370] : memref<816xi32, #tpu.memory_space<vmem>> -> memref<80xi32, #tpu.memory_space<vmem>>
    %dma_wait3A_372 = arith.constant 0 : i32
    %dma_wait3A_373 = arith.constant 0 : i32
    %dma_wait3A_374 = tpu.memref_slice %arg4[%dma_wait3A_372, %dma_wait3A_373] : memref<100000x128xf32, #tpu.memory_space<hbm>> -> memref<100000x128xf32, #tpu.memory_space<hbm>>
    tpu.wait_indirect_dma semaphore(%arg9 : memref<!tpu.dma_semaphore, #tpu.memory_space<semaphore_mem>>) src(%dma_wait3A_374 : memref<100000x128xf32, #tpu.memory_space<hbm>>) dst(%dma_wait3A_369 : memref<80x128xf32, #tpu.memory_space<vmem>>)
    %add3A_375 = arith.constant 640 : i32
    %add3A_376 = arith.addi %multiple_of3A_9, %add3A_375 : i32
    %multiple_of3A_377 = tpu.assume_multiple %add3A_376, 8 : i32
    %dma_start3A_378 = arith.constant 0 : i32
    %dma_start3A_379 = arith.constant 0 : i32
    %dma_start3A_380 = arith.constant 0 : i32
    %dma_start3A_381 = tpu.memref_slice %arg8[%dma_start3A_378, %dma_start3A_379, %dma_start3A_380] : memref<8x80x128xf32, #tpu.memory_space<vmem>> -> memref<1x80x128xf32, #tpu.memory_space<vmem>>
    %dma_start3A_382 = tpu.memref_squeeze %dma_start3A_381 : memref<1x80x128xf32, #tpu.memory_space<vmem>> -> memref<80x128xf32, #tpu.memory_space<vmem>>
    %dma_start3A_383 = arith.constant 0 : i32
    %dma_start3A_384 = tpu.memref_slice %arg5[%multiple_of3A_377, %dma_start3A_383] : memref<26112x128xf32, #tpu.memory_space<hbm>> -> memref<80x128xf32, #tpu.memory_space<hbm>>
    %dma_start3A_385 = arith.constant 0 : i32
    %dma_start3A_386 = tpu.memref_slice %arg5[%multiple_of3A_377, %dma_start3A_385] : memref<26112x128xf32, #tpu.memory_space<hbm>> -> memref<80x128xf32, #tpu.memory_space<hbm>>
    %dma_start3A_387 = arith.constant 0 : i32
    %dma_start3A_388 = arith.constant 0 : i32
    %dma_start3A_389 = tpu.memref_slice %arg8[%dma_start3A_378, %dma_start3A_387, %dma_start3A_388] : memref<8x80x128xf32, #tpu.memory_space<vmem>> -> memref<1x80x128xf32, #tpu.memory_space<vmem>>
    %dma_start3A_390 = tpu.memref_squeeze %dma_start3A_389 : memref<1x80x128xf32, #tpu.memory_space<vmem>> -> memref<80x128xf32, #tpu.memory_space<vmem>>
    tpu.enqueue_dma source(%dma_start3A_390 : memref<80x128xf32, #tpu.memory_space<vmem>>) target(%dma_start3A_386 : memref<80x128xf32, #tpu.memory_space<hbm>>) target_semaphore(%arg17 : memref<!tpu.dma_semaphore, #tpu.memory_space<semaphore_mem>>)
    %dma_wait3A_391 = arith.constant 1 : i32
    %dma_wait3A_392 = arith.constant 0 : i32
    %dma_wait3A_393 = arith.constant 0 : i32
    %dma_wait3A_394 = tpu.memref_slice %arg8[%dma_wait3A_391, %dma_wait3A_392, %dma_wait3A_393] : memref<8x80x128xf32, #tpu.memory_space<vmem>> -> memref<1x80x128xf32, #tpu.memory_space<vmem>>
    %dma_wait3A_395 = tpu.memref_squeeze %dma_wait3A_394 : memref<1x80x128xf32, #tpu.memory_space<vmem>> -> memref<80x128xf32, #tpu.memory_space<vmem>>
    %dma_wait3A_396 = arith.constant 720 : i32
    %dma_wait3A_397 = tpu.memref_slice %arg6[%dma_wait3A_396] : memref<816xi32, #tpu.memory_space<vmem>> -> memref<80xi32, #tpu.memory_space<vmem>>
    %dma_wait3A_398 = arith.constant 0 : i32
    %dma_wait3A_399 = arith.constant 0 : i32
    %dma_wait3A_400 = tpu.memref_slice %arg4[%dma_wait3A_398, %dma_wait3A_399] : memref<100000x128xf32, #tpu.memory_space<hbm>> -> memref<100000x128xf32, #tpu.memory_space<hbm>>
    tpu.wait_indirect_dma semaphore(%arg10 : memref<!tpu.dma_semaphore, #tpu.memory_space<semaphore_mem>>) src(%dma_wait3A_400 : memref<100000x128xf32, #tpu.memory_space<hbm>>) dst(%dma_wait3A_395 : memref<80x128xf32, #tpu.memory_space<vmem>>)
    %add3A_401 = arith.constant 720 : i32
    %add3A_402 = arith.addi %multiple_of3A_9, %add3A_401 : i32
    %multiple_of3A_403 = tpu.assume_multiple %add3A_402, 8 : i32
    %dma_start3A_404 = arith.constant 1 : i32
    %dma_start3A_405 = arith.constant 0 : i32
    %dma_start3A_406 = arith.constant 0 : i32
    %dma_start3A_407 = tpu.memref_slice %arg8[%dma_start3A_404, %dma_start3A_405, %dma_start3A_406] : memref<8x80x128xf32, #tpu.memory_space<vmem>> -> memref<1x80x128xf32, #tpu.memory_space<vmem>>
    %dma_start3A_408 = tpu.memref_squeeze %dma_start3A_407 : memref<1x80x128xf32, #tpu.memory_space<vmem>> -> memref<80x128xf32, #tpu.memory_space<vmem>>
    %dma_start3A_409 = arith.constant 0 : i32
    %dma_start3A_410 = tpu.memref_slice %arg5[%multiple_of3A_403, %dma_start3A_409] : memref<26112x128xf32, #tpu.memory_space<hbm>> -> memref<80x128xf32, #tpu.memory_space<hbm>>
    %dma_start3A_411 = arith.constant 0 : i32
    %dma_start3A_412 = tpu.memref_slice %arg5[%multiple_of3A_403, %dma_start3A_411] : memref<26112x128xf32, #tpu.memory_space<hbm>> -> memref<80x128xf32, #tpu.memory_space<hbm>>
    %dma_start3A_413 = arith.constant 0 : i32
    %dma_start3A_414 = arith.constant 0 : i32
    %dma_start3A_415 = tpu.memref_slice %arg8[%dma_start3A_404, %dma_start3A_413, %dma_start3A_414] : memref<8x80x128xf32, #tpu.memory_space<vmem>> -> memref<1x80x128xf32, #tpu.memory_space<vmem>>
    %dma_start3A_416 = tpu.memref_squeeze %dma_start3A_415 : memref<1x80x128xf32, #tpu.memory_space<vmem>> -> memref<80x128xf32, #tpu.memory_space<vmem>>
    tpu.enqueue_dma source(%dma_start3A_416 : memref<80x128xf32, #tpu.memory_space<vmem>>) target(%dma_start3A_412 : memref<80x128xf32, #tpu.memory_space<hbm>>) target_semaphore(%arg18 : memref<!tpu.dma_semaphore, #tpu.memory_space<semaphore_mem>>)
    %dma_wait3A_417 = arith.constant 2 : i32
    %dma_wait3A_418 = arith.constant 0 : i32
    %dma_wait3A_419 = arith.constant 0 : i32
    %dma_wait3A_420 = tpu.memref_slice %arg8[%dma_wait3A_417, %dma_wait3A_418, %dma_wait3A_419] : memref<8x80x128xf32, #tpu.memory_space<vmem>> -> memref<1x16x128xf32, #tpu.memory_space<vmem>>
    %dma_wait3A_421 = tpu.memref_squeeze %dma_wait3A_420 : memref<1x16x128xf32, #tpu.memory_space<vmem>> -> memref<16x128xf32, #tpu.memory_space<vmem>>
    %dma_wait3A_422 = arith.constant 800 : i32
    %dma_wait3A_423 = tpu.memref_slice %arg6[%dma_wait3A_422] : memref<816xi32, #tpu.memory_space<vmem>> -> memref<16xi32, #tpu.memory_space<vmem>>
    %dma_wait3A_424 = arith.constant 0 : i32
    %dma_wait3A_425 = arith.constant 0 : i32
    %dma_wait3A_426 = tpu.memref_slice %arg4[%dma_wait3A_424, %dma_wait3A_425] : memref<100000x128xf32, #tpu.memory_space<hbm>> -> memref<100000x128xf32, #tpu.memory_space<hbm>>
    tpu.wait_indirect_dma semaphore(%arg11 : memref<!tpu.dma_semaphore, #tpu.memory_space<semaphore_mem>>) src(%dma_wait3A_426 : memref<100000x128xf32, #tpu.memory_space<hbm>>) dst(%dma_wait3A_421 : memref<16x128xf32, #tpu.memory_space<vmem>>)
    %add3A_427 = arith.constant 800 : i32
    %add3A_428 = arith.addi %multiple_of3A_9, %add3A_427 : i32
    %multiple_of3A_429 = tpu.assume_multiple %add3A_428, 8 : i32
    %dma_start3A_430 = arith.constant 2 : i32
    %dma_start3A_431 = arith.constant 0 : i32
    %dma_start3A_432 = arith.constant 0 : i32
    %dma_start3A_433 = tpu.memref_slice %arg8[%dma_start3A_430, %dma_start3A_431, %dma_start3A_432] : memref<8x80x128xf32, #tpu.memory_space<vmem>> -> memref<1x16x128xf32, #tpu.memory_space<vmem>>
    %dma_start3A_434 = tpu.memref_squeeze %dma_start3A_433 : memref<1x16x128xf32, #tpu.memory_space<vmem>> -> memref<16x128xf32, #tpu.memory_space<vmem>>
    %dma_start3A_435 = arith.constant 0 : i32
    %dma_start3A_436 = tpu.memref_slice %arg5[%multiple_of3A_429, %dma_start3A_435] : memref<26112x128xf32, #tpu.memory_space<hbm>> -> memref<16x128xf32, #tpu.memory_space<hbm>>
    %dma_start3A_437 = arith.constant 0 : i32
    %dma_start3A_438 = tpu.memref_slice %arg5[%multiple_of3A_429, %dma_start3A_437] : memref<26112x128xf32, #tpu.memory_space<hbm>> -> memref<16x128xf32, #tpu.memory_space<hbm>>
    %dma_start3A_439 = arith.constant 0 : i32
    %dma_start3A_440 = arith.constant 0 : i32
    %dma_start3A_441 = tpu.memref_slice %arg8[%dma_start3A_430, %dma_start3A_439, %dma_start3A_440] : memref<8x80x128xf32, #tpu.memory_space<vmem>> -> memref<1x16x128xf32, #tpu.memory_space<vmem>>
    %dma_start3A_442 = tpu.memref_squeeze %dma_start3A_441 : memref<1x16x128xf32, #tpu.memory_space<vmem>> -> memref<16x128xf32, #tpu.memory_space<vmem>>
    tpu.enqueue_dma source(%dma_start3A_442 : memref<16x128xf32, #tpu.memory_space<vmem>>) target(%dma_start3A_438 : memref<16x128xf32, #tpu.memory_space<hbm>>) target_semaphore(%arg19 : memref<!tpu.dma_semaphore, #tpu.memory_space<semaphore_mem>>)
    %dma_wait3A_443 = arith.constant 0 : i32
    %dma_wait3A_444 = arith.constant 0 : i32
    %dma_wait3A_445 = arith.constant 0 : i32
    %dma_wait3A_446 = tpu.memref_slice %arg8[%dma_wait3A_443, %dma_wait3A_444, %dma_wait3A_445] : memref<8x80x128xf32, #tpu.memory_space<vmem>> -> memref<1x80x128xf32, #tpu.memory_space<vmem>>
    %dma_wait3A_447 = tpu.memref_squeeze %dma_wait3A_446 : memref<1x80x128xf32, #tpu.memory_space<vmem>> -> memref<80x128xf32, #tpu.memory_space<vmem>>
    %dma_wait3A_448 = arith.constant 0 : i32
    %dma_wait3A_449 = tpu.memref_slice %arg5[%multiple_of3A_377, %dma_wait3A_448] : memref<26112x128xf32, #tpu.memory_space<hbm>> -> memref<80x128xf32, #tpu.memory_space<hbm>>
    %dma_wait3A_450 = arith.constant 0 : i32
    %dma_wait3A_451 = tpu.memref_slice %arg5[%multiple_of3A_377, %dma_wait3A_450] : memref<26112x128xf32, #tpu.memory_space<hbm>> -> memref<80x128xf32, #tpu.memory_space<hbm>>
    %dma_wait3A_452 = arith.constant 0 : i32
    %dma_wait3A_453 = arith.constant 0 : i32
    %dma_wait3A_454 = tpu.memref_slice %arg8[%dma_wait3A_443, %dma_wait3A_452, %dma_wait3A_453] : memref<8x80x128xf32, #tpu.memory_space<vmem>> -> memref<1x80x128xf32, #tpu.memory_space<vmem>>
    %dma_wait3A_455 = tpu.memref_squeeze %dma_wait3A_454 : memref<1x80x128xf32, #tpu.memory_space<vmem>> -> memref<80x128xf32, #tpu.memory_space<vmem>>
    tpu.wait_dma2 semaphore(%arg17 : memref<!tpu.dma_semaphore, #tpu.memory_space<semaphore_mem>>) src(%dma_wait3A_455 : memref<80x128xf32, #tpu.memory_space<vmem>>) dst(%dma_wait3A_451 : memref<80x128xf32, #tpu.memory_space<hbm>>)
    %dma_wait3A_456 = arith.constant 1 : i32
    %dma_wait3A_457 = arith.constant 0 : i32
    %dma_wait3A_458 = arith.constant 0 : i32
    %dma_wait3A_459 = tpu.memref_slice %arg8[%dma_wait3A_456, %dma_wait3A_457, %dma_wait3A_458] : memref<8x80x128xf32, #tpu.memory_space<vmem>> -> memref<1x80x128xf32, #tpu.memory_space<vmem>>
    %dma_wait3A_460 = tpu.memref_squeeze %dma_wait3A_459 : memref<1x80x128xf32, #tpu.memory_space<vmem>> -> memref<80x128xf32, #tpu.memory_space<vmem>>
    %dma_wait3A_461 = arith.constant 0 : i32
    %dma_wait3A_462 = tpu.memref_slice %arg5[%multiple_of3A_403, %dma_wait3A_461] : memref<26112x128xf32, #tpu.memory_space<hbm>> -> memref<80x128xf32, #tpu.memory_space<hbm>>
    %dma_wait3A_463 = arith.constant 0 : i32
    %dma_wait3A_464 = tpu.memref_slice %arg5[%multiple_of3A_403, %dma_wait3A_463] : memref<26112x128xf32, #tpu.memory_space<hbm>> -> memref<80x128xf32, #tpu.memory_space<hbm>>
    %dma_wait3A_465 = arith.constant 0 : i32
    %dma_wait3A_466 = arith.constant 0 : i32
    %dma_wait3A_467 = tpu.memref_slice %arg8[%dma_wait3A_456, %dma_wait3A_465, %dma_wait3A_466] : memref<8x80x128xf32, #tpu.memory_space<vmem>> -> memref<1x80x128xf32, #tpu.memory_space<vmem>>
    %dma_wait3A_468 = tpu.memref_squeeze %dma_wait3A_467 : memref<1x80x128xf32, #tpu.memory_space<vmem>> -> memref<80x128xf32, #tpu.memory_space<vmem>>
    tpu.wait_dma2 semaphore(%arg18 : memref<!tpu.dma_semaphore, #tpu.memory_space<semaphore_mem>>) src(%dma_wait3A_468 : memref<80x128xf32, #tpu.memory_space<vmem>>) dst(%dma_wait3A_464 : memref<80x128xf32, #tpu.memory_space<hbm>>)
    %dma_wait3A_469 = arith.constant 2 : i32
    %dma_wait3A_470 = arith.constant 0 : i32
    %dma_wait3A_471 = arith.constant 0 : i32
    %dma_wait3A_472 = tpu.memref_slice %arg8[%dma_wait3A_469, %dma_wait3A_470, %dma_wait3A_471] : memref<8x80x128xf32, #tpu.memory_space<vmem>> -> memref<1x16x128xf32, #tpu.memory_space<vmem>>
    %dma_wait3A_473 = tpu.memref_squeeze %dma_wait3A_472 : memref<1x16x128xf32, #tpu.memory_space<vmem>> -> memref<16x128xf32, #tpu.memory_space<vmem>>
    %dma_wait3A_474 = arith.constant 0 : i32
    %dma_wait3A_475 = tpu.memref_slice %arg5[%multiple_of3A_429, %dma_wait3A_474] : memref<26112x128xf32, #tpu.memory_space<hbm>> -> memref<16x128xf32, #tpu.memory_space<hbm>>
    %dma_wait3A_476 = arith.constant 0 : i32
    %dma_wait3A_477 = tpu.memref_slice %arg5[%multiple_of3A_429, %dma_wait3A_476] : memref<26112x128xf32, #tpu.memory_space<hbm>> -> memref<16x128xf32, #tpu.memory_space<hbm>>
    %dma_wait3A_478 = arith.constant 0 : i32
    %dma_wait3A_479 = arith.constant 0 : i32
    %dma_wait3A_480 = tpu.memref_slice %arg8[%dma_wait3A_469, %dma_wait3A_478, %dma_wait3A_479] : memref<8x80x128xf32, #tpu.memory_space<vmem>> -> memref<1x16x128xf32, #tpu.memory_space<vmem>>
    %dma_wait3A_481 = tpu.memref_squeeze %dma_wait3A_480 : memref<1x16x128xf32, #tpu.memory_space<vmem>> -> memref<16x128xf32, #tpu.memory_space<vmem>>
    tpu.wait_dma2 semaphore(%arg19 : memref<!tpu.dma_semaphore, #tpu.memory_space<semaphore_mem>>) src(%dma_wait3A_481 : memref<16x128xf32, #tpu.memory_space<vmem>>) dst(%dma_wait3A_477 : memref<16x128xf32, #tpu.memory_space<hbm>>)
    %dma_wait3A_482 = arith.constant 3 : i32
    %dma_wait3A_483 = arith.constant 0 : i32
    %dma_wait3A_484 = arith.constant 0 : i32
    %dma_wait3A_485 = tpu.memref_slice %arg8[%dma_wait3A_482, %dma_wait3A_483, %dma_wait3A_484] : memref<8x80x128xf32, #tpu.memory_space<vmem>> -> memref<1x80x128xf32, #tpu.memory_space<vmem>>
    %dma_wait3A_486 = tpu.memref_squeeze %dma_wait3A_485 : memref<1x80x128xf32, #tpu.memory_space<vmem>> -> memref<80x128xf32, #tpu.memory_space<vmem>>
    %dma_wait3A_487 = arith.constant 0 : i32
    %dma_wait3A_488 = tpu.memref_slice %arg5[%multiple_of3A_168, %dma_wait3A_487] : memref<26112x128xf32, #tpu.memory_space<hbm>> -> memref<80x128xf32, #tpu.memory_space<hbm>>
    %dma_wait3A_489 = arith.constant 0 : i32
    %dma_wait3A_490 = tpu.memref_slice %arg5[%multiple_of3A_168, %dma_wait3A_489] : memref<26112x128xf32, #tpu.memory_space<hbm>> -> memref<80x128xf32, #tpu.memory_space<hbm>>
    %dma_wait3A_491 = arith.constant 0 : i32
    %dma_wait3A_492 = arith.constant 0 : i32
    %dma_wait3A_493 = tpu.memref_slice %arg8[%dma_wait3A_482, %dma_wait3A_491, %dma_wait3A_492] : memref<8x80x128xf32, #tpu.memory_space<vmem>> -> memref<1x80x128xf32, #tpu.memory_space<vmem>>
    %dma_wait3A_494 = tpu.memref_squeeze %dma_wait3A_493 : memref<1x80x128xf32, #tpu.memory_space<vmem>> -> memref<80x128xf32, #tpu.memory_space<vmem>>
    tpu.wait_dma2 semaphore(%arg20 : memref<!tpu.dma_semaphore, #tpu.memory_space<semaphore_mem>>) src(%dma_wait3A_494 : memref<80x128xf32, #tpu.memory_space<vmem>>) dst(%dma_wait3A_490 : memref<80x128xf32, #tpu.memory_space<hbm>>)
    %dma_wait3A_495 = arith.constant 4 : i32
    %dma_wait3A_496 = arith.constant 0 : i32
    %dma_wait3A_497 = arith.constant 0 : i32
    %dma_wait3A_498 = tpu.memref_slice %arg8[%dma_wait3A_495, %dma_wait3A_496, %dma_wait3A_497] : memref<8x80x128xf32, #tpu.memory_space<vmem>> -> memref<1x80x128xf32, #tpu.memory_space<vmem>>
    %dma_wait3A_499 = tpu.memref_squeeze %dma_wait3A_498 : memref<1x80x128xf32, #tpu.memory_space<vmem>> -> memref<80x128xf32, #tpu.memory_space<vmem>>
    %dma_wait3A_500 = arith.constant 0 : i32
    %dma_wait3A_501 = tpu.memref_slice %arg5[%multiple_of3A_204, %dma_wait3A_500] : memref<26112x128xf32, #tpu.memory_space<hbm>> -> memref<80x128xf32, #tpu.memory_space<hbm>>
    %dma_wait3A_502 = arith.constant 0 : i32
    %dma_wait3A_503 = tpu.memref_slice %arg5[%multiple_of3A_204, %dma_wait3A_502] : memref<26112x128xf32, #tpu.memory_space<hbm>> -> memref<80x128xf32, #tpu.memory_space<hbm>>
    %dma_wait3A_504 = arith.constant 0 : i32
    %dma_wait3A_505 = arith.constant 0 : i32
    %dma_wait3A_506 = tpu.memref_slice %arg8[%dma_wait3A_495, %dma_wait3A_504, %dma_wait3A_505] : memref<8x80x128xf32, #tpu.memory_space<vmem>> -> memref<1x80x128xf32, #tpu.memory_space<vmem>>
    %dma_wait3A_507 = tpu.memref_squeeze %dma_wait3A_506 : memref<1x80x128xf32, #tpu.memory_space<vmem>> -> memref<80x128xf32, #tpu.memory_space<vmem>>
    tpu.wait_dma2 semaphore(%arg21 : memref<!tpu.dma_semaphore, #tpu.memory_space<semaphore_mem>>) src(%dma_wait3A_507 : memref<80x128xf32, #tpu.memory_space<vmem>>) dst(%dma_wait3A_503 : memref<80x128xf32, #tpu.memory_space<hbm>>)
    %dma_wait3A_508 = arith.constant 5 : i32
    %dma_wait3A_509 = arith.constant 0 : i32
    %dma_wait3A_510 = arith.constant 0 : i32
    %dma_wait3A_511 = tpu.memref_slice %arg8[%dma_wait3A_508, %dma_wait3A_509, %dma_wait3A_510] : memref<8x80x128xf32, #tpu.memory_space<vmem>> -> memref<1x80x128xf32, #tpu.memory_space<vmem>>
    %dma_wait3A_512 = tpu.memref_squeeze %dma_wait3A_511 : memref<1x80x128xf32, #tpu.memory_space<vmem>> -> memref<80x128xf32, #tpu.memory_space<vmem>>
    %dma_wait3A_513 = arith.constant 0 : i32
    %dma_wait3A_514 = tpu.memref_slice %arg5[%multiple_of3A_253, %dma_wait3A_513] : memref<26112x128xf32, #tpu.memory_space<hbm>> -> memref<80x128xf32, #tpu.memory_space<hbm>>
    %dma_wait3A_515 = arith.constant 0 : i32
    %dma_wait3A_516 = tpu.memref_slice %arg5[%multiple_of3A_253, %dma_wait3A_515] : memref<26112x128xf32, #tpu.memory_space<hbm>> -> memref<80x128xf32, #tpu.memory_space<hbm>>
    %dma_wait3A_517 = arith.constant 0 : i32
    %dma_wait3A_518 = arith.constant 0 : i32
    %dma_wait3A_519 = tpu.memref_slice %arg8[%dma_wait3A_508, %dma_wait3A_517, %dma_wait3A_518] : memref<8x80x128xf32, #tpu.memory_space<vmem>> -> memref<1x80x128xf32, #tpu.memory_space<vmem>>
    %dma_wait3A_520 = tpu.memref_squeeze %dma_wait3A_519 : memref<1x80x128xf32, #tpu.memory_space<vmem>> -> memref<80x128xf32, #tpu.memory_space<vmem>>
    tpu.wait_dma2 semaphore(%arg22 : memref<!tpu.dma_semaphore, #tpu.memory_space<semaphore_mem>>) src(%dma_wait3A_520 : memref<80x128xf32, #tpu.memory_space<vmem>>) dst(%dma_wait3A_516 : memref<80x128xf32, #tpu.memory_space<hbm>>)
    %dma_wait3A_521 = arith.constant 6 : i32
    %dma_wait3A_522 = arith.constant 0 : i32
    %dma_wait3A_523 = arith.constant 0 : i32
    %dma_wait3A_524 = tpu.memref_slice %arg8[%dma_wait3A_521, %dma_wait3A_522, %dma_wait3A_523] : memref<8x80x128xf32, #tpu.memory_space<vmem>> -> memref<1x80x128xf32, #tpu.memory_space<vmem>>
    %dma_wait3A_525 = tpu.memref_squeeze %dma_wait3A_524 : memref<1x80x128xf32, #tpu.memory_space<vmem>> -> memref<80x128xf32, #tpu.memory_space<vmem>>
    %dma_wait3A_526 = arith.constant 0 : i32
    %dma_wait3A_527 = tpu.memref_slice %arg5[%multiple_of3A_302, %dma_wait3A_526] : memref<26112x128xf32, #tpu.memory_space<hbm>> -> memref<80x128xf32, #tpu.memory_space<hbm>>
    %dma_wait3A_528 = arith.constant 0 : i32
    %dma_wait3A_529 = tpu.memref_slice %arg5[%multiple_of3A_302, %dma_wait3A_528] : memref<26112x128xf32, #tpu.memory_space<hbm>> -> memref<80x128xf32, #tpu.memory_space<hbm>>
    %dma_wait3A_530 = arith.constant 0 : i32
    %dma_wait3A_531 = arith.constant 0 : i32
    %dma_wait3A_532 = tpu.memref_slice %arg8[%dma_wait3A_521, %dma_wait3A_530, %dma_wait3A_531] : memref<8x80x128xf32, #tpu.memory_space<vmem>> -> memref<1x80x128xf32, #tpu.memory_space<vmem>>
    %dma_wait3A_533 = tpu.memref_squeeze %dma_wait3A_532 : memref<1x80x128xf32, #tpu.memory_space<vmem>> -> memref<80x128xf32, #tpu.memory_space<vmem>>
    tpu.wait_dma2 semaphore(%arg23 : memref<!tpu.dma_semaphore, #tpu.memory_space<semaphore_mem>>) src(%dma_wait3A_533 : memref<80x128xf32, #tpu.memory_space<vmem>>) dst(%dma_wait3A_529 : memref<80x128xf32, #tpu.memory_space<hbm>>)
    %dma_wait3A_534 = arith.constant 7 : i32
    %dma_wait3A_535 = arith.constant 0 : i32
    %dma_wait3A_536 = arith.constant 0 : i32
    %dma_wait3A_537 = tpu.memref_slice %arg8[%dma_wait3A_534, %dma_wait3A_535, %dma_wait3A_536] : memref<8x80x128xf32, #tpu.memory_space<vmem>> -> memref<1x80x128xf32, #tpu.memory_space<vmem>>
    %dma_wait3A_538 = tpu.memref_squeeze %dma_wait3A_537 : memref<1x80x128xf32, #tpu.memory_space<vmem>> -> memref<80x128xf32, #tpu.memory_space<vmem>>
    %dma_wait3A_539 = arith.constant 0 : i32
    %dma_wait3A_540 = tpu.memref_slice %arg5[%multiple_of3A_351, %dma_wait3A_539] : memref<26112x128xf32, #tpu.memory_space<hbm>> -> memref<80x128xf32, #tpu.memory_space<hbm>>
    %dma_wait3A_541 = arith.constant 0 : i32
    %dma_wait3A_542 = tpu.memref_slice %arg5[%multiple_of3A_351, %dma_wait3A_541] : memref<26112x128xf32, #tpu.memory_space<hbm>> -> memref<80x128xf32, #tpu.memory_space<hbm>>
    %dma_wait3A_543 = arith.constant 0 : i32
    %dma_wait3A_544 = arith.constant 0 : i32
    %dma_wait3A_545 = tpu.memref_slice %arg8[%dma_wait3A_534, %dma_wait3A_543, %dma_wait3A_544] : memref<8x80x128xf32, #tpu.memory_space<vmem>> -> memref<1x80x128xf32, #tpu.memory_space<vmem>>
    %dma_wait3A_546 = tpu.memref_squeeze %dma_wait3A_545 : memref<1x80x128xf32, #tpu.memory_space<vmem>> -> memref<80x128xf32, #tpu.memory_space<vmem>>
    tpu.wait_dma2 semaphore(%arg24 : memref<!tpu.dma_semaphore, #tpu.memory_space<semaphore_mem>>) src(%dma_wait3A_546 : memref<80x128xf32, #tpu.memory_space<vmem>>) dst(%dma_wait3A_542 : memref<80x128xf32, #tpu.memory_space<hbm>>)
    return
  }
}

module attributes {stable_mosaic.version = 14 : i64} {
  func.func @body(%arg0: i32, %arg1: memref<3264x128xf32, #tpu.memory_space<vmem>>, %arg2: memref<128x512xf32, #tpu.memory_space<vmem>>, %arg3: memref<1x512xf32, #tpu.memory_space<vmem>>, %arg4: memref<512x128xf32, #tpu.memory_space<vmem>>, %arg5: memref<1x128xf32, #tpu.memory_space<vmem>>, %arg6: memref<52224x128xf32, #tpu.memory_space<any>>, %arg7: memref<3264x128xf32, #tpu.memory_space<vmem>>) attributes {dimension_semantics = [#tpu.dimension_semantics<arbitrary>], iteration_bounds = array<i64: 8>, scalar_prefetch = 0 : i64, scratch_operands = 0 : i64, tpu.core_type = #tpu.core_type<tc>, window_params = [{transform_indices = @transform_0, window_bounds = array<i64: 3264, 128>}, {pipeline_mode = #tpu.pipeline_mode<synchronous>, transform_indices = @transform_1, window_bounds = array<i64: 128, 512>}, {pipeline_mode = #tpu.pipeline_mode<synchronous>, transform_indices = @transform_2, window_bounds = array<i64: 1, 512>}, {pipeline_mode = #tpu.pipeline_mode<synchronous>, transform_indices = @transform_3, window_bounds = array<i64: 512, 128>}, {pipeline_mode = #tpu.pipeline_mode<synchronous>, transform_indices = @transform_4, window_bounds = array<i64: 1, 128>}, {}, {transform_indices = @transform_6, window_bounds = array<i64: 3264, 128>}]} {
    %get3A = arith.constant 0 : index
    %get3A_0 = arith.constant 0 : index
    %get3A_1 = vector.load %arg1[%get3A, %get3A_0] : memref<3264x128xf32, #tpu.memory_space<vmem>>, vector<3264x128xf32>
    %convert_element_type3A = arith.truncf %get3A_1 : vector<3264x128xf32> to vector<3264x128xbf16>
    %get3A_2 = arith.constant 0 : index
    %get3A_3 = arith.constant 0 : index
    %get3A_4 = vector.load %arg2[%get3A_2, %get3A_3] : memref<128x512xf32, #tpu.memory_space<vmem>>, vector<128x512xf32>
    %convert_element_type3A_5 = arith.truncf %get3A_4 : vector<128x512xf32> to vector<128x512xbf16>
    %dot_general3A = arith.constant dense<0.000000e+00> : vector<3264x512xf32>
    %dot_general3A_6 = tpu.matmul %convert_element_type3A, %convert_element_type3A_5, %dot_general3A {dimension_numbers = #tpu.dot_dimension_numbers<[1], [0], [0], [1], [0, 0, 1, 1], [], []>, transpose_lhs_hint = false} : vector<3264x128xbf16>, vector<128x512xbf16>, vector<3264x512xf32> -> vector<3264x512xf32>
    %get3A_7 = arith.constant 0 : index
    %get3A_8 = arith.constant 0 : index
    %get3A_9 = vector.load %arg3[%get3A_7, %get3A_8] : memref<1x512xf32, #tpu.memory_space<vmem>>, vector<1x512xf32>
    %add3A = vector.broadcast %get3A_9 : vector<1x512xf32> to vector<3264x512xf32>
    %add3A_10 = arith.addf %dot_general3A_6, %add3A : vector<3264x512xf32>
    %max3A = arith.constant 0.000000e+00 : f32
    %max3A_11 = vector.broadcast %max3A : f32 to vector<3264x512xf32>
    %max3A_12 = arith.maximumf %add3A_10, %max3A_11 : vector<3264x512xf32>
    %convert_element_type3A_13 = arith.truncf %max3A_12 : vector<3264x512xf32> to vector<3264x512xbf16>
    %get3A_14 = arith.constant 0 : index
    %get3A_15 = arith.constant 0 : index
    %get3A_16 = vector.load %arg4[%get3A_14, %get3A_15] : memref<512x128xf32, #tpu.memory_space<vmem>>, vector<512x128xf32>
    %convert_element_type3A_17 = arith.truncf %get3A_16 : vector<512x128xf32> to vector<512x128xbf16>
    %dot_general3A_18 = arith.constant dense<0.000000e+00> : vector<3264x128xf32>
    %dot_general3A_19 = tpu.matmul %convert_element_type3A_13, %convert_element_type3A_17, %dot_general3A_18 {dimension_numbers = #tpu.dot_dimension_numbers<[1], [0], [0], [1], [0, 0, 1, 1], [], []>, transpose_lhs_hint = false} : vector<3264x512xbf16>, vector<512x128xbf16>, vector<3264x128xf32> -> vector<3264x128xf32>
    %get3A_20 = arith.constant 0 : index
    %get3A_21 = arith.constant 0 : index
    %get3A_22 = vector.load %arg5[%get3A_20, %get3A_21] : memref<1x128xf32, #tpu.memory_space<vmem>>, vector<1x128xf32>
    %add3A_23 = vector.broadcast %get3A_22 : vector<1x128xf32> to vector<3264x128xf32>
    %add3A_24 = arith.addf %dot_general3A_19, %add3A_23 : vector<3264x128xf32>
    %swap3A = arith.constant 0 : index
    %swap3A_25 = arith.constant 0 : index
    %swap3A_26 = vector.load %arg7[%swap3A, %swap3A_25] : memref<3264x128xf32, #tpu.memory_space<vmem>>, vector<3264x128xf32>
    tpu.vector_store %arg7[%swap3A, %swap3A_25], %add3A_24 {strides = array<i32>} : memref<3264x128xf32, #tpu.memory_space<vmem>>, vector<3264x128xf32>,
    return
  }
  func.func @transform_0(%arg0: i32) -> (i32, i32) {
    %c0_i32 = arith.constant 0 : i32
    %c0_i32_0 = arith.constant 0 : i32
    return %arg0, %c0_i32 : i32, i32
  }
  func.func @transform_1(%arg0: i32) -> (i32, i32) {
    %c0_i32 = arith.constant 0 : i32
    %c0_i32_0 = arith.constant 0 : i32
    %c0_i32_1 = arith.constant 0 : i32
    return %c0_i32, %c0_i32_0 : i32, i32
  }
  func.func @transform_2(%arg0: i32) -> (i32, i32) {
    %c0_i32 = arith.constant 0 : i32
    %c0_i32_0 = arith.constant 0 : i32
    %c0_i32_1 = arith.constant 0 : i32
    return %c0_i32, %c0_i32_0 : i32, i32
  }
  func.func @transform_3(%arg0: i32) -> (i32, i32) {
    %c0_i32 = arith.constant 0 : i32
    %c0_i32_0 = arith.constant 0 : i32
    %c0_i32_1 = arith.constant 0 : i32
    return %c0_i32, %c0_i32_0 : i32, i32
  }
  func.func @transform_4(%arg0: i32) -> (i32, i32) {
    %c0_i32 = arith.constant 0 : i32
    %c0_i32_0 = arith.constant 0 : i32
    %c0_i32_1 = arith.constant 0 : i32
    return %c0_i32, %c0_i32_0 : i32, i32
  }
  func.func @transform_6(%arg0: i32) -> (i32, i32) {
    %add3A = arith.constant 8 : i32
    %add3A_0 = arith.addi %arg0, %add3A : i32
    %c0_i32 = arith.constant 0 : i32
    %c0_i32_1 = arith.constant 0 : i32
    return %add3A_0, %c0_i32 : i32, i32
  }
}

module attributes {stable_mosaic.version = 14 : i64} {
  func.func @body(%arg0: i32, %arg1: memref<3264x128xf32, #tpu.memory_space<vmem>>, %arg2: memref<128x512xf32, #tpu.memory_space<vmem>>, %arg3: memref<1x512xf32, #tpu.memory_space<vmem>>, %arg4: memref<512x128xf32, #tpu.memory_space<vmem>>, %arg5: memref<1x128xf32, #tpu.memory_space<vmem>>, %arg6: memref<3264x128xf32, #tpu.memory_space<vmem>>) attributes {dimension_semantics = [#tpu.dimension_semantics<arbitrary>], iteration_bounds = array<i64: 8>, scalar_prefetch = 0 : i64, scratch_operands = 0 : i64, tpu.core_type = #tpu.core_type<tc>, window_params = [{transform_indices = @transform_0, window_bounds = array<i64: 3264, 128>}, {pipeline_mode = #tpu.pipeline_mode<synchronous>, transform_indices = @transform_1, window_bounds = array<i64: 128, 512>}, {pipeline_mode = #tpu.pipeline_mode<synchronous>, transform_indices = @transform_2, window_bounds = array<i64: 1, 512>}, {pipeline_mode = #tpu.pipeline_mode<synchronous>, transform_indices = @transform_3, window_bounds = array<i64: 512, 128>}, {pipeline_mode = #tpu.pipeline_mode<synchronous>, transform_indices = @transform_4, window_bounds = array<i64: 1, 128>}, {transform_indices = @transform_5, window_bounds = array<i64: 3264, 128>}]} {
    %get3A = arith.constant 0 : index
    %get3A_0 = arith.constant 0 : index
    %get3A_1 = vector.load %arg1[%get3A, %get3A_0] : memref<3264x128xf32, #tpu.memory_space<vmem>>, vector<3264x128xf32>
    %convert_element_type3A = arith.truncf %get3A_1 : vector<3264x128xf32> to vector<3264x128xbf16>
    %get3A_2 = arith.constant 0 : index
    %get3A_3 = arith.constant 0 : index
    %get3A_4 = vector.load %arg2[%get3A_2, %get3A_3] : memref<128x512xf32, #tpu.memory_space<vmem>>, vector<128x512xf32>
    %convert_element_type3A_5 = arith.truncf %get3A_4 : vector<128x512xf32> to vector<128x512xbf16>
    %dot_general3A = arith.constant dense<0.000000e+00> : vector<3264x512xf32>
    %dot_general3A_6 = tpu.matmul %convert_element_type3A, %convert_element_type3A_5, %dot_general3A {dimension_numbers = #tpu.dot_dimension_numbers<[1], [0], [0], [1], [0, 0, 1, 1], [], []>, transpose_lhs_hint = false} : vector<3264x128xbf16>, vector<128x512xbf16>, vector<3264x512xf32> -> vector<3264x512xf32>
    %get3A_7 = arith.constant 0 : index
    %get3A_8 = arith.constant 0 : index
    %get3A_9 = vector.load %arg3[%get3A_7, %get3A_8] : memref<1x512xf32, #tpu.memory_space<vmem>>, vector<1x512xf32>
    %add3A = vector.broadcast %get3A_9 : vector<1x512xf32> to vector<3264x512xf32>
    %add3A_10 = arith.addf %dot_general3A_6, %add3A : vector<3264x512xf32>
    %max3A = arith.constant 0.000000e+00 : f32
    %max3A_11 = vector.broadcast %max3A : f32 to vector<3264x512xf32>
    %max3A_12 = arith.maximumf %add3A_10, %max3A_11 : vector<3264x512xf32>
    %convert_element_type3A_13 = arith.truncf %max3A_12 : vector<3264x512xf32> to vector<3264x512xbf16>
    %get3A_14 = arith.constant 0 : index
    %get3A_15 = arith.constant 0 : index
    %get3A_16 = vector.load %arg4[%get3A_14, %get3A_15] : memref<512x128xf32, #tpu.memory_space<vmem>>, vector<512x128xf32>
    %convert_element_type3A_17 = arith.truncf %get3A_16 : vector<512x128xf32> to vector<512x128xbf16>
    %dot_general3A_18 = arith.constant dense<0.000000e+00> : vector<3264x128xf32>
    %dot_general3A_19 = tpu.matmul %convert_element_type3A_13, %convert_element_type3A_17, %dot_general3A_18 {dimension_numbers = #tpu.dot_dimension_numbers<[1], [0], [0], [1], [0, 0, 1, 1], [], []>, transpose_lhs_hint = false} : vector<3264x512xbf16>, vector<512x128xbf16>, vector<3264x128xf32> -> vector<3264x128xf32>
    %get3A_20 = arith.constant 0 : index
    %get3A_21 = arith.constant 0 : index
    %get3A_22 = vector.load %arg5[%get3A_20, %get3A_21] : memref<1x128xf32, #tpu.memory_space<vmem>>, vector<1x128xf32>
    %add3A_23 = vector.broadcast %get3A_22 : vector<1x128xf32> to vector<3264x128xf32>
    %add3A_24 = arith.addf %dot_general3A_19, %add3A_23 : vector<3264x128xf32>
    %swap3A = arith.constant 0 : index
    %swap3A_25 = arith.constant 0 : index
    %swap3A_26 = vector.load %arg6[%swap3A, %swap3A_25] : memref<3264x128xf32, #tpu.memory_space<vmem>>, vector<3264x128xf32>
    tpu.vector_store %arg6[%swap3A, %swap3A_25], %add3A_24 {strides = array<i32>} : memref<3264x128xf32, #tpu.memory_space<vmem>>, vector<3264x128xf32>,
    return
  }
  func.func @transform_0(%arg0: i32) -> (i32, i32) {
    %c0_i32 = arith.constant 0 : i32
    %c0_i32_0 = arith.constant 0 : i32
    return %arg0, %c0_i32 : i32, i32
  }
  func.func @transform_1(%arg0: i32) -> (i32, i32) {
    %c0_i32 = arith.constant 0 : i32
    %c0_i32_0 = arith.constant 0 : i32
    %c0_i32_1 = arith.constant 0 : i32
    return %c0_i32, %c0_i32_0 : i32, i32
  }
  func.func @transform_2(%arg0: i32) -> (i32, i32) {
    %c0_i32 = arith.constant 0 : i32
    %c0_i32_0 = arith.constant 0 : i32
    %c0_i32_1 = arith.constant 0 : i32
    return %c0_i32, %c0_i32_0 : i32, i32
  }
  func.func @transform_3(%arg0: i32) -> (i32, i32) {
    %c0_i32 = arith.constant 0 : i32
    %c0_i32_0 = arith.constant 0 : i32
    %c0_i32_1 = arith.constant 0 : i32
    return %c0_i32, %c0_i32_0 : i32, i32
  }
  func.func @transform_4(%arg0: i32) -> (i32, i32) {
    %c0_i32 = arith.constant 0 : i32
    %c0_i32_0 = arith.constant 0 : i32
    %c0_i32_1 = arith.constant 0 : i32
    return %c0_i32, %c0_i32_0 : i32, i32
  }
  func.func @transform_5(%arg0: i32) -> (i32, i32) {
    %add3A = arith.constant 0 : i32
    %add3A_0 = arith.addi %arg0, %add3A : i32
    %c0_i32 = arith.constant 0 : i32
    %c0_i32_1 = arith.constant 0 : i32
    return %add3A_0, %c0_i32 : i32, i32
  }
}

</mosaic_0001>

<sc_bundles>
// kernel: kernel.6.cloned.1.call-start
scs
__scs_entry_jumppad:
0x0: {  	(pc) =	sbr.rel $0x88, $3  }
0x1: {  	(tag) =	ssettag $0x0;
	lr =	simm.s32 $0x1  }
0x2: {  	[smem:$0x3F9A] =	sst lr;
	_ =	strace $0xD0000000  }
0x3: {  	_ = 	snop  }
0x4: {  	_ = 	snop  }
0x5: {  	_ = 	snop  }
0x6: {  	_ = 	snop  }
0x7: {  	_ = 	snop  }
__scs_overlays_trampoline_lowered:
0x8: {  	[smem:$0x3FA9] =	sst s0  }
0x9: {  	[smem:$0x3FAA] =	sst s1  }
0xa: {  	[smem:$0x3FAB] =	sst s2  }
0xb: {  	[smem:$0x3FAC] =	sst s3  }
0xc: {  	[smem:$0x3FAD] =	sst s4  }
0xd: {  	[smem:$0x3FAE] =	sst s5  }
0xe: {  	[smem:$0x3FAF] =	sst s6  }
0xf: {  	[smem:$0x3FB0] =	sst s7  }
0x10: {  	[smem:$0x3FB1] =	sst s8  }
0x11: {  	[smem:$0x3FB2] =	sst s9;
	s0 =	simm.s32 @!p0 $0x0  }
0x12: {  	s1 =	sld [smem:$0x3F98];
	s0 =	simm.s32 @p0 $0x1  }
0x13: {  	[smem:$0x3FB3] =	sst s0;
	s0 =	simm.s32 @!p1 $0x0  }
0x14: {  	s2 =	sld [smem:$0x3F97];
	s0 =	simm.s32 @p1 $0x1  }
0x15: {  	[smem:$0x3FB4] =	sst s0;
	s0 =	simm.s32 @!p2 $0x0  }
0x16: {  	s3 =	sld [smem:$0x3FDB];
	s0 =	simm.s32 @p2 $0x1  }
0x17: {  	s4 =	simm.s32 $0x1BF5;
	[smem:$0x3FB6] =	sst s0  }
0x18: {  	s0 =	sld [smem:$0x3F99];
	_ =	swait.ge [sflag:s4], $0x0  }
0x19: {  	s7 =	sld [smem:$0x3F9A]  }
0x1a: {  	s8 =	sadd.s32 $0xFFFFE003, lr  }
0x1b: {  	s9 =	sadd.s32 $0xFFFFFEF7, lr;
	s5 =	simm.s32 $0xFFFFFFFF;
	p2 =	slt.u32 s8, $0xFFFFF086  }
0x1c: {  	p1 =	slt.u32 s9, $0xF7A;
	s5 =	simm.s32 @!p2 $0x0  }
0x1d: {  	s5 =	simm.s32 @p1 $0x1;
	p0 =	seq.s32 s7, s2  }
0x1e: {  	s7 =	smul.u32 @!p0 $0xF7A, s2;
	p2 =	seq.s32 @!p0 s5, $0x0  }
0x1f: {  	s9 =	smul.u32 $0xF7A, s1;
	s8 =	simm.s32 @!p0 $0x1BF5;
	p2 =	por !p2, p0  }
0x20: {  	[sflag:s8] =	ssyncset.s32 @!p0 $0xFFFFF086;
	s6 =	sadd.s32 @!p0 s3, s7;
	s7 =	simm.s32 @!p0 $0x108  }
0x21: {  	s3 =	sadd.s32 s3, s9;
	s6 =	sadd.s32 @!p0 $0x88, s6;
	s7 =	simm.s32 @p2 $0x1082  }
0x22: {  	[simem:s7], [sflag:s8] =	dma.local @!p0 [hbm:s6], $0xF7A  }
0x23: {  	s9 =	sor.u32 $0xD0000000, s2;
	s6 =	simm.s32 $0x108;
	_ =	swait.ge @!p0 [sflag:s8], $0x0  }
0x24: {  	s3 =	sadd.s32 $0x88, s3;
	s6 =	simm.s32 @!p1 $0x1082;
	[sflag:s4] =	ssyncset.s32 $0xFFFFF086  }
0x25: {  	[simem:s6], [sflag:s4] =	dma.local [hbm:s3], $0xF7A  }
0x26: {  	[smem:$0x3F9A] =	sst s1;
	(tag) =	ssettag s2;
	_ =	strace s9  }
0x27: {  	s1 =	sld [smem:$0x3FAA]  }
0x28: {  	s2 =	sld [smem:$0x3FAB]  }
0x29: {  	s4 =	sld [smem:$0x3FAD]  }
0x2a: {  	p0 =	seq.s32 s5, $0x0;
	s5 =	sld [smem:$0x3FAE]  }
0x2b: {  	s6 =	sld [smem:$0x3FAF]  }
0x2c: {  	s7 =	sld [smem:$0x3FB0]  }
0x2d: {  	s3 =	simm.s32 $0x108;
	s8 =	sld [smem:$0x3FB1]  }
0x2e: {  	s3 =	simm.s32 @!p0 $0x1082;
	s9 =	sld [smem:$0x3FB2]  }
0x2f: {  	lr =	sadd.s32 s0, s3;
	s0 =	sld [smem:$0x3FA9]  }
0x30: {  	s3 =	sld [smem:$0x3FAC]  }
0x31: {  	[smem:$0x3FB5] =	sst s10  }
0x32: {  	s10 =	sld [smem:$0x3FB3];
	_ =	sdelay $0x3  }
0x33: {  	p0 =	seq.s32 s10, $0x1;
	s10 =	sld [smem:$0x3FB5];
	_ =	sdelay $0x3  }
0x34: {  	[smem:$0x3FB5] =	sst s10  }
0x35: {  	s10 =	sld [smem:$0x3FB4];
	_ =	sdelay $0x3  }
0x36: {  	p1 =	seq.s32 s10, $0x1;
	s10 =	sld [smem:$0x3FB5];
	_ =	sdelay $0x3  }
0x37: {  	[smem:$0x3FB5] =	sst s10  }
0x38: {  	s10 =	sld [smem:$0x3FB6]  }
0x39: {  	_ = 	snop;
	(pc) =	sbr.ind lr, $3  }
0x3a: {  	_ = 	snop  }
0x3b: {  	_ = 	snop  }
0x3c: {  	p2 =	seq.s32 s10, $0x1;
	s10 =	sld [smem:$0x3FB5]  }
0x3d: {  	_ =	shalt  }
0x3e: {  	_ =	shalt  }
0x3f: {  	_ =	shalt  }
0x40: {  	_ =	shalt  }
0x41: {  	_ =	shalt  }
0x42: {  	_ =	shalt  }
0x43: {  	_ =	shalt  }
0x44: {  	_ =	shalt  }
0x45: {  	_ =	shalt  }
0x46: {  	_ =	shalt  }
0x47: {  	_ =	shalt  }
0x48: {  	_ =	shalt  }
0x49: {  	_ =	shalt  }
0x4a: {  	_ =	shalt  }
0x4b: {  	_ =	shalt  }
0x4c: {  	_ =	shalt  }
0x4d: {  	_ =	shalt  }
0x4e: {  	_ =	shalt  }
0x4f: {  	_ =	shalt  }
0x50: {  	_ =	shalt  }
0x51: {  	_ =	shalt  }
0x52: {  	_ =	shalt  }
0x53: {  	_ =	shalt  }
0x54: {  	_ =	shalt  }
0x55: {  	_ =	shalt  }
0x56: {  	_ =	shalt  }
0x57: {  	_ =	shalt  }
0x58: {  	_ =	shalt  }
0x59: {  	_ =	shalt  }
0x5a: {  	_ =	shalt  }
0x5b: {  	_ =	shalt  }
0x5c: {  	_ =	shalt  }
0x5d: {  	_ =	shalt  }
0x5e: {  	_ =	shalt  }
0x5f: {  	_ =	shalt  }
0x60: {  	_ =	shalt  }
0x61: {  	_ =	shalt  }
0x62: {  	_ =	shalt  }
0x63: {  	_ =	shalt  }
0x64: {  	_ =	shalt  }
0x65: {  	_ =	shalt  }
0x66: {  	_ =	shalt  }
0x67: {  	_ =	shalt  }
0x68: {  	_ =	shalt  }
0x69: {  	_ =	shalt  }
0x6a: {  	_ =	shalt  }
0x6b: {  	_ =	shalt  }
0x6c: {  	_ =	shalt  }
0x6d: {  	_ =	shalt  }
0x6e: {  	_ =	shalt  }
0x6f: {  	_ =	shalt  }
0x70: {  	_ =	shalt  }
0x71: {  	_ =	shalt  }
0x72: {  	_ =	shalt  }
0x73: {  	_ =	shalt  }
0x74: {  	_ =	shalt  }
0x75: {  	_ =	shalt  }
0x76: {  	_ =	shalt  }
0x77: {  	_ =	shalt  }
0x78: {  	_ =	shalt  }
0x79: {  	_ =	shalt  }
0x7a: {  	_ =	shalt  }
0x7b: {  	_ =	shalt  }
0x7c: {  	_ =	shalt  }
0x7d: {  	_ =	shalt  }
0x7e: {  	_ =	shalt  }
0x7f: {  	_ =	shalt  }
0x80: {  	_ =	shalt  }
0x81: {  	_ =	shalt  }
0x82: {  	_ =	shalt  }
0x83: {  	_ =	shalt  }
0x84: {  	_ =	shalt  }
0x85: {  	_ =	shalt  }
0x86: {  	_ =	shalt  }
0x87: {  	_ =	shalt  }
.Lfunc_end0:
.L_simem_size_0:
called_computation_lowered:
.L_overlay_start_0:
0x88: {  	s2 =	sld [smem:$0x3FD9]  }
0x89: {  	s3 =	sld [smem:$0x3FFE];
	_ =	sdelay $0x1  }
0x8a: {  	s1 =	srdreg.scid  }
0x8b: {  	s0 =	sand.u32 $0x1, s1  }
0x8c: {  	s17 =	sshll.u32 s0, $0xA;
	s2 =	sadd.s32 s3, s2  }
0x8d: {  	s2 =	sadd.s32 s2, s17  }
0x8e: {  	[smem:$0x3FC1] =	sst s2  }
0x8f: {  	_ = 	snop  }
0x90: {  	s2 =	sld [smem:$0x3FC9]  }
0x91: {  	s18 =	sld [smem:$0x3FC7]  }
0x92: {  	s4 =	sld [smem:$0x3FD0];
	(tm) =	ssettm $0x1  }
0x93: {  	s5 =	sld [smem:$0x3FFB];
	_ =	sdelay $0x3  }
0x94: {  	_ =	strace s5  }
0x95: {  	s5 =	sld [smem:$0x3FFC];
	_ =	sdelay $0x3  }
0x96: {  	_ =	strace s5  }
0x97: {  	s5 =	sld [smem:$0x3FFD];
	_ =	sdelay $0x3  }
0x98: {  	_ =	strace s5  }
0x99: {  	_ =	strace $0x8FFFFFFF  }
0x9a: {  	s19 =	sld [smem:$0x3FDB];
	_ =	sdelay $0x1  }
0x9b: {  	s6 =	simm.s32 $_scs_section_size  }
0x9c: {  	s7 =	simm.s32 $_size__tile_overlayer_lowered;
	s8 =	simm.s32 $_tile_overlayer_lowered  }
0x9d: {  	s22 =	simm.s32 $0x1BFF;
	s21 =	sshll.u32 s8, $0x1;
	s5 =	sadd.s32 s6, s19  }
0x9e: {  	s9 =	simm.s32 $0x0;
	s20 =	sshll.u32 s7, $0x1;
	s7 =	sadd.s32 s21, s5  }
0x9f: {  	[timem:s9], [sflag:s22] =	dma.local [hbm:s7], s20  }
0xa0: {  	_ =	swait.ge [sflag:s22], s20  }
0xa1: {  	s6 =	ssub.s32 $0x0, s20;
	[sflag:s22] =	ssyncset.done $0x0  }
0xa2: {  	[sflag:s22] =	ssyncadd.s32 s6;
	_ =	sdelay $0x1  }
0xa3: {  	s23 =	simm.s32 $0x1B8B  }
0xa4: {  	_ =	swait.ge [sflag:s23], $0x1  }
0xa5: {  	[sflag:s23] =	ssyncset.done $0x0  }
0xa6: {  	s25 =	simm.s32 $0x1B8E;
	s24 =	sld [smem:$0x3FFE];
	[sflag:s23] =	ssyncadd.s32 $0xFFFFFFFF  }
0xa7: {  	s26 =	simm.s32 $execute0_lowered;
	[smem:$0x3FD2] =	sst s25  }
0xa8: {  	s7 =	sshll.u32 s26, $0x1;
	_ =	strace $0x80000046;
	[dreg:$0x1] =	wrdreg $0xFFFFFFFF  }
0xa9: {  	s28 =	simm.s32 $_size_execute0_lowered;
	s5 =	sadd.s32 s5, s7;
	[dreg:$0x0] =	wrdreg $0x0  }
0xaa: {  	s7 =	sshll.u32 s28, $0x1;
	[dreg:$0x2] =	wrdreg s5  }
0xab: {  	[dreg:$0x3] =	wrdreg s7  }
0xac: {  	[dreg:$0x4] =	wrdreg $0xC0  }
0xad: {  	_ =	task [dreg:s9], $0x5FFFF  }
0xae: {  	[dreg:$0x1] =	wrdreg $0xFFFFFFFF  }
0xaf: {  	[dreg:$0x0] =	wrdreg $0x60  }
0xb0: {  	[dreg:$0x2] =	wrdreg s24  }
0xb1: {  	[dreg:$0x3] =	wrdreg s2  }
0xb2: {  	[dreg:$0x4] =	wrdreg s18  }
0xb3: {  	[dreg:$0x5] =	wrdreg s4  }
0xb4: {  	[dreg:$0x6] =	wrdreg $0x9  }
0xb5: {  	_ =	task.clear_ibuf [dreg:s9], $0x7FFFF;
	_ =	strace $0x90000046  }
0xb6: {  	s29 =	simm.s32 $0x9;
	_ =	strace $0x80000048  }
0xb7: {  	_ =	swait.ge [sflag:s29], $0x1  }
0xb8: {  	[sflag:s29] =	ssyncadd.s32 $0xFFFFFFFF  }
0xb9: {  	_ =	strace $0x90000048  }
0xba: {  	_ =	sfence  }
0xbb: {  	s30 =	sld [smem:$0x0];
	_ =	sdelay $0x2  }
0xbc: {  	s31 =	sshll.u32 s1, $0xD;
	s1 =	sshrl.u32 s1, $0x2  }
0xbd: {  	s3 =	sand.u32 $0x4000, s31;
	s1 =	sadd.s32 s1, s30  }
0xbe: {  	s0 =	sor.u32 s3, s0;
	s1 =	sshll.u32 s1, $0x11  }
0xbf: {  	s0 =	sor.u32 s1, s0  }
0xc0: {  	s0 =	sadd.s32 $0x8F2B, s0  }
0xc1: {  	[sflag:s0] =	ssyncadd.remote.s32 $0x1  }
0xc2: {  	_ =	sfence.sel $0xFFFF  }
0xc3: {  	[dreg:$0x0] =	wrdreg $0xFFFFFFFF;
	(pc) =	sbr.abs _section_cstart, $3  }
0xc4: {  	[dreg:$0x1] =	wrdreg $0xFFFFFFFF  }
0xc5: {  	_ =	task.clear_ibuf [dreg:s9], $0x2FFFF;
	_ =	strace $0x9FFFFFFF  }
0xc6: {  	(tm) =	ssettm $0x7FFFFFFF  }
0xc7: {  	_ =	shalt  }
tec
execute0_lowered:
.L_overlay_start_1:
0x0: {  	(tag) =	ssettag $0x1  }
0x1: {  	s0 =	rddreg [dreg:$0x0]  }
0x2: {  	s1 =	rddreg [dreg:$0x1]  }
0x3: {  	s2 =	srdreg.scid;
	s3 =	rddreg [dreg:$0x2]  }
0x4: {  	s18 =	stileid.u32;
	s5 =	rddreg [dreg:$0x3]  }
0x5: {  	s19 =	rddreg [dreg:$0x4];
	s31 =	simm.s32 $0x12;
	s10 =	simm.s32 $0xA0  }
0x6: {  	s11 =	simm.s32 $0xF0;
	s30 =	simm.s32 $0x3;
	s29 =	simm.s32 $0x4  }
0x7: {  	s28 =	simm.s32 $0x5;
	s4 =	sand.u32 $0x1, s2;
	s12 =	sshll.u32 s18, $0x1  }
0x8: {  	p0 =	por $0x0, $0x0;
	s2 =	simm.s32 $0x0;
	s6 =	sor.u32 s4, s12  }
0x9: {  	[smem:$0x7FF] =	sst s2;
	s4 =	ssub.s32 $0x2, s4;
	s12 =	simm.s32 $0x140  }
0xa: {  	s7 =	smul.u32 $0x62, s6;
	_ =	strace $0x80000047;
	[dreg:$0x12] =	wrdreg s10  }
0xb: {  	s13 =	sshll.u32 s6, $0x9;
	s8 =	smul.u32 $0x3100, s6;
	[dreg:$0x13] =	wrdreg s11  }
0xc: {  	s15 =	smul.u32 $0x18800, s6;
	s6 =	sshrl.u32 s4, $0x1;
	[dreg:$0x14] =	wrdreg s12  }
0xd: {  	s12 =	simm.s32 $0x9;
	s11 =	simm.s32 $0xE;
	s10 =	simm.s32 $0xF  }
0xe: {  	s14 =	sadd.s32 s1, s13;
	s16 =	sadd.s32 s5, s13;
	s4 =	ssub.s32 s4, s6  }
0xf: {  	s6 =	simm.s32 $0x1;
	s13 =	simm.s32 $0x190;
	[dreg:$0x6] =	wrdreg s14  }
0x10: {  	s0 =	sadd.s32 s7, s0;
	s17 =	sadd.s32 s8, s5;
	[dreg:$0x7] =	wrdreg s16  }
0x11: {  	s1 =	sshrl.u32 s15, $0x3;
	[dreg:$0x15] =	wrdreg s13;
	s14 =	simm.s32 $0x1E0  }
0x12: {  	s9 =	smax.u32 s4, $0x1;
	s15 =	simm.s32 $0x230;
	[dreg:$0x16] =	wrdreg s14  }
0x13: {  	s16 =	simm.s32 $0x50;
	s0 =	sadd.s32 $0x1400, s0;
	[dreg:$0x17] =	wrdreg s15  }
0x14: {  	s4 =	simm.s32 $0x3B80;
	s20 =	sadd.s32 $0x4000, s17;
	[dreg:$0x5] =	wrdreg s0  }
0x15: {  	s1 =	sadd.s32 s5, s1;
	s17 =	simm.s32 $0x280;
	[dreg:$0x8] =	wrdreg s20  }
0x16: {  	s13 =	simm.s32 $0xA;
	s21 =	sadd.s32 $0x4500, s1;
	[dreg:$0x18] =	wrdreg s17  }
0x17: {  	p1 =	sne.s32 s9, $0x1;
	s22 =	sadd.s32 $0x4A00, s1;
	[dreg:$0x9] =	wrdreg s21  }
0x18: {  	s15 =	simm.s32 $0xC;
	s23 =	sadd.s32 $0x4F00, s1;
	[dreg:$0xa] =	wrdreg s22  }
0x19: {  	s14 =	simm.s32 $0xD;
	s24 =	sadd.s32 $0x5400, s1;
	[dreg:$0xb] =	wrdreg s23  }
0x1a: {  	s25 =	sadd.s32 $0x5900, s1;
	s26 =	sadd.s32 $0x5E00, s1;
	[dreg:$0xc] =	wrdreg s24  }
0x1b: {  	s5 =	sadd.s32 $0x6300, s1;
	s7 =	sadd.s32 $0x6800, s1;
	[dreg:$0xd] =	wrdreg s25  }
0x1c: {  	s8 =	sadd.s32 $0x6D00, s1;
	s1 =	simm.s32 $0x380;
	[dreg:$0xe] =	wrdreg s26  }
0x1d: {  	s20 =	simm.s32 $0x10380;
	s0 =	sadd.s32 $0xFFFFFFFF, s9;
	[dreg:$0xf] =	wrdreg s5  }
0x1e: {  	s17 =	simm.s32 $0xB;
	s9 =	simm.s32 $0x10;
	[dreg:$0x10] =	wrdreg s7  }
.Ltmp0:
0x1f: {  	[dreg:$0x11] =	wrdreg s8;
	s5 =	simm.s32 $0x1380;
	(pc) =	sbr.rel @!p1 .LBB2_5-.Ltmp0, $4  }
0x20: {  	s25 =	simm.s32 $0x8B80;
	s23 =	simm.s32 $0xB380;
	s7 =	simm.s32 $0x2  }
0x21: {  	s22 =	simm.s32 $0xDB80;
	s21 =	simm.s32 $0x40;
	s24 =	simm.s32 $0x2D0  }
0x22: {  	s26 =	simm.s32 $0x6;
	s8 =	simm.s32 $0x11;
	[dreg:$0x19] =	wrdreg s21  }
0x23: {  	[dreg:$0x1a] =	wrdreg s24;
	s24 =	simm.s32 $0x7;
	s21 =	simm.s32 $0x8  }
0x24: {  	[dreg:$0x1c] =	wrdreg s0  }
0x25: {  	s18 =	rddreg [dreg:$0x5]  }
0x26: {  	[tilespmem:s2], [sflag:$0x12] =	stream.linear.gather [hbm4b:s18+s2], $0x310, $0x38;
	[tilespmem:$0x15380] =	vst v63  }
0x27: {  	_ =	swait.ge [sflag:s31], $0x310  }
0x28: {  	[sflag:s31] =	ssyncset.done $0x0  }
0x29: {  	s19 =	rddreg [dreg:$0x6];
	[sflag:s31] =	ssyncadd.s32 $0xFFFFFCF0  }
0x2a: {  	[tilespmem:s1], [sflag:$0x12] =	stream.linear.gather [hbm4b:s19+s2], $0x1000, $0x38;
	[tilespmem:$0x15380] =	vst v63  }
0x2b: {  	_ =	swait.ge [sflag:s31], $0x1000  }
0x2c: {  	[sflag:s31] =	ssyncset.done $0x0  }
0x2d: {  	s18 =	rddreg [dreg:$0x7];
	[sflag:s31] =	ssyncadd.s32 $0xFFFFF000  }
0x2e: {  	[hbm4b:s18+s2] =	stream.linear.scatter [tilespmem:s1], [sflag:$0x11], $0x1000, $0x38;
	[tilespmem:$0x15380] =	vst v63  }
0x2f: {  	_ = 	snop  }
0x30: {  	[tilespmem:s5], [sflag:$0x1] =	stream.indirect.gather [hbm4b:s3+s16], $0x80, s2, s16, $0xb8;
	[tilespmem:$0x15380] =	vst v63  }
0x31: {  	_ = 	snop  }
0x32: {  	[tilespmem:s4], [sflag:$0x2] =	stream.indirect.gather [hbm4b:s3+s16], $0x80, s16, s16, $0xb8;
	[tilespmem:$0x15380] =	vst v63  }
0x33: {  	s19 =	rddreg [dreg:$0x12];
	s18 =	simm.s32 $0x6380  }
0x34: {  	[tilespmem:s18], [sflag:$0x3] =	stream.indirect.gather [hbm4b:s3+s16], $0x80, s19, s16, $0xb8;
	[tilespmem:$0x15380] =	vst v63  }
0x35: {  	s0 =	rddreg [dreg:$0x13]  }
0x36: {  	[tilespmem:s25], [sflag:$0x4] =	stream.indirect.gather [hbm4b:s3+s16], $0x80, s0, s16, $0xb8;
	[tilespmem:$0x15380] =	vst v63  }
0x37: {  	_ =	swait.ge [sflag:s6], $0x2800  }
0x38: {  	s19 =	rddreg [dreg:$0x8]  }
0x39: {  	[sflag:s6] =	ssyncset.done $0x0;
	[dreg:$0x1b] =	wrdreg s19  }
0x3a: {  	[sflag:s6] =	ssyncadd.s32 $0xFFFFD800;
	s19 =	rddreg [dreg:$0x1b]  }
0x3b: {  	[hbm4b:s19+s2] =	stream.linear.scatter [tilespmem:s5], [sflag:$0x9], $0x2800, $0x38;
	[tilespmem:$0x15380] =	vst v63  }
0x3c: {  	s0 =	rddreg [dreg:$0x14]  }
0x3d: {  	[tilespmem:s23], [sflag:$0x5] =	stream.indirect.gather [hbm4b:s3+s16], $0x80, s0, s16, $0xb8;
	[tilespmem:$0x15380] =	vst v63  }
0x3e: {  	_ =	swait.ge [sflag:s7], $0x2800  }
0x3f: {  	[sflag:s7] =	ssyncset.done $0x0  }
0x40: {  	s19 =	rddreg [dreg:$0x9];
	[sflag:s7] =	ssyncadd.s32 $0xFFFFD800  }
0x41: {  	[hbm4b:s19+s2] =	stream.linear.scatter [tilespmem:s4], [sflag:$0xA], $0x2800, $0x38;
	[tilespmem:$0x15380] =	vst v63  }
0x42: {  	s0 =	rddreg [dreg:$0x15]  }
0x43: {  	[tilespmem:s22], [sflag:$0x6] =	stream.indirect.gather [hbm4b:s3+s16], $0x80, s0, s16, $0xb8;
	[tilespmem:$0x15380] =	vst v63  }
0x44: {  	_ =	swait.ge [sflag:s30], $0x2800  }
0x45: {  	[sflag:s30] =	ssyncset.done $0x0  }
0x46: {  	s19 =	rddreg [dreg:$0xa];
	[sflag:s30] =	ssyncadd.s32 $0xFFFFD800  }
0x47: {  	[hbm4b:s19+s2] =	stream.linear.scatter [tilespmem:s18], [sflag:$0xB], $0x2800, $0x38;
	[tilespmem:$0x15380] =	vst v63  }
0x48: {  	s0 =	rddreg [dreg:$0x16]  }
0x49: {  	[tilespmem:s20], [sflag:$0x7] =	stream.indirect.gather [hbm4b:s3+s16], $0x80, s0, s16, $0xb8;
	[tilespmem:$0x15380] =	vst v63  }
0x4a: {  	_ =	swait.ge [sflag:s29], $0x2800  }
0x4b: {  	[sflag:s29] =	ssyncset.done $0x0  }
0x4c: {  	s0 =	rddreg [dreg:$0xb];
	[sflag:s29] =	ssyncadd.s32 $0xFFFFD800  }
0x4d: {  	[hbm4b:s0+s2] =	stream.linear.scatter [tilespmem:s25], [sflag:$0xC], $0x2800, $0x38;
	[tilespmem:$0x15380] =	vst v63  }
0x4e: {  	s18 =	simm.s32 $0x12B80;
	s19 =	rddreg [dreg:$0x17]  }
0x4f: {  	[tilespmem:s18], [sflag:$0x8] =	stream.indirect.gather [hbm4b:s3+s16], $0x80, s19, s16, $0xb8;
	[tilespmem:$0x15380] =	vst v63  }
0x50: {  	_ =	swait.ge [sflag:s28], $0x2800  }
0x51: {  	[sflag:s28] =	ssyncset.done $0x0  }
0x52: {  	s19 =	rddreg [dreg:$0xc];
	[sflag:s28] =	ssyncadd.s32 $0xFFFFD800  }
0x53: {  	[hbm4b:s19+s2] =	stream.linear.scatter [tilespmem:s23], [sflag:$0xD], $0x2800, $0x38;
	[tilespmem:$0x15380] =	vst v63  }
0x54: {  	_ =	swait.ge [sflag:s12], $0x2800  }
0x55: {  	[sflag:s12] =	ssyncset.done $0x0  }
0x56: {  	s19 =	rddreg [dreg:$0x18];
	[sflag:s12] =	ssyncadd.s32 $0xFFFFD800  }
0x57: {  	[tilespmem:s5], [sflag:$0x1] =	stream.indirect.gather [hbm4b:s3+s16], $0x80, s19, s16, $0xb8;
	[tilespmem:$0x15380] =	vst v63  }
0x58: {  	_ =	swait.ge [sflag:s26], $0x2800  }
0x59: {  	[sflag:s26] =	ssyncset.done $0x0  }
0x5a: {  	s19 =	rddreg [dreg:$0xd];
	[sflag:s26] =	ssyncadd.s32 $0xFFFFD800  }
0x5b: {  	[hbm4b:s19+s2] =	stream.linear.scatter [tilespmem:s22], [sflag:$0xE], $0x2800, $0x38;
	[tilespmem:$0x15380] =	vst v63  }
0x5c: {  	_ =	swait.ge [sflag:s13], $0x2800  }
0x5d: {  	s19 =	rddreg [dreg:$0x19];
	[sflag:s13] =	ssyncset.done $0x0  }
0x5e: {  	s0 =	rddreg [dreg:$0x1a];
	[sflag:s13] =	ssyncadd.s32 $0xFFFFD800  }
0x5f: {  	[tilespmem:s4], [sflag:$0x2] =	stream.indirect.gather [hbm4b:s3+s19], $0x80, s0, s19, $0xb8;
	[tilespmem:$0x15380] =	vst v63  }
0x60: {  	_ =	swait.ge [sflag:s24], $0x2800  }
0x61: {  	[sflag:s24] =	ssyncset.done $0x0  }
0x62: {  	s19 =	rddreg [dreg:$0xe];
	[sflag:s24] =	ssyncadd.s32 $0xFFFFD800  }
0x63: {  	[hbm4b:s19+s2] =	stream.linear.scatter [tilespmem:s20], [sflag:$0xF], $0x2800, $0x38;
	[tilespmem:$0x15380] =	vst v63  }
0x64: {  	_ =	swait.ge [sflag:s21], $0x2800  }
0x65: {  	[sflag:s21] =	ssyncset.done $0x0  }
0x66: {  	s19 =	rddreg [dreg:$0xf];
	[sflag:s21] =	ssyncadd.s32 $0xFFFFD800  }
0x67: {  	[hbm4b:s19+s2] =	stream.linear.scatter [tilespmem:s18], [sflag:$0x10], $0x2800, $0x38;
	[tilespmem:$0x15380] =	vst v63  }
0x68: {  	_ =	swait.ge [sflag:s6], $0x2800  }
0x69: {  	[sflag:s6] =	ssyncset.done $0x0  }
0x6a: {  	s19 =	rddreg [dreg:$0x10];
	[sflag:s6] =	ssyncadd.s32 $0xFFFFD800  }
0x6b: {  	[hbm4b:s19+s2] =	stream.linear.scatter [tilespmem:s5], [sflag:$0x9], $0x2800, $0x38;
	[tilespmem:$0x15380] =	vst v63  }
0x6c: {  	_ =	swait.ge [sflag:s7], $0x2000  }
0x6d: {  	[sflag:s7] =	ssyncset.done $0x0  }
0x6e: {  	s18 =	rddreg [dreg:$0x11];
	[sflag:s7] =	ssyncadd.s32 $0xFFFFE000  }
0x6f: {  	[hbm4b:s18+s2] =	stream.linear.scatter [tilespmem:s4], [sflag:$0xA], $0x2000, $0x38;
	[tilespmem:$0x15380] =	vst v63  }
0x70: {  	_ =	swait.ge [sflag:s12], $0x2800  }
0x71: {  	[sflag:s12] =	ssyncset.done $0x0  }
0x72: {  	[sflag:s12] =	ssyncadd.s32 $0xFFFFD800  }
0x73: {  	_ =	swait.ge [sflag:s13], $0x2000  }
0x74: {  	[sflag:s13] =	ssyncset.done $0x0  }
0x75: {  	[sflag:s13] =	ssyncadd.s32 $0xFFFFE000  }
0x76: {  	_ =	swait.ge [sflag:s17], $0x2800  }
0x77: {  	[sflag:s17] =	ssyncset.done $0x0  }
0x78: {  	[sflag:s17] =	ssyncadd.s32 $0xFFFFD800  }
0x79: {  	_ =	swait.ge [sflag:s15], $0x2800  }
0x7a: {  	[sflag:s15] =	ssyncset.done $0x0  }
0x7b: {  	[sflag:s15] =	ssyncadd.s32 $0xFFFFD800  }
0x7c: {  	_ =	swait.ge [sflag:s14], $0x2800  }
0x7d: {  	[sflag:s14] =	ssyncset.done $0x0  }
0x7e: {  	[sflag:s14] =	ssyncadd.s32 $0xFFFFD800  }
0x7f: {  	_ =	swait.ge [sflag:s11], $0x2800  }
0x80: {  	[sflag:s11] =	ssyncset.done $0x0  }
0x81: {  	[sflag:s11] =	ssyncadd.s32 $0xFFFFD800  }
0x82: {  	_ =	swait.ge [sflag:s10], $0x2800  }
0x83: {  	[sflag:s10] =	ssyncset.done $0x0  }
0x84: {  	[sflag:s10] =	ssyncadd.s32 $0xFFFFD800  }
0x85: {  	_ =	swait.ge [sflag:s9], $0x2800  }
0x86: {  	s19 =	rddreg [dreg:$0x1c]  }
0x87: {  	p1 =	sne.s32 s19, $0x1  }
.Ltmp1:
0x88: {  	_ = 	snop;
	(pc) =	sbr.rel @!p1 .LBB2_2-.Ltmp1, $4  }
0x89: {  	_ = 	snop  }
0x8a: {  	[sflag:s9] =	ssyncset.done $0x0  }
0x8b: {  	[sflag:s9] =	ssyncadd.s32 $0xFFFFD800  }
0x8c: {  	p0 =	por $0x1, $0x1;
	s0 =	sadd.s32 $0xFFFFFFFF, s19;
	_ =	swait.ge [sflag:s8], $0x1000  }
.LBB2_3:
0x8d: {  	[sflag:s8] =	ssyncset.done $0x0  }
0x8e: {  	s18 =	rddreg [dreg:$0x5];
	[sflag:s8] =	ssyncadd.s32 $0xFFFFF000  }
0x8f: {  	[tilespmem:s2], [sflag:$0x12] =	stream.linear.gather [hbm4b:s18+s2], $0x310, $0x38;
	[tilespmem:$0x15380] =	vst v63  }
0x90: {  	_ =	swait.ge [sflag:s31], $0x310  }
0x91: {  	[sflag:s31] =	ssyncset.done $0x0  }
0x92: {  	s19 =	rddreg [dreg:$0x6];
	[sflag:s31] =	ssyncadd.s32 $0xFFFFFCF0  }
0x93: {  	[tilespmem:s1], [sflag:$0x12] =	stream.linear.gather [hbm4b:s19+s2], $0x1000, $0x38;
	[tilespmem:$0x15380] =	vst v63  }
0x94: {  	_ =	swait.ge [sflag:s31], $0x1000  }
0x95: {  	[sflag:s31] =	ssyncset.done $0x0  }
0x96: {  	s19 =	rddreg [dreg:$0x7];
	[sflag:s31] =	ssyncadd.s32 $0xFFFFF000  }
0x97: {  	[hbm4b:s19+s2] =	stream.linear.scatter [tilespmem:s1], [sflag:$0x11], $0x1000, $0x38;
	[tilespmem:$0x15380] =	vst v63  }
0x98: {  	_ = 	snop  }
0x99: {  	[tilespmem:s5], [sflag:$0x1] =	stream.indirect.gather [hbm4b:s3+s16], $0x80, s2, s16, $0xb8;
	[tilespmem:$0x15380] =	vst v63  }
0x9a: {  	_ = 	snop  }
0x9b: {  	[tilespmem:s4], [sflag:$0x2] =	stream.indirect.gather [hbm4b:s3+s16], $0x80, s16, s16, $0xb8;
	[tilespmem:$0x15380] =	vst v63  }
0x9c: {  	s18 =	rddreg [dreg:$0x12];
	s1 =	simm.s32 $0x6380  }
0x9d: {  	[tilespmem:s1], [sflag:$0x3] =	stream.indirect.gather [hbm4b:s3+s16], $0x80, s18, s16, $0xb8;
	[tilespmem:$0x15380] =	vst v63  }
0x9e: {  	s19 =	rddreg [dreg:$0x13]  }
0x9f: {  	[tilespmem:s25], [sflag:$0x4] =	stream.indirect.gather [hbm4b:s3+s16], $0x80, s19, s16, $0xb8;
	[tilespmem:$0x15380] =	vst v63  }
0xa0: {  	_ =	swait.ge [sflag:s6], $0x2800  }
0xa1: {  	[sflag:s6] =	ssyncset.done $0x0  }
0xa2: {  	s18 =	rddreg [dreg:$0x8];
	[sflag:s6] =	ssyncadd.s32 $0xFFFFD800  }
0xa3: {  	[hbm4b:s18+s2] =	stream.linear.scatter [tilespmem:s5], [sflag:$0x9], $0x2800, $0x38;
	[tilespmem:$0x15380] =	vst v63  }
0xa4: {  	s19 =	rddreg [dreg:$0x14]  }
0xa5: {  	[tilespmem:s23], [sflag:$0x5] =	stream.indirect.gather [hbm4b:s3+s16], $0x80, s19, s16, $0xb8;
	[tilespmem:$0x15380] =	vst v63  }
0xa6: {  	_ =	swait.ge [sflag:s7], $0x2800  }
0xa7: {  	[sflag:s7] =	ssyncset.done $0x0  }
0xa8: {  	s19 =	rddreg [dreg:$0x9];
	[sflag:s7] =	ssyncadd.s32 $0xFFFFD800  }
0xa9: {  	[hbm4b:s19+s2] =	stream.linear.scatter [tilespmem:s4], [sflag:$0xA], $0x2800, $0x38;
	[tilespmem:$0x15380] =	vst v63  }
0xaa: {  	s23 =	rddreg [dreg:$0x15]  }
0xab: {  	[tilespmem:s22], [sflag:$0x6] =	stream.indirect.gather [hbm4b:s3+s16], $0x80, s23, s16, $0xb8;
	[tilespmem:$0x15380] =	vst v63  }
0xac: {  	_ =	swait.ge [sflag:s30], $0x2800  }
0xad: {  	[sflag:s30] =	ssyncset.done $0x0  }
0xae: {  	s19 =	rddreg [dreg:$0xa];
	[sflag:s30] =	ssyncadd.s32 $0xFFFFD800  }
0xaf: {  	[hbm4b:s19+s2] =	stream.linear.scatter [tilespmem:s1], [sflag:$0xB], $0x2800, $0x38;
	[tilespmem:$0x15380] =	vst v63  }
0xb0: {  	s22 =	rddreg [dreg:$0x16]  }
0xb1: {  	[tilespmem:s20], [sflag:$0x7] =	stream.indirect.gather [hbm4b:s3+s16], $0x80, s22, s16, $0xb8;
	[tilespmem:$0x15380] =	vst v63  }
0xb2: {  	_ =	swait.ge [sflag:s29], $0x2800  }
0xb3: {  	[sflag:s29] =	ssyncset.done $0x0  }
0xb4: {  	s23 =	rddreg [dreg:$0xb];
	[sflag:s29] =	ssyncadd.s32 $0xFFFFD800  }
0xb5: {  	[hbm4b:s23+s2] =	stream.linear.scatter [tilespmem:s25], [sflag:$0xC], $0x2800, $0x38;
	[tilespmem:$0x15380] =	vst v63  }
0xb6: {  	s20 =	simm.s32 $0x12B80;
	s19 =	rddreg [dreg:$0x17]  }
0xb7: {  	[tilespmem:s20], [sflag:$0x8] =	stream.indirect.gather [hbm4b:s3+s16], $0x80, s19, s16, $0xb8;
	[tilespmem:$0x15380] =	vst v63  }
0xb8: {  	_ =	swait.ge [sflag:s28], $0x2800  }
0xb9: {  	[sflag:s28] =	ssyncset.done $0x0  }
0xba: {  	s18 =	simm.s32 $0xB380;
	s19 =	rddreg [dreg:$0xc];
	[sflag:s28] =	ssyncadd.s32 $0xFFFFD800  }
0xbb: {  	[hbm4b:s19+s2] =	stream.linear.scatter [tilespmem:s18], [sflag:$0xD], $0x2800, $0x38;
	[tilespmem:$0x15380] =	vst v63  }
0xbc: {  	_ =	swait.ge [sflag:s12], $0x2800  }
0xbd: {  	[sflag:s12] =	ssyncset.done $0x0  }
0xbe: {  	s19 =	rddreg [dreg:$0x18];
	[sflag:s12] =	ssyncadd.s32 $0xFFFFD800  }
0xbf: {  	[tilespmem:s5], [sflag:$0x1] =	stream.indirect.gather [hbm4b:s3+s16], $0x80, s19, s16, $0xb8;
	[tilespmem:$0x15380] =	vst v63  }
0xc0: {  	_ =	swait.ge [sflag:s26], $0x2800  }
0xc1: {  	[sflag:s26] =	ssyncset.done $0x0  }
0xc2: {  	s23 =	simm.s32 $0xDB80;
	s19 =	rddreg [dreg:$0xd];
	[sflag:s26] =	ssyncadd.s32 $0xFFFFD800  }
0xc3: {  	[hbm4b:s19+s2] =	stream.linear.scatter [tilespmem:s23], [sflag:$0xE], $0x2800, $0x38;
	[tilespmem:$0x15380] =	vst v63  }
0xc4: {  	_ =	swait.ge [sflag:s13], $0x2800  }
0xc5: {  	s18 =	rddreg [dreg:$0x19];
	[sflag:s13] =	ssyncset.done $0x0  }
0xc6: {  	s19 =	rddreg [dreg:$0x1a];
	[sflag:s13] =	ssyncadd.s32 $0xFFFFD800  }
0xc7: {  	[tilespmem:s4], [sflag:$0x2] =	stream.indirect.gather [hbm4b:s3+s18], $0x80, s19, s18, $0xb8;
	[tilespmem:$0x15380] =	vst v63  }
0xc8: {  	_ =	swait.ge [sflag:s24], $0x2800  }
0xc9: {  	[sflag:s24] =	ssyncset.done $0x0  }
0xca: {  	s22 =	simm.s32 $0x10380;
	s19 =	rddreg [dreg:$0xe];
	[sflag:s24] =	ssyncadd.s32 $0xFFFFD800  }
0xcb: {  	[hbm4b:s19+s2] =	stream.linear.scatter [tilespmem:s22], [sflag:$0xF], $0x2800, $0x38;
	[tilespmem:$0x15380] =	vst v63  }
0xcc: {  	_ =	swait.ge [sflag:s21], $0x2800  }
0xcd: {  	[sflag:s21] =	ssyncset.done $0x0  }
0xce: {  	s19 =	rddreg [dreg:$0xf];
	[sflag:s21] =	ssyncadd.s32 $0xFFFFD800  }
0xcf: {  	[hbm4b:s19+s2] =	stream.linear.scatter [tilespmem:s20], [sflag:$0x10], $0x2800, $0x38;
	[tilespmem:$0x15380] =	vst v63  }
0xd0: {  	_ =	swait.ge [sflag:s6], $0x2800  }
0xd1: {  	[sflag:s6] =	ssyncset.done $0x0  }
0xd2: {  	s19 =	rddreg [dreg:$0x10];
	[sflag:s6] =	ssyncadd.s32 $0xFFFFD800  }
0xd3: {  	[hbm4b:s19+s2] =	stream.linear.scatter [tilespmem:s5], [sflag:$0x9], $0x2800, $0x38;
	[tilespmem:$0x15380] =	vst v63  }
0xd4: {  	_ =	swait.ge [sflag:s7], $0x2000  }
0xd5: {  	[sflag:s7] =	ssyncset.done $0x0  }
0xd6: {  	s19 =	rddreg [dreg:$0x11];
	[sflag:s7] =	ssyncadd.s32 $0xFFFFE000  }
0xd7: {  	[hbm4b:s19+s2] =	stream.linear.scatter [tilespmem:s4], [sflag:$0xA], $0x2000, $0x38;
	[tilespmem:$0x15380] =	vst v63  }
0xd8: {  	_ =	swait.ge [sflag:s12], $0x2800  }
0xd9: {  	[sflag:s12] =	ssyncset.done $0x0  }
0xda: {  	[sflag:s12] =	ssyncadd.s32 $0xFFFFD800  }
0xdb: {  	_ =	swait.ge [sflag:s13], $0x2000  }
0xdc: {  	[sflag:s13] =	ssyncset.done $0x0  }
0xdd: {  	[sflag:s13] =	ssyncadd.s32 $0xFFFFE000  }
0xde: {  	_ =	swait.ge [sflag:s17], $0x2800  }
0xdf: {  	[sflag:s17] =	ssyncset.done $0x0  }
0xe0: {  	[sflag:s17] =	ssyncadd.s32 $0xFFFFD800  }
0xe1: {  	_ =	swait.ge [sflag:s15], $0x2800  }
0xe2: {  	[sflag:s15] =	ssyncset.done $0x0  }
0xe3: {  	[sflag:s15] =	ssyncadd.s32 $0xFFFFD800  }
0xe4: {  	_ =	swait.ge [sflag:s14], $0x2800  }
0xe5: {  	[sflag:s14] =	ssyncset.done $0x0  }
0xe6: {  	[sflag:s14] =	ssyncadd.s32 $0xFFFFD800  }
0xe7: {  	_ =	swait.ge [sflag:s11], $0x2800  }
0xe8: {  	[sflag:s11] =	ssyncset.done $0x0  }
0xe9: {  	[sflag:s11] =	ssyncadd.s32 $0xFFFFD800  }
0xea: {  	_ =	swait.ge [sflag:s10], $0x2800  }
0xeb: {  	p1 =	sne.s32 s0, $0x1;
	[sflag:s10] =	ssyncset.done $0x0  }
.Ltmp2:
0xec: {  	[sflag:s10] =	ssyncadd.s32 $0xFFFFD800;
	(pc) =	sbr.rel @p1 .LBB2_3-.Ltmp2, $4  }
0xed: {  	_ =	swait.ge [sflag:s9], $0x2800  }
0xee: {  	s0 =	sadd.s32 $0xFFFFFFFF, s0;
	s1 =	simm.s32 $0x380;
	[sflag:s9] =	ssyncset.done $0x0  }
0xef: {  	s25 =	simm.s32 $0x8B80;
	s23 =	simm.s32 $0xB380;
	[sflag:s9] =	ssyncadd.s32 $0xFFFFD800  }
0xf0: {  	s22 =	simm.s32 $0xDB80;
	s20 =	simm.s32 $0x10380;
	_ =	swait.ge [sflag:s8], $0x1000  }
0xf1: {  	s18 =	stileid.u32;
	s19 =	rddreg [dreg:$0x4]  }
.LBB2_5:
0xf2: {  	[sflag:s8] =	ssyncset.done @p0 $0x0  }
0xf3: {  	s0 =	rddreg [dreg:$0x5];
	[sflag:s8] =	ssyncadd.s32 @p0 $0xFFFFF000  }
0xf4: {  	[tilespmem:s2], [sflag:$0x12] =	stream.linear.gather [hbm4b:s0+s2], $0x310, $0x38;
	[tilespmem:$0x15380] =	vst v63  }
0xf5: {  	_ =	swait.ge [sflag:s31], $0x310  }
0xf6: {  	[sflag:s31] =	ssyncset.done $0x0  }
0xf7: {  	s0 =	rddreg [dreg:$0x6];
	[sflag:s31] =	ssyncadd.s32 $0xFFFFFCF0  }
0xf8: {  	[tilespmem:s1], [sflag:$0x12] =	stream.linear.gather [hbm4b:s0+s2], $0x1000, $0x38;
	[tilespmem:$0x15380] =	vst v63  }
0xf9: {  	_ =	swait.ge [sflag:s31], $0x1000  }
0xfa: {  	[sflag:s31] =	ssyncset.done $0x0  }
0xfb: {  	s0 =	rddreg [dreg:$0x7];
	[sflag:s31] =	ssyncadd.s32 $0xFFFFF000  }
0xfc: {  	[hbm4b:s0+s2] =	stream.linear.scatter [tilespmem:s1], [sflag:$0x11], $0x1000, $0x38;
	[tilespmem:$0x15380] =	vst v63  }
0xfd: {  	_ = 	snop  }
0xfe: {  	[tilespmem:s5], [sflag:$0x1] =	stream.indirect.gather [hbm4b:s3+s16], $0x80, s2, s16, $0xb8;
	[tilespmem:$0x15380] =	vst v63  }
0xff: {  	_ = 	snop  }
0x100: {  	[tilespmem:s4], [sflag:$0x2] =	stream.indirect.gather [hbm4b:s3+s16], $0x80, s16, s16, $0xb8;
	[tilespmem:$0x15380] =	vst v63  }
0x101: {  	s31 =	simm.s32 $0x6380;
	s0 =	rddreg [dreg:$0x12]  }
0x102: {  	[tilespmem:s31], [sflag:$0x3] =	stream.indirect.gather [hbm4b:s3+s16], $0x80, s0, s16, $0xb8;
	[tilespmem:$0x15380] =	vst v63  }
0x103: {  	s1 =	rddreg [dreg:$0x13]  }
0x104: {  	[tilespmem:s25], [sflag:$0x4] =	stream.indirect.gather [hbm4b:s3+s16], $0x80, s1, s16, $0xb8;
	[tilespmem:$0x15380] =	vst v63  }
0x105: {  	_ =	swait.ge [sflag:s6], $0x2800  }
0x106: {  	[sflag:s6] =	ssyncset.done $0x0  }
0x107: {  	s0 =	rddreg [dreg:$0x8];
	[sflag:s6] =	ssyncadd.s32 $0xFFFFD800  }
0x108: {  	[hbm4b:s0+s2] =	stream.linear.scatter [tilespmem:s5], [sflag:$0x9], $0x2800, $0x38;
	[tilespmem:$0x15380] =	vst v63  }
0x109: {  	s1 =	rddreg [dreg:$0x14]  }
0x10a: {  	[tilespmem:s23], [sflag:$0x5] =	stream.indirect.gather [hbm4b:s3+s16], $0x80, s1, s16, $0xb8;
	[tilespmem:$0x15380] =	vst v63  }
0x10b: {  	_ =	swait.ge [sflag:s7], $0x2800  }
0x10c: {  	[sflag:s7] =	ssyncset.done $0x0  }
0x10d: {  	s1 =	rddreg [dreg:$0x9];
	[sflag:s7] =	ssyncadd.s32 $0xFFFFD800  }
0x10e: {  	[hbm4b:s1+s2] =	stream.linear.scatter [tilespmem:s4], [sflag:$0xA], $0x2800, $0x38;
	[tilespmem:$0x15380] =	vst v63  }
0x10f: {  	s23 =	rddreg [dreg:$0x15]  }
0x110: {  	[tilespmem:s22], [sflag:$0x6] =	stream.indirect.gather [hbm4b:s3+s16], $0x80, s23, s16, $0xb8;
	[tilespmem:$0x15380] =	vst v63  }
0x111: {  	_ =	swait.ge [sflag:s30], $0x2800  }
0x112: {  	[sflag:s30] =	ssyncset.done $0x0  }
0x113: {  	s22 =	rddreg [dreg:$0xa];
	[sflag:s30] =	ssyncadd.s32 $0xFFFFD800  }
0x114: {  	[hbm4b:s22+s2] =	stream.linear.scatter [tilespmem:s31], [sflag:$0xB], $0x2800, $0x38;
	[tilespmem:$0x15380] =	vst v63  }
0x115: {  	s23 =	rddreg [dreg:$0x16]  }
0x116: {  	[tilespmem:s20], [sflag:$0x7] =	stream.indirect.gather [hbm4b:s3+s16], $0x80, s23, s16, $0xb8;
	[tilespmem:$0x15380] =	vst v63  }
0x117: {  	_ =	swait.ge [sflag:s29], $0x2800  }
0x118: {  	[sflag:s29] =	ssyncset.done $0x0  }
0x119: {  	s30 =	rddreg [dreg:$0xb];
	[sflag:s29] =	ssyncadd.s32 $0xFFFFD800  }
0x11a: {  	[hbm4b:s30+s2] =	stream.linear.scatter [tilespmem:s25], [sflag:$0xC], $0x2800, $0x38;
	[tilespmem:$0x15380] =	vst v63  }
0x11b: {  	s31 =	rddreg [dreg:$0x17];
	s30 =	simm.s32 $0x12B80  }
0x11c: {  	[tilespmem:s30], [sflag:$0x8] =	stream.indirect.gather [hbm4b:s3+s16], $0x80, s31, s16, $0xb8;
	[tilespmem:$0x15380] =	vst v63  }
0x11d: {  	_ =	swait.ge [sflag:s28], $0x2800  }
0x11e: {  	[sflag:s28] =	ssyncset.done $0x0  }
0x11f: {  	s20 =	simm.s32 $0xB380;
	s31 =	rddreg [dreg:$0xc];
	[sflag:s28] =	ssyncadd.s32 $0xFFFFD800  }
0x120: {  	[hbm4b:s31+s2] =	stream.linear.scatter [tilespmem:s20], [sflag:$0xD], $0x2800, $0x38;
	[tilespmem:$0x15380] =	vst v63  }
0x121: {  	_ =	swait.ge [sflag:s12], $0x2800  }
0x122: {  	[sflag:s12] =	ssyncset.done $0x0  }
0x123: {  	s1 =	rddreg [dreg:$0x18];
	[sflag:s12] =	ssyncadd.s32 $0xFFFFD800  }
0x124: {  	[tilespmem:s5], [sflag:$0x1] =	stream.indirect.gather [hbm4b:s3+s16], $0x80, s1, s16, $0xb8;
	[tilespmem:$0x15380] =	vst v63  }
0x125: {  	_ =	swait.ge [sflag:s26], $0x2800  }
0x126: {  	[sflag:s26] =	ssyncset.done $0x0  }
0x127: {  	s22 =	simm.s32 $0xDB80;
	s16 =	rddreg [dreg:$0xd];
	[sflag:s26] =	ssyncadd.s32 $0xFFFFD800  }
0x128: {  	[hbm4b:s16+s2] =	stream.linear.scatter [tilespmem:s22], [sflag:$0xE], $0x2800, $0x38;
	[tilespmem:$0x15380] =	vst v63  }
0x129: {  	_ =	swait.ge [sflag:s13], $0x2800  }
0x12a: {  	s25 =	rddreg [dreg:$0x19];
	[sflag:s13] =	ssyncset.done $0x0  }
0x12b: {  	s26 =	rddreg [dreg:$0x1a];
	[sflag:s13] =	ssyncadd.s32 $0xFFFFD800  }
0x12c: {  	[tilespmem:s4], [sflag:$0x2] =	stream.indirect.gather [hbm4b:s3+s25], $0x80, s26, s25, $0xb8;
	[tilespmem:$0x15380] =	vst v63  }
0x12d: {  	_ =	swait.ge [sflag:s24], $0x2800  }
0x12e: {  	[sflag:s24] =	ssyncset.done $0x0  }
0x12f: {  	s29 =	simm.s32 $0x10380;
	s28 =	rddreg [dreg:$0xe];
	[sflag:s24] =	ssyncadd.s32 $0xFFFFD800  }
0x130: {  	[hbm4b:s28+s2] =	stream.linear.scatter [tilespmem:s29], [sflag:$0xF], $0x2800, $0x38;
	[tilespmem:$0x15380] =	vst v63  }
0x131: {  	_ =	swait.ge [sflag:s21], $0x2800  }
0x132: {  	[sflag:s21] =	ssyncset.done $0x0  }
0x133: {  	s29 =	rddreg [dreg:$0xf];
	[sflag:s21] =	ssyncadd.s32 $0xFFFFD800  }
0x134: {  	[hbm4b:s29+s2] =	stream.linear.scatter [tilespmem:s30], [sflag:$0x10], $0x2800, $0x38;
	[tilespmem:$0x15380] =	vst v63  }
0x135: {  	_ =	swait.ge [sflag:s6], $0x2800  }
0x136: {  	[sflag:s6] =	ssyncset.done $0x0  }
0x137: {  	s30 =	rddreg [dreg:$0x10];
	[sflag:s6] =	ssyncadd.s32 $0xFFFFD800  }
0x138: {  	[hbm4b:s30+s2] =	stream.linear.scatter [tilespmem:s5], [sflag:$0x9], $0x2800, $0x38;
	[tilespmem:$0x15380] =	vst v63  }
0x139: {  	_ =	swait.ge [sflag:s7], $0x2000  }
0x13a: {  	[sflag:s7] =	ssyncset.done $0x0  }
0x13b: {  	s31 =	rddreg [dreg:$0x11];
	[sflag:s7] =	ssyncadd.s32 $0xFFFFE000  }
0x13c: {  	[hbm4b:s31+s2] =	stream.linear.scatter [tilespmem:s4], [sflag:$0xA], $0x2000, $0x38;
	[tilespmem:$0x15380] =	vst v63  }
0x13d: {  	_ =	swait.ge [sflag:s12], $0x2800  }
0x13e: {  	[sflag:s12] =	ssyncset.done $0x0  }
0x13f: {  	[sflag:s12] =	ssyncadd.s32 $0xFFFFD800  }
0x140: {  	_ =	swait.ge [sflag:s13], $0x2000  }
0x141: {  	[sflag:s13] =	ssyncset.done $0x0  }
0x142: {  	[sflag:s13] =	ssyncadd.s32 $0xFFFFE000  }
0x143: {  	_ =	swait.ge [sflag:s17], $0x2800  }
0x144: {  	[sflag:s17] =	ssyncset.done $0x0  }
0x145: {  	[sflag:s17] =	ssyncadd.s32 $0xFFFFD800  }
0x146: {  	_ =	swait.ge [sflag:s15], $0x2800  }
0x147: {  	[sflag:s15] =	ssyncset.done $0x0  }
0x148: {  	[sflag:s15] =	ssyncadd.s32 $0xFFFFD800  }
0x149: {  	_ =	swait.ge [sflag:s14], $0x2800  }
0x14a: {  	[sflag:s14] =	ssyncset.done $0x0  }
0x14b: {  	[sflag:s14] =	ssyncadd.s32 $0xFFFFD800  }
0x14c: {  	_ =	swait.ge [sflag:s11], $0x2800  }
0x14d: {  	[sflag:s11] =	ssyncset.done $0x0  }
0x14e: {  	[sflag:s11] =	ssyncadd.s32 $0xFFFFD800  }
0x14f: {  	_ =	swait.ge [sflag:s10], $0x2800  }
0x150: {  	[sflag:s10] =	ssyncset.done $0x0  }
0x151: {  	[sflag:s10] =	ssyncadd.s32 $0xFFFFD800  }
0x152: {  	_ =	swait.ge [sflag:s9], $0x2800  }
0x153: {  	[sflag:s9] =	ssyncset.done $0x0  }
0x154: {  	[sflag:s9] =	ssyncadd.s32 $0xFFFFD800  }
0x155: {  	_ =	swait.ge [sflag:s8], $0x1000  }
0x156: {  	[sflag:s8] =	ssyncset.done $0x0  }
0x157: {  	[sflag:s8] =	ssyncadd.s32 $0xFFFFF000  }
0x158: {  	_ =	sfence.sel $0x180000  }
0x159: {  	[bflag:$0x0] =	sbarrier.arrive $0xFFFF  }
0x15a: {  	p0 =	sne.s32 s18, $0x0;
	_ =	strace $0x90000047  }
0x15b: {  	s0 =	sadd.s32 @!p0 $0x100000, s19;
	[bflag:$0x2] =	sbarrier.arrive $0xFFFF  }
0x15c: {  	[sflag:s0] =	ssyncadd.tile.s32 @!p0 $0x1;
	_ =	shalt  }
.LBB2_2:
.Ltmp3:
0x15d: {  	(pc) =	sbr.rel .LBB2_5-.Ltmp3, $2  }
0x15e: {  	_ =	sdelay $0x2  }
0x15f: {  	s18 =	stileid.u32;
	s19 =	rddreg [dreg:$0x4]  }
.Lfunc_end2:
_tile_overlayer_lowered:
.L_overlay_start_2:
0x160: {  	(tag) =	ssettag $0x2  }
0x161: {  	s0 =	rddreg [dreg:$0x0];
	s2 =	stileid.u32  }
0x162: {  	s1 =	rddreg [dreg:$0x1];
	p0 =	sne.s32 s2, $0x0  }
0x163: {  	s3 =	rddreg [dreg:$0x2];
	[bflag:$0x3] =	sbarrier.arrive $0xFFFF;
	s2 =	simm.s32 @!p0 $0x1C12  }
0x164: {  	[timem:s3], [sflag:s2] =	dma.local @!p0 [hbm:s0], s1  }
0x165: {  	s0 =	simm.s32 @!p0 $0x12  }
0x166: {  	_ =	swait.ge @!p0 [sflag:s0], s1  }
0x167: {  	s1 =	ssub.s32 @!p0 $0x0, s1;
	[sflag:s0] =	ssyncset.done @!p0 $0x0  }
0x168: {  	[sflag:s0] =	ssyncadd.s32 @!p0 s1  }
0x169: {  	[bflag:$0x3] =	sbarrier.arrive $0xFFFF  }
0x16a: {  	_ =	shalt  }

// kernel: kernel.9.cloned.1.call-start
scs
__scs_entry_jumppad:
0x0: {  	(pc) =	sbr.rel $0x88, $3  }
0x1: {  	(tag) =	ssettag $0x0;
	lr =	simm.s32 $0x1  }
0x2: {  	[smem:$0x3F9A] =	sst lr;
	_ =	strace $0xD0000000  }
0x3: {  	_ = 	snop  }
0x4: {  	_ = 	snop  }
0x5: {  	_ = 	snop  }
0x6: {  	_ = 	snop  }
0x7: {  	_ = 	snop  }
__scs_overlays_trampoline_lowered:
0x8: {  	[smem:$0x3FA9] =	sst s0  }
0x9: {  	[smem:$0x3FAA] =	sst s1  }
0xa: {  	[smem:$0x3FAB] =	sst s2  }
0xb: {  	[smem:$0x3FAC] =	sst s3  }
0xc: {  	[smem:$0x3FAD] =	sst s4  }
0xd: {  	[smem:$0x3FAE] =	sst s5  }
0xe: {  	[smem:$0x3FAF] =	sst s6  }
0xf: {  	[smem:$0x3FB0] =	sst s7  }
0x10: {  	[smem:$0x3FB1] =	sst s8  }
0x11: {  	[smem:$0x3FB2] =	sst s9;
	s0 =	simm.s32 @!p0 $0x0  }
0x12: {  	s1 =	sld [smem:$0x3F98];
	s0 =	simm.s32 @p0 $0x1  }
0x13: {  	[smem:$0x3FB3] =	sst s0;
	s0 =	simm.s32 @!p1 $0x0  }
0x14: {  	s2 =	sld [smem:$0x3F97];
	s0 =	simm.s32 @p1 $0x1  }
0x15: {  	[smem:$0x3FB4] =	sst s0;
	s0 =	simm.s32 @!p2 $0x0  }
0x16: {  	s3 =	sld [smem:$0x3FDB];
	s0 =	simm.s32 @p2 $0x1  }
0x17: {  	s4 =	simm.s32 $0x1BF5;
	[smem:$0x3FB6] =	sst s0  }
0x18: {  	s0 =	sld [smem:$0x3F99];
	_ =	swait.ge [sflag:s4], $0x0  }
0x19: {  	s7 =	sld [smem:$0x3F9A]  }
0x1a: {  	s8 =	sadd.s32 $0xFFFFE003, lr  }
0x1b: {  	s9 =	sadd.s32 $0xFFFFFEF7, lr;
	s5 =	simm.s32 $0xFFFFFFFF;
	p2 =	slt.u32 s8, $0xFFFFF086  }
0x1c: {  	p1 =	slt.u32 s9, $0xF7A;
	s5 =	simm.s32 @!p2 $0x0  }
0x1d: {  	s5 =	simm.s32 @p1 $0x1;
	p0 =	seq.s32 s7, s2  }
0x1e: {  	s7 =	smul.u32 @!p0 $0xF7A, s2;
	p2 =	seq.s32 @!p0 s5, $0x0  }
0x1f: {  	s9 =	smul.u32 $0xF7A, s1;
	s8 =	simm.s32 @!p0 $0x1BF5;
	p2 =	por !p2, p0  }
0x20: {  	[sflag:s8] =	ssyncset.s32 @!p0 $0xFFFFF086;
	s6 =	sadd.s32 @!p0 s3, s7;
	s7 =	simm.s32 @!p0 $0x108  }
0x21: {  	s3 =	sadd.s32 s3, s9;
	s6 =	sadd.s32 @!p0 $0x88, s6;
	s7 =	simm.s32 @p2 $0x1082  }
0x22: {  	[simem:s7], [sflag:s8] =	dma.local @!p0 [hbm:s6], $0xF7A  }
0x23: {  	s9 =	sor.u32 $0xD0000000, s2;
	s6 =	simm.s32 $0x108;
	_ =	swait.ge @!p0 [sflag:s8], $0x0  }
0x24: {  	s3 =	sadd.s32 $0x88, s3;
	s6 =	simm.s32 @!p1 $0x1082;
	[sflag:s4] =	ssyncset.s32 $0xFFFFF086  }
0x25: {  	[simem:s6], [sflag:s4] =	dma.local [hbm:s3], $0xF7A  }
0x26: {  	[smem:$0x3F9A] =	sst s1;
	(tag) =	ssettag s2;
	_ =	strace s9  }
0x27: {  	s1 =	sld [smem:$0x3FAA]  }
0x28: {  	s2 =	sld [smem:$0x3FAB]  }
0x29: {  	s4 =	sld [smem:$0x3FAD]  }
0x2a: {  	p0 =	seq.s32 s5, $0x0;
	s5 =	sld [smem:$0x3FAE]  }
0x2b: {  	s6 =	sld [smem:$0x3FAF]  }
0x2c: {  	s7 =	sld [smem:$0x3FB0]  }
0x2d: {  	s3 =	simm.s32 $0x108;
	s8 =	sld [smem:$0x3FB1]  }
0x2e: {  	s3 =	simm.s32 @!p0 $0x1082;
	s9 =	sld [smem:$0x3FB2]  }
0x2f: {  	lr =	sadd.s32 s0, s3;
	s0 =	sld [smem:$0x3FA9]  }
0x30: {  	s3 =	sld [smem:$0x3FAC]  }
0x31: {  	[smem:$0x3FB5] =	sst s10  }
0x32: {  	s10 =	sld [smem:$0x3FB3];
	_ =	sdelay $0x3  }
0x33: {  	p0 =	seq.s32 s10, $0x1;
	s10 =	sld [smem:$0x3FB5];
	_ =	sdelay $0x3  }
0x34: {  	[smem:$0x3FB5] =	sst s10  }
0x35: {  	s10 =	sld [smem:$0x3FB4];
	_ =	sdelay $0x3  }
0x36: {  	p1 =	seq.s32 s10, $0x1;
	s10 =	sld [smem:$0x3FB5];
	_ =	sdelay $0x3  }
0x37: {  	[smem:$0x3FB5] =	sst s10  }
0x38: {  	s10 =	sld [smem:$0x3FB6]  }
0x39: {  	_ = 	snop;
	(pc) =	sbr.ind lr, $3  }
0x3a: {  	_ = 	snop  }
0x3b: {  	_ = 	snop  }
0x3c: {  	p2 =	seq.s32 s10, $0x1;
	s10 =	sld [smem:$0x3FB5]  }
0x3d: {  	_ =	shalt  }
0x3e: {  	_ =	shalt  }
0x3f: {  	_ =	shalt  }
0x40: {  	_ =	shalt  }
0x41: {  	_ =	shalt  }
0x42: {  	_ =	shalt  }
0x43: {  	_ =	shalt  }
0x44: {  	_ =	shalt  }
0x45: {  	_ =	shalt  }
0x46: {  	_ =	shalt  }
0x47: {  	_ =	shalt  }
0x48: {  	_ =	shalt  }
0x49: {  	_ =	shalt  }
0x4a: {  	_ =	shalt  }
0x4b: {  	_ =	shalt  }
0x4c: {  	_ =	shalt  }
0x4d: {  	_ =	shalt  }
0x4e: {  	_ =	shalt  }
0x4f: {  	_ =	shalt  }
0x50: {  	_ =	shalt  }
0x51: {  	_ =	shalt  }
0x52: {  	_ =	shalt  }
0x53: {  	_ =	shalt  }
0x54: {  	_ =	shalt  }
0x55: {  	_ =	shalt  }
0x56: {  	_ =	shalt  }
0x57: {  	_ =	shalt  }
0x58: {  	_ =	shalt  }
0x59: {  	_ =	shalt  }
0x5a: {  	_ =	shalt  }
0x5b: {  	_ =	shalt  }
0x5c: {  	_ =	shalt  }
0x5d: {  	_ =	shalt  }
0x5e: {  	_ =	shalt  }
0x5f: {  	_ =	shalt  }
0x60: {  	_ =	shalt  }
0x61: {  	_ =	shalt  }
0x62: {  	_ =	shalt  }
0x63: {  	_ =	shalt  }
0x64: {  	_ =	shalt  }
0x65: {  	_ =	shalt  }
0x66: {  	_ =	shalt  }
0x67: {  	_ =	shalt  }
0x68: {  	_ =	shalt  }
0x69: {  	_ =	shalt  }
0x6a: {  	_ =	shalt  }
0x6b: {  	_ =	shalt  }
0x6c: {  	_ =	shalt  }
0x6d: {  	_ =	shalt  }
0x6e: {  	_ =	shalt  }
0x6f: {  	_ =	shalt  }
0x70: {  	_ =	shalt  }
0x71: {  	_ =	shalt  }
0x72: {  	_ =	shalt  }
0x73: {  	_ =	shalt  }
0x74: {  	_ =	shalt  }
0x75: {  	_ =	shalt  }
0x76: {  	_ =	shalt  }
0x77: {  	_ =	shalt  }
0x78: {  	_ =	shalt  }
0x79: {  	_ =	shalt  }
0x7a: {  	_ =	shalt  }
0x7b: {  	_ =	shalt  }
0x7c: {  	_ =	shalt  }
0x7d: {  	_ =	shalt  }
0x7e: {  	_ =	shalt  }
0x7f: {  	_ =	shalt  }
0x80: {  	_ =	shalt  }
0x81: {  	_ =	shalt  }
0x82: {  	_ =	shalt  }
0x83: {  	_ =	shalt  }
0x84: {  	_ =	shalt  }
0x85: {  	_ =	shalt  }
0x86: {  	_ =	shalt  }
0x87: {  	_ =	shalt  }
.Lfunc_end0:
.L_simem_size_0:
called_computation.1_lowered:
.L_overlay_start_0:
0x88: {  	s2 =	sld [smem:$0x3FD9]  }
0x89: {  	s3 =	sld [smem:$0x3FFE];
	_ =	sdelay $0x1  }
0x8a: {  	s1 =	srdreg.scid  }
0x8b: {  	s0 =	sand.u32 $0x1, s1  }
0x8c: {  	s17 =	sshll.u32 s0, $0xA;
	s2 =	sadd.s32 s3, s2  }
0x8d: {  	s2 =	sadd.s32 s2, s17  }
0x8e: {  	[smem:$0x3FC1] =	sst s2  }
0x8f: {  	_ = 	snop  }
0x90: {  	s18 =	sld [smem:$0x3FC7];
	(tm) =	ssettm $0x1  }
0x91: {  	s19 =	sld [smem:$0x3FFB];
	_ =	sdelay $0x3  }
0x92: {  	_ =	strace s19  }
0x93: {  	s2 =	sld [smem:$0x3FFC];
	_ =	sdelay $0x3  }
0x94: {  	_ =	strace s2  }
0x95: {  	s2 =	sld [smem:$0x3FFD];
	_ =	sdelay $0x3  }
0x96: {  	_ =	strace s2  }
0x97: {  	_ =	strace $0x8FFFFFFF  }
0x98: {  	s20 =	sld [smem:$0x3FDB];
	_ =	sdelay $0x1  }
0x99: {  	s4 =	simm.s32 $_scs_section_size  }
0x9a: {  	s5 =	simm.s32 $_size__tile_overlayer_lowered;
	s6 =	simm.s32 $_tile_overlayer_lowered  }
0x9b: {  	s7 =	simm.s32 $0x1BFF;
	s21 =	sshll.u32 s6, $0x1;
	s4 =	sadd.s32 s4, s20  }
0x9c: {  	s22 =	simm.s32 $0x0;
	s5 =	sshll.u32 s5, $0x1;
	s6 =	sadd.s32 s21, s4  }
0x9d: {  	[timem:s22], [sflag:s7] =	dma.local [hbm:s6], s5  }
0x9e: {  	_ =	swait.ge [sflag:s7], s5  }
0x9f: {  	s5 =	ssub.s32 $0x0, s5;
	[sflag:s7] =	ssyncset.done $0x0  }
0xa0: {  	[sflag:s7] =	ssyncadd.s32 s5;
	_ =	sdelay $0x1  }
0xa1: {  	s23 =	simm.s32 $0x1B8B  }
0xa2: {  	_ =	swait.ge [sflag:s23], $0x1  }
0xa3: {  	[sflag:s23] =	ssyncset.done $0x0  }
0xa4: {  	[sflag:s23] =	ssyncadd.s32 $0xFFFFFFFF  }
0xa5: {  	s5 =	sld [smem:$0x0]  }
0xa6: {  	s6 =	sand.u32 $0xFFFFFFFE, s1  }
0xa7: {  	p0 =	sne.s32 s1, s6  }
0xa8: {  	s6 =	sshll.u32 @p0 s6, $0xE  }
0xa9: {  	s6 =	sadd.s32 @p0 $0x11B8D, s6;
	s7 =	sshll.u32 @p0 s5, $0x11  }
0xaa: {  	s6 =	sor.u32 @p0 s7, s6  }
0xab: {  	[sflag:s6] =	ssyncadd.remote.s32 @p0 $0x1;
	_ =	sdelay $0x1  }
0xac: {  	s6 =	simm.s32 @p0 $0x1B8D  }
0xad: {  	_ =	swait.eq @p0 [sflag:s6], $0x1  }
0xae: {  	[sflag:s6] =	ssyncadd.s32 @p0 $0xFFFFFFFF  }
0xaf: {  	s7 =	sshll.u32 @!p0 s1, $0xE  }
0xb0: {  	s7 =	sor.u32 @!p0 $0x4000, s7;
	s6 =	simm.s32 @!p0 $0x1B8D  }
0xb1: {  	s5 =	sshll.u32 @!p0 s5, $0x11;
	s7 =	sadd.s32 @!p0 $0x11B8D, s7;
	_ =	swait.eq @!p0 [sflag:s6], $0x1  }
0xb2: {  	s5 =	sor.u32 @!p0 s5, s7;
	[sflag:s6] =	ssyncadd.s32 @!p0 $0xFFFFFFFF  }
0xb3: {  	s25 =	simm.s32 $0x1B8E;
	s24 =	sld [smem:$0x3FFE];
	[sflag:s5] =	ssyncadd.remote.s32 @!p0 $0x1  }
0xb4: {  	s26 =	simm.s32 $execute0_lowered;
	[smem:$0x3FD2] =	sst s25  }
0xb5: {  	s6 =	sshll.u32 s26, $0x1;
	_ =	strace $0x80000049;
	[dreg:$0x1] =	wrdreg $0xFFFFFFFF  }
0xb6: {  	s28 =	simm.s32 $_size_execute0_lowered;
	s4 =	sadd.s32 s4, s6;
	[dreg:$0x0] =	wrdreg $0x0  }
0xb7: {  	s6 =	sshll.u32 s28, $0x1;
	[dreg:$0x2] =	wrdreg s4  }
0xb8: {  	[dreg:$0x3] =	wrdreg s6  }
0xb9: {  	[dreg:$0x4] =	wrdreg $0xC0  }
0xba: {  	_ =	task [dreg:s22], $0x5FFFF  }
0xbb: {  	[dreg:$0x1] =	wrdreg $0xFFFFFFFF  }
0xbc: {  	[dreg:$0x0] =	wrdreg $0x60  }
0xbd: {  	[dreg:$0x2] =	wrdreg s24  }
0xbe: {  	[dreg:$0x3] =	wrdreg s18  }
0xbf: {  	[dreg:$0x4] =	wrdreg $0xA  }
0xc0: {  	_ =	task.clear_ibuf [dreg:s22], $0x5FFFF;
	_ =	strace $0x90000049  }
0xc1: {  	s29 =	simm.s32 $0xA;
	_ =	strace $0x8000004B  }
0xc2: {  	_ =	swait.ge [sflag:s29], $0x1  }
0xc3: {  	[sflag:s29] =	ssyncadd.s32 $0xFFFFFFFF  }
0xc4: {  	_ =	strace $0x9000004B  }
0xc5: {  	_ =	sfence  }
0xc6: {  	s30 =	sld [smem:$0x0];
	_ =	sdelay $0x2  }
0xc7: {  	s31 =	sshll.u32 s1, $0xD;
	s1 =	sshrl.u32 s1, $0x2  }
0xc8: {  	s4 =	sand.u32 $0x4000, s31;
	s1 =	sadd.s32 s1, s30  }
0xc9: {  	s0 =	sor.u32 s4, s0;
	s1 =	sshll.u32 s1, $0x11  }
0xca: {  	s0 =	sor.u32 s1, s0  }
0xcb: {  	s0 =	sadd.s32 $0x8F2B, s0  }
0xcc: {  	[sflag:s0] =	ssyncadd.remote.s32 $0x1  }
0xcd: {  	_ =	sfence.sel $0xFFFF  }
0xce: {  	[dreg:$0x0] =	wrdreg $0xFFFFFFFF;
	(pc) =	sbr.abs _section_cstart, $3  }
0xcf: {  	[dreg:$0x1] =	wrdreg $0xFFFFFFFF  }
0xd0: {  	_ =	task.clear_ibuf [dreg:s22], $0x2FFFF;
	_ =	strace $0x9FFFFFFF  }
0xd1: {  	(tm) =	ssettm $0x7FFFFFFF  }
tec
execute0_lowered:
.L_overlay_start_1:
0x0: {  	(tag) =	ssettag $0x1  }
0x1: {  	s0 =	srdreg.scid  }
0x2: {  	s1 =	stileid.u32;
	s4 =	rddreg [dreg:$0x0]  }
0x3: {  	s3 =	rddreg [dreg:$0x1];
	s2 =	simm.s32 $0x0;
	s31 =	simm.s32 $0x11  }
0x4: {  	s17 =	simm.s32 $0x50;
	s15 =	simm.s32 $0xA0;
	s16 =	simm.s32 $0xF0  }
0x5: {  	s24 =	simm.s32 $0x7B80;
	s18 =	simm.s32 $0x140;
	s19 =	simm.s32 $0x190  }
0x6: {  	s23 =	simm.s32 $0xA380;
	s21 =	simm.s32 $0xCB80;
	s20 =	simm.s32 $0x1E0  }
0x7: {  	s22 =	simm.s32 $0x230;
	s30 =	simm.s32 $0x4;
	[smem:$0x7FF] =	sst s2  }
0x8: {  	s29 =	simm.s32 $0x5;
	_ =	strace $0x8000004A;
	[dreg:$0xf] =	wrdreg s15  }
0x9: {  	s25 =	simm.s32 $0x280;
	s28 =	simm.s32 $0x6;
	[dreg:$0x10] =	wrdreg s16  }
0xa: {  	s0 =	sand.u32 $0x1, s0;
	s1 =	sshll.u32 s1, $0x1;
	[dreg:$0x11] =	wrdreg s18  }
0xb: {  	p0 =	por $0x0, $0x0;
	s1 =	sor.u32 s0, s1;
	[dreg:$0x12] =	wrdreg s19  }
0xc: {  	s0 =	ssub.s32 $0x2, s0;
	[dreg:$0x13] =	wrdreg s20;
	s5 =	smul.u32 $0x330, s1  }
0xd: {  	s20 =	simm.s32 $0xF380;
	[dreg:$0x14] =	wrdreg s22;
	s19 =	simm.s32 $0x11B80  }
0xe: {  	[dreg:$0x15] =	wrdreg s25;
	s6 =	smul.u32 $0x19800, s1;
	s5 =	sshrl.u32 s5, $0x3  }
0xf: {  	s25 =	simm.s32 $0x7;
	s1 =	smul.u32 $0x3300, s1;
	s5 =	sadd.s32 s4, s5  }
0x10: {  	s6 =	sshrl.u32 s6, $0x3;
	s4 =	sadd.s32 $0x2E00, s4;
	s5 =	sadd.s32 $0x2040, s5  }
0x11: {  	s1 =	sadd.s32 s4, s1;
	s4 =	sadd.s32 s4, s6;
	[dreg:$0x3] =	wrdreg s5  }
0x12: {  	s22 =	simm.s32 $0x8;
	[dreg:$0x4] =	wrdreg s1;
	s26 =	sadd.s32 $0x500, s4  }
0x13: {  	s18 =	simm.s32 $0xC;
	s5 =	sadd.s32 $0xA00, s4;
	[dreg:$0x5] =	wrdreg s26  }
0x14: {  	s16 =	simm.s32 $0xD;
	s6 =	sadd.s32 $0xF00, s4;
	[dreg:$0x6] =	wrdreg s5  }
0x15: {  	s15 =	simm.s32 $0xE;
	s7 =	sadd.s32 $0x1400, s4;
	[dreg:$0x7] =	wrdreg s6  }
0x16: {  	s13 =	sshrl.u32 s0, $0x1;
	s8 =	sadd.s32 $0x1900, s4;
	[dreg:$0x8] =	wrdreg s7  }
0x17: {  	s0 =	ssub.s32 s0, s13;
	s9 =	sadd.s32 $0x1E00, s4;
	[dreg:$0x9] =	wrdreg s8  }
0x18: {  	s13 =	simm.s32 $0xA;
	s10 =	sadd.s32 $0x2300, s4;
	[dreg:$0xa] =	wrdreg s9  }
0x19: {  	s0 =	smax.u32 s0, $0x1;
	s11 =	sadd.s32 $0x2800, s4;
	[dreg:$0xb] =	wrdreg s10  }
0x1a: {  	p1 =	sne.s32 s0, $0x1;
	s12 =	sadd.s32 $0x2D00, s4;
	[dreg:$0xc] =	wrdreg s11  }
0x1b: {  	s14 =	sadd.s32 $0x3200, s4;
	s4 =	simm.s32 $0x5380;
	[dreg:$0xd] =	wrdreg s12  }
.Ltmp0:
0x1c: {  	[dreg:$0xe] =	wrdreg s14;
	s6 =	simm.s32 $0x380;
	(pc) =	sbr.rel @!p1 .LBB2_1-.Ltmp0, $4  }
0x1d: {  	s5 =	simm.s32 $0x2B80;
	s10 =	simm.s32 $0x1;
	s9 =	simm.s32 $0x2  }
0x1e: {  	s8 =	simm.s32 $0x3;
	s11 =	simm.s32 $0x9;
	s26 =	simm.s32 $0x2D0  }
0x1f: {  	s14 =	simm.s32 $0xB;
	s7 =	simm.s32 $0x10;
	[dreg:$0x16] =	wrdreg s26  }
0x20: {  	s12 =	simm.s32 $0xF;
	s26 =	sadd.s32 $0xFFFFFFFF, s0;
	s0 =	rddreg [dreg:$0x3]  }
0x21: {  	[tilespmem:s2], [sflag:$0x11] =	stream.linear.gather [hbm4b:s0+s2], $0x330, $0x38;
	[tilespmem:$0x14380] =	vst v63  }
0x22: {  	_ =	swait.ge [sflag:s31], $0x330  }
0x23: {  	[sflag:s31] =	ssyncset.done $0x0  }
0x24: {  	[sflag:s31] =	ssyncadd.s32 $0xFFFFFCD0  }
0x25: {  	[tilespmem:s6], [sflag:$0x1] =	stream.indirect.gather [hbm4b:s3+s17], $0x80, s2, s17, $0xb8;
	[tilespmem:$0x14380] =	vst v63  }
0x26: {  	_ = 	snop  }
0x27: {  	[tilespmem:s5], [sflag:$0x2] =	stream.indirect.gather [hbm4b:s3+s17], $0x80, s17, s17, $0xb8;
	[tilespmem:$0x14380] =	vst v63  }
0x28: {  	s0 =	rddreg [dreg:$0xf]  }
0x29: {  	[tilespmem:s4], [sflag:$0x3] =	stream.indirect.gather [hbm4b:s3+s17], $0x80, s0, s17, $0xb8;
	[tilespmem:$0x14380] =	vst v63  }
0x2a: {  	s1 =	rddreg [dreg:$0x10]  }
0x2b: {  	[tilespmem:s24], [sflag:$0x4] =	stream.indirect.gather [hbm4b:s3+s17], $0x80, s1, s17, $0xb8;
	[tilespmem:$0x14380] =	vst v63  }
0x2c: {  	_ =	swait.ge [sflag:s10], $0x2800  }
0x2d: {  	[sflag:s10] =	ssyncset.done $0x0  }
0x2e: {  	s0 =	rddreg [dreg:$0x4];
	[sflag:s10] =	ssyncadd.s32 $0xFFFFD800  }
0x2f: {  	[hbm4b:s0+s2] =	stream.linear.scatter [tilespmem:s6], [sflag:$0x9], $0x2800, $0x38;
	[tilespmem:$0x14380] =	vst v63  }
0x30: {  	s1 =	rddreg [dreg:$0x11]  }
0x31: {  	[tilespmem:s23], [sflag:$0x5] =	stream.indirect.gather [hbm4b:s3+s17], $0x80, s1, s17, $0xb8;
	[tilespmem:$0x14380] =	vst v63  }
0x32: {  	_ =	swait.ge [sflag:s9], $0x2800  }
0x33: {  	[sflag:s9] =	ssyncset.done $0x0  }
0x34: {  	s0 =	rddreg [dreg:$0x5];
	[sflag:s9] =	ssyncadd.s32 $0xFFFFD800  }
0x35: {  	[hbm4b:s0+s2] =	stream.linear.scatter [tilespmem:s5], [sflag:$0xA], $0x2800, $0x38;
	[tilespmem:$0x14380] =	vst v63  }
0x36: {  	s1 =	rddreg [dreg:$0x12]  }
0x37: {  	[tilespmem:s21], [sflag:$0x6] =	stream.indirect.gather [hbm4b:s3+s17], $0x80, s1, s17, $0xb8;
	[tilespmem:$0x14380] =	vst v63  }
0x38: {  	_ =	swait.ge [sflag:s8], $0x2800  }
0x39: {  	[sflag:s8] =	ssyncset.done $0x0  }
0x3a: {  	s0 =	rddreg [dreg:$0x6];
	[sflag:s8] =	ssyncadd.s32 $0xFFFFD800  }
0x3b: {  	[hbm4b:s0+s2] =	stream.linear.scatter [tilespmem:s4], [sflag:$0xB], $0x2800, $0x38;
	[tilespmem:$0x14380] =	vst v63  }
0x3c: {  	s1 =	rddreg [dreg:$0x13]  }
0x3d: {  	[tilespmem:s20], [sflag:$0x7] =	stream.indirect.gather [hbm4b:s3+s17], $0x80, s1, s17, $0xb8;
	[tilespmem:$0x14380] =	vst v63  }
0x3e: {  	_ =	swait.ge [sflag:s30], $0x2800  }
0x3f: {  	[sflag:s30] =	ssyncset.done $0x0  }
0x40: {  	s0 =	rddreg [dreg:$0x7];
	[sflag:s30] =	ssyncadd.s32 $0xFFFFD800  }
0x41: {  	[hbm4b:s0+s2] =	stream.linear.scatter [tilespmem:s24], [sflag:$0xC], $0x2800, $0x38;
	[tilespmem:$0x14380] =	vst v63  }
0x42: {  	s1 =	rddreg [dreg:$0x14]  }
0x43: {  	[tilespmem:s19], [sflag:$0x8] =	stream.indirect.gather [hbm4b:s3+s17], $0x80, s1, s17, $0xb8;
	[tilespmem:$0x14380] =	vst v63  }
0x44: {  	_ =	swait.ge [sflag:s29], $0x2800  }
0x45: {  	[sflag:s29] =	ssyncset.done $0x0  }
0x46: {  	s1 =	rddreg [dreg:$0x8];
	[sflag:s29] =	ssyncadd.s32 $0xFFFFD800  }
0x47: {  	[hbm4b:s1+s2] =	stream.linear.scatter [tilespmem:s23], [sflag:$0xD], $0x2800, $0x38;
	[tilespmem:$0x14380] =	vst v63  }
0x48: {  	_ =	swait.ge [sflag:s11], $0x2800  }
0x49: {  	[sflag:s11] =	ssyncset.done $0x0  }
0x4a: {  	s1 =	rddreg [dreg:$0x15];
	[sflag:s11] =	ssyncadd.s32 $0xFFFFD800  }
0x4b: {  	[tilespmem:s6], [sflag:$0x1] =	stream.indirect.gather [hbm4b:s3+s17], $0x80, s1, s17, $0xb8;
	[tilespmem:$0x14380] =	vst v63  }
0x4c: {  	_ =	swait.ge [sflag:s28], $0x2800  }
0x4d: {  	[sflag:s28] =	ssyncset.done $0x0  }
0x4e: {  	s1 =	rddreg [dreg:$0x9];
	[sflag:s28] =	ssyncadd.s32 $0xFFFFD800  }
0x4f: {  	[hbm4b:s1+s2] =	stream.linear.scatter [tilespmem:s21], [sflag:$0xE], $0x2800, $0x38;
	[tilespmem:$0x14380] =	vst v63  }
0x50: {  	_ =	swait.ge [sflag:s13], $0x2800  }
0x51: {  	[sflag:s13] =	ssyncset.done $0x0  }
0x52: {  	s1 =	rddreg [dreg:$0x16];
	[sflag:s13] =	ssyncadd.s32 $0xFFFFD800  }
0x53: {  	[tilespmem:s5], [sflag:$0x2] =	stream.indirect.gather [hbm4b:s3+s17], $0x80, s1, s17, $0xb8;
	[tilespmem:$0x14380] =	vst v63  }
0x54: {  	_ =	swait.ge [sflag:s25], $0x2800  }
0x55: {  	[sflag:s25] =	ssyncset.done $0x0  }
0x56: {  	s1 =	rddreg [dreg:$0xa];
	[sflag:s25] =	ssyncadd.s32 $0xFFFFD800  }
0x57: {  	[hbm4b:s1+s2] =	stream.linear.scatter [tilespmem:s20], [sflag:$0xF], $0x2800, $0x38;
	[tilespmem:$0x14380] =	vst v63  }
0x58: {  	_ =	swait.ge [sflag:s14], $0x2800  }
0x59: {  	[sflag:s14] =	ssyncset.done $0x0  }
0x5a: {  	s1 =	simm.s32 $0x320;
	[sflag:s14] =	ssyncadd.s32 $0xFFFFD800  }
0x5b: {  	[tilespmem:s4], [sflag:$0x3] =	stream.indirect.gather [hbm4b:s3+s7], $0x80, s1, s7, $0xb8;
	[tilespmem:$0x14380] =	vst v63  }
0x5c: {  	_ =	swait.ge [sflag:s22], $0x2800  }
0x5d: {  	[sflag:s22] =	ssyncset.done $0x0  }
0x5e: {  	s1 =	rddreg [dreg:$0xb];
	[sflag:s22] =	ssyncadd.s32 $0xFFFFD800  }
0x5f: {  	[hbm4b:s1+s2] =	stream.linear.scatter [tilespmem:s19], [sflag:$0x10], $0x2800, $0x38;
	[tilespmem:$0x14380] =	vst v63  }
0x60: {  	_ =	swait.ge [sflag:s10], $0x2800  }
0x61: {  	[sflag:s10] =	ssyncset.done $0x0  }
0x62: {  	s1 =	rddreg [dreg:$0xc];
	[sflag:s10] =	ssyncadd.s32 $0xFFFFD800  }
0x63: {  	[hbm4b:s1+s2] =	stream.linear.scatter [tilespmem:s6], [sflag:$0x9], $0x2800, $0x38;
	[tilespmem:$0x14380] =	vst v63  }
0x64: {  	_ =	swait.ge [sflag:s9], $0x2800  }
0x65: {  	[sflag:s9] =	ssyncset.done $0x0  }
0x66: {  	s1 =	rddreg [dreg:$0xd];
	[sflag:s9] =	ssyncadd.s32 $0xFFFFD800  }
0x67: {  	[hbm4b:s1+s2] =	stream.linear.scatter [tilespmem:s5], [sflag:$0xA], $0x2800, $0x38;
	[tilespmem:$0x14380] =	vst v63  }
0x68: {  	_ =	swait.ge [sflag:s8], $0x800  }
0x69: {  	[sflag:s8] =	ssyncset.done $0x0  }
0x6a: {  	s1 =	rddreg [dreg:$0xe];
	[sflag:s8] =	ssyncadd.s32 $0xFFFFF800  }
0x6b: {  	[hbm4b:s1+s2] =	stream.linear.scatter [tilespmem:s4], [sflag:$0xB], $0x800, $0x38;
	[tilespmem:$0x14380] =	vst v63  }
0x6c: {  	_ =	swait.ge [sflag:s11], $0x2800  }
0x6d: {  	[sflag:s11] =	ssyncset.done $0x0  }
0x6e: {  	[sflag:s11] =	ssyncadd.s32 $0xFFFFD800  }
0x6f: {  	_ =	swait.ge [sflag:s13], $0x2800  }
0x70: {  	[sflag:s13] =	ssyncset.done $0x0  }
0x71: {  	[sflag:s13] =	ssyncadd.s32 $0xFFFFD800  }
0x72: {  	_ =	swait.ge [sflag:s14], $0x800  }
0x73: {  	[sflag:s14] =	ssyncset.done $0x0  }
0x74: {  	[sflag:s14] =	ssyncadd.s32 $0xFFFFF800  }
0x75: {  	_ =	swait.ge [sflag:s18], $0x2800  }
0x76: {  	[sflag:s18] =	ssyncset.done $0x0  }
0x77: {  	[sflag:s18] =	ssyncadd.s32 $0xFFFFD800  }
0x78: {  	_ =	swait.ge [sflag:s16], $0x2800  }
0x79: {  	[sflag:s16] =	ssyncset.done $0x0  }
0x7a: {  	[sflag:s16] =	ssyncadd.s32 $0xFFFFD800  }
0x7b: {  	_ =	swait.ge [sflag:s15], $0x2800  }
0x7c: {  	[sflag:s15] =	ssyncset.done $0x0  }
0x7d: {  	p1 =	sne.s32 s26, $0x1;
	[sflag:s15] =	ssyncadd.s32 $0xFFFFD800  }
.Ltmp1:
0x7e: {  	_ =	swait.ge [sflag:s12], $0x2800;
	(pc) =	sbr.rel @!p1 .LBB2_3-.Ltmp1, $4  }
0x7f: {  	[sflag:s12] =	ssyncset.done $0x0  }
0x80: {  	[sflag:s12] =	ssyncadd.s32 $0xFFFFD800  }
0x81: {  	p0 =	por $0x1, $0x1;
	_ =	swait.ge [sflag:s7], $0x2800  }
0x82: {  	s1 =	sadd.s32 $0xFFFFFFFF, s26;
	s0 =	rddreg [dreg:$0x3];
	[sflag:s7] =	ssyncset.done $0x0  }
.LBB2_4:
0x83: {  	[sflag:s7] =	ssyncadd.s32 $0xFFFFD800  }
0x84: {  	[tilespmem:s2], [sflag:$0x11] =	stream.linear.gather [hbm4b:s0+s2], $0x330, $0x38;
	[tilespmem:$0x14380] =	vst v63  }
0x85: {  	_ =	swait.ge [sflag:s31], $0x330  }
0x86: {  	[sflag:s31] =	ssyncset.done $0x0  }
0x87: {  	[sflag:s31] =	ssyncadd.s32 $0xFFFFFCD0  }
0x88: {  	[tilespmem:s6], [sflag:$0x1] =	stream.indirect.gather [hbm4b:s3+s17], $0x80, s2, s17, $0xb8;
	[tilespmem:$0x14380] =	vst v63  }
0x89: {  	_ = 	snop  }
0x8a: {  	[tilespmem:s5], [sflag:$0x2] =	stream.indirect.gather [hbm4b:s3+s17], $0x80, s17, s17, $0xb8;
	[tilespmem:$0x14380] =	vst v63  }
0x8b: {  	s0 =	rddreg [dreg:$0xf]  }
0x8c: {  	[tilespmem:s4], [sflag:$0x3] =	stream.indirect.gather [hbm4b:s3+s17], $0x80, s0, s17, $0xb8;
	[tilespmem:$0x14380] =	vst v63  }
0x8d: {  	s26 =	rddreg [dreg:$0x10]  }
0x8e: {  	[tilespmem:s24], [sflag:$0x4] =	stream.indirect.gather [hbm4b:s3+s17], $0x80, s26, s17, $0xb8;
	[tilespmem:$0x14380] =	vst v63  }
0x8f: {  	_ =	swait.ge [sflag:s10], $0x2800  }
0x90: {  	[sflag:s10] =	ssyncset.done $0x0  }
0x91: {  	s0 =	rddreg [dreg:$0x4];
	[sflag:s10] =	ssyncadd.s32 $0xFFFFD800  }
0x92: {  	[hbm4b:s0+s2] =	stream.linear.scatter [tilespmem:s6], [sflag:$0x9], $0x2800, $0x38;
	[tilespmem:$0x14380] =	vst v63  }
0x93: {  	s26 =	rddreg [dreg:$0x11]  }
0x94: {  	[tilespmem:s23], [sflag:$0x5] =	stream.indirect.gather [hbm4b:s3+s17], $0x80, s26, s17, $0xb8;
	[tilespmem:$0x14380] =	vst v63  }
0x95: {  	_ =	swait.ge [sflag:s9], $0x2800  }
0x96: {  	[sflag:s9] =	ssyncset.done $0x0  }
0x97: {  	s0 =	rddreg [dreg:$0x5];
	[sflag:s9] =	ssyncadd.s32 $0xFFFFD800  }
0x98: {  	[hbm4b:s0+s2] =	stream.linear.scatter [tilespmem:s5], [sflag:$0xA], $0x2800, $0x38;
	[tilespmem:$0x14380] =	vst v63  }
0x99: {  	s26 =	rddreg [dreg:$0x12]  }
0x9a: {  	[tilespmem:s21], [sflag:$0x6] =	stream.indirect.gather [hbm4b:s3+s17], $0x80, s26, s17, $0xb8;
	[tilespmem:$0x14380] =	vst v63  }
0x9b: {  	_ =	swait.ge [sflag:s8], $0x2800  }
0x9c: {  	[sflag:s8] =	ssyncset.done $0x0  }
0x9d: {  	s0 =	rddreg [dreg:$0x6];
	[sflag:s8] =	ssyncadd.s32 $0xFFFFD800  }
0x9e: {  	[hbm4b:s0+s2] =	stream.linear.scatter [tilespmem:s4], [sflag:$0xB], $0x2800, $0x38;
	[tilespmem:$0x14380] =	vst v63  }
0x9f: {  	s26 =	rddreg [dreg:$0x13]  }
0xa0: {  	[tilespmem:s20], [sflag:$0x7] =	stream.indirect.gather [hbm4b:s3+s17], $0x80, s26, s17, $0xb8;
	[tilespmem:$0x14380] =	vst v63  }
0xa1: {  	_ =	swait.ge [sflag:s30], $0x2800  }
0xa2: {  	[sflag:s30] =	ssyncset.done $0x0  }
0xa3: {  	s0 =	rddreg [dreg:$0x7];
	[sflag:s30] =	ssyncadd.s32 $0xFFFFD800  }
0xa4: {  	[hbm4b:s0+s2] =	stream.linear.scatter [tilespmem:s24], [sflag:$0xC], $0x2800, $0x38;
	[tilespmem:$0x14380] =	vst v63  }
0xa5: {  	s26 =	rddreg [dreg:$0x14]  }
0xa6: {  	[tilespmem:s19], [sflag:$0x8] =	stream.indirect.gather [hbm4b:s3+s17], $0x80, s26, s17, $0xb8;
	[tilespmem:$0x14380] =	vst v63  }
0xa7: {  	_ =	swait.ge [sflag:s29], $0x2800  }
0xa8: {  	[sflag:s29] =	ssyncset.done $0x0  }
0xa9: {  	s26 =	rddreg [dreg:$0x8];
	[sflag:s29] =	ssyncadd.s32 $0xFFFFD800  }
0xaa: {  	[hbm4b:s26+s2] =	stream.linear.scatter [tilespmem:s23], [sflag:$0xD], $0x2800, $0x38;
	[tilespmem:$0x14380] =	vst v63  }
0xab: {  	_ =	swait.ge [sflag:s11], $0x2800  }
0xac: {  	[sflag:s11] =	ssyncset.done $0x0  }
0xad: {  	s26 =	rddreg [dreg:$0x15];
	[sflag:s11] =	ssyncadd.s32 $0xFFFFD800  }
0xae: {  	[tilespmem:s6], [sflag:$0x1] =	stream.indirect.gather [hbm4b:s3+s17], $0x80, s26, s17, $0xb8;
	[tilespmem:$0x14380] =	vst v63  }
0xaf: {  	_ =	swait.ge [sflag:s28], $0x2800  }
0xb0: {  	[sflag:s28] =	ssyncset.done $0x0  }
0xb1: {  	s26 =	rddreg [dreg:$0x9];
	[sflag:s28] =	ssyncadd.s32 $0xFFFFD800  }
0xb2: {  	[hbm4b:s26+s2] =	stream.linear.scatter [tilespmem:s21], [sflag:$0xE], $0x2800, $0x38;
	[tilespmem:$0x14380] =	vst v63  }
0xb3: {  	_ =	swait.ge [sflag:s13], $0x2800  }
0xb4: {  	[sflag:s13] =	ssyncset.done $0x0  }
0xb5: {  	s26 =	rddreg [dreg:$0x16];
	[sflag:s13] =	ssyncadd.s32 $0xFFFFD800  }
0xb6: {  	[tilespmem:s5], [sflag:$0x2] =	stream.indirect.gather [hbm4b:s3+s17], $0x80, s26, s17, $0xb8;
	[tilespmem:$0x14380] =	vst v63  }
0xb7: {  	_ =	swait.ge [sflag:s25], $0x2800  }
0xb8: {  	[sflag:s25] =	ssyncset.done $0x0  }
0xb9: {  	s26 =	rddreg [dreg:$0xa];
	[sflag:s25] =	ssyncadd.s32 $0xFFFFD800  }
0xba: {  	[hbm4b:s26+s2] =	stream.linear.scatter [tilespmem:s20], [sflag:$0xF], $0x2800, $0x38;
	[tilespmem:$0x14380] =	vst v63  }
0xbb: {  	_ =	swait.ge [sflag:s14], $0x2800  }
0xbc: {  	[sflag:s14] =	ssyncset.done $0x0  }
0xbd: {  	s26 =	simm.s32 $0x320;
	[sflag:s14] =	ssyncadd.s32 $0xFFFFD800  }
0xbe: {  	[tilespmem:s4], [sflag:$0x3] =	stream.indirect.gather [hbm4b:s3+s7], $0x80, s26, s7, $0xb8;
	[tilespmem:$0x14380] =	vst v63  }
0xbf: {  	_ =	swait.ge [sflag:s22], $0x2800  }
0xc0: {  	[sflag:s22] =	ssyncset.done $0x0  }
0xc1: {  	s26 =	rddreg [dreg:$0xb];
	[sflag:s22] =	ssyncadd.s32 $0xFFFFD800  }
0xc2: {  	[hbm4b:s26+s2] =	stream.linear.scatter [tilespmem:s19], [sflag:$0x10], $0x2800, $0x38;
	[tilespmem:$0x14380] =	vst v63  }
0xc3: {  	_ =	swait.ge [sflag:s10], $0x2800  }
0xc4: {  	[sflag:s10] =	ssyncset.done $0x0  }
0xc5: {  	s26 =	rddreg [dreg:$0xc];
	[sflag:s10] =	ssyncadd.s32 $0xFFFFD800  }
0xc6: {  	[hbm4b:s26+s2] =	stream.linear.scatter [tilespmem:s6], [sflag:$0x9], $0x2800, $0x38;
	[tilespmem:$0x14380] =	vst v63  }
0xc7: {  	_ =	swait.ge [sflag:s9], $0x2800  }
0xc8: {  	[sflag:s9] =	ssyncset.done $0x0  }
0xc9: {  	s26 =	rddreg [dreg:$0xd];
	[sflag:s9] =	ssyncadd.s32 $0xFFFFD800  }
0xca: {  	[hbm4b:s26+s2] =	stream.linear.scatter [tilespmem:s5], [sflag:$0xA], $0x2800, $0x38;
	[tilespmem:$0x14380] =	vst v63  }
0xcb: {  	_ =	swait.ge [sflag:s8], $0x800  }
0xcc: {  	[sflag:s8] =	ssyncset.done $0x0  }
0xcd: {  	s26 =	rddreg [dreg:$0xe];
	[sflag:s8] =	ssyncadd.s32 $0xFFFFF800  }
0xce: {  	[hbm4b:s26+s2] =	stream.linear.scatter [tilespmem:s4], [sflag:$0xB], $0x800, $0x38;
	[tilespmem:$0x14380] =	vst v63  }
0xcf: {  	_ =	swait.ge [sflag:s11], $0x2800  }
0xd0: {  	[sflag:s11] =	ssyncset.done $0x0  }
0xd1: {  	[sflag:s11] =	ssyncadd.s32 $0xFFFFD800  }
0xd2: {  	_ =	swait.ge [sflag:s13], $0x2800  }
0xd3: {  	[sflag:s13] =	ssyncset.done $0x0  }
0xd4: {  	[sflag:s13] =	ssyncadd.s32 $0xFFFFD800  }
0xd5: {  	_ =	swait.ge [sflag:s14], $0x800  }
0xd6: {  	[sflag:s14] =	ssyncset.done $0x0  }
0xd7: {  	[sflag:s14] =	ssyncadd.s32 $0xFFFFF800  }
0xd8: {  	_ =	swait.ge [sflag:s18], $0x2800  }
0xd9: {  	[sflag:s18] =	ssyncset.done $0x0  }
0xda: {  	[sflag:s18] =	ssyncadd.s32 $0xFFFFD800  }
0xdb: {  	_ =	swait.ge [sflag:s16], $0x2800  }
0xdc: {  	[sflag:s16] =	ssyncset.done $0x0  }
0xdd: {  	[sflag:s16] =	ssyncadd.s32 $0xFFFFD800  }
0xde: {  	_ =	swait.ge [sflag:s15], $0x2800  }
0xdf: {  	[sflag:s15] =	ssyncset.done $0x0  }
0xe0: {  	p1 =	sne.s32 s1, $0x1;
	[sflag:s15] =	ssyncadd.s32 $0xFFFFD800  }
.Ltmp2:
0xe1: {  	_ =	swait.ge [sflag:s12], $0x2800;
	(pc) =	sbr.rel @p1 .LBB2_4-.Ltmp2, $4  }
0xe2: {  	[sflag:s12] =	ssyncset.done $0x0  }
0xe3: {  	[sflag:s12] =	ssyncadd.s32 $0xFFFFD800  }
0xe4: {  	_ =	swait.ge [sflag:s7], $0x2800  }
0xe5: {  	s1 =	sadd.s32 $0xFFFFFFFF, s1;
	s0 =	rddreg [dreg:$0x3];
	[sflag:s7] =	ssyncset.done $0x0  }
0xe6: {  	s26 =	simm.s32 $0x320  }
.LBB2_6:
0xe7: {  	[sflag:s7] =	ssyncadd.s32 @p0 $0xFFFFD800  }
0xe8: {  	[tilespmem:s2], [sflag:$0x11] =	stream.linear.gather [hbm4b:s0+s2], $0x330, $0x38;
	[tilespmem:$0x14380] =	vst v63  }
0xe9: {  	_ =	swait.ge [sflag:s31], $0x330  }
0xea: {  	[sflag:s31] =	ssyncset.done $0x0  }
0xeb: {  	[sflag:s31] =	ssyncadd.s32 $0xFFFFFCD0  }
0xec: {  	[tilespmem:s6], [sflag:$0x1] =	stream.indirect.gather [hbm4b:s3+s17], $0x80, s2, s17, $0xb8;
	[tilespmem:$0x14380] =	vst v63  }
0xed: {  	_ = 	snop  }
0xee: {  	[tilespmem:s5], [sflag:$0x2] =	stream.indirect.gather [hbm4b:s3+s17], $0x80, s17, s17, $0xb8;
	[tilespmem:$0x14380] =	vst v63  }
0xef: {  	s31 =	rddreg [dreg:$0xf]  }
0xf0: {  	[tilespmem:s4], [sflag:$0x3] =	stream.indirect.gather [hbm4b:s3+s17], $0x80, s31, s17, $0xb8;
	[tilespmem:$0x14380] =	vst v63  }
0xf1: {  	s1 =	rddreg [dreg:$0x10]  }
0xf2: {  	[tilespmem:s24], [sflag:$0x4] =	stream.indirect.gather [hbm4b:s3+s17], $0x80, s1, s17, $0xb8;
	[tilespmem:$0x14380] =	vst v63  }
0xf3: {  	_ =	swait.ge [sflag:s10], $0x2800  }
0xf4: {  	[sflag:s10] =	ssyncset.done $0x0  }
0xf5: {  	s1 =	rddreg [dreg:$0x4];
	[sflag:s10] =	ssyncadd.s32 $0xFFFFD800  }
0xf6: {  	[hbm4b:s1+s2] =	stream.linear.scatter [tilespmem:s6], [sflag:$0x9], $0x2800, $0x38;
	[tilespmem:$0x14380] =	vst v63  }
0xf7: {  	s31 =	rddreg [dreg:$0x11]  }
0xf8: {  	[tilespmem:s23], [sflag:$0x5] =	stream.indirect.gather [hbm4b:s3+s17], $0x80, s31, s17, $0xb8;
	[tilespmem:$0x14380] =	vst v63  }
0xf9: {  	_ =	swait.ge [sflag:s9], $0x2800  }
0xfa: {  	[sflag:s9] =	ssyncset.done $0x0  }
0xfb: {  	s1 =	rddreg [dreg:$0x5];
	[sflag:s9] =	ssyncadd.s32 $0xFFFFD800  }
0xfc: {  	[hbm4b:s1+s2] =	stream.linear.scatter [tilespmem:s5], [sflag:$0xA], $0x2800, $0x38;
	[tilespmem:$0x14380] =	vst v63  }
0xfd: {  	s31 =	rddreg [dreg:$0x12]  }
0xfe: {  	[tilespmem:s21], [sflag:$0x6] =	stream.indirect.gather [hbm4b:s3+s17], $0x80, s31, s17, $0xb8;
	[tilespmem:$0x14380] =	vst v63  }
0xff: {  	_ =	swait.ge [sflag:s8], $0x2800  }
0x100: {  	[sflag:s8] =	ssyncset.done $0x0  }
0x101: {  	s1 =	rddreg [dreg:$0x6];
	[sflag:s8] =	ssyncadd.s32 $0xFFFFD800  }
0x102: {  	[hbm4b:s1+s2] =	stream.linear.scatter [tilespmem:s4], [sflag:$0xB], $0x2800, $0x38;
	[tilespmem:$0x14380] =	vst v63  }
0x103: {  	s31 =	rddreg [dreg:$0x13]  }
0x104: {  	[tilespmem:s20], [sflag:$0x7] =	stream.indirect.gather [hbm4b:s3+s17], $0x80, s31, s17, $0xb8;
	[tilespmem:$0x14380] =	vst v63  }
0x105: {  	_ =	swait.ge [sflag:s30], $0x2800  }
0x106: {  	[sflag:s30] =	ssyncset.done $0x0  }
0x107: {  	s1 =	rddreg [dreg:$0x7];
	[sflag:s30] =	ssyncadd.s32 $0xFFFFD800  }
0x108: {  	[hbm4b:s1+s2] =	stream.linear.scatter [tilespmem:s24], [sflag:$0xC], $0x2800, $0x38;
	[tilespmem:$0x14380] =	vst v63  }
0x109: {  	s31 =	rddreg [dreg:$0x14]  }
0x10a: {  	[tilespmem:s19], [sflag:$0x8] =	stream.indirect.gather [hbm4b:s3+s17], $0x80, s31, s17, $0xb8;
	[tilespmem:$0x14380] =	vst v63  }
0x10b: {  	_ =	swait.ge [sflag:s29], $0x2800  }
0x10c: {  	[sflag:s29] =	ssyncset.done $0x0  }
0x10d: {  	s30 =	rddreg [dreg:$0x8];
	[sflag:s29] =	ssyncadd.s32 $0xFFFFD800  }
0x10e: {  	[hbm4b:s30+s2] =	stream.linear.scatter [tilespmem:s23], [sflag:$0xD], $0x2800, $0x38;
	[tilespmem:$0x14380] =	vst v63  }
0x10f: {  	_ =	swait.ge [sflag:s11], $0x2800  }
0x110: {  	[sflag:s11] =	ssyncset.done $0x0  }
0x111: {  	s31 =	rddreg [dreg:$0x15];
	[sflag:s11] =	ssyncadd.s32 $0xFFFFD800  }
0x112: {  	[tilespmem:s6], [sflag:$0x1] =	stream.indirect.gather [hbm4b:s3+s17], $0x80, s31, s17, $0xb8;
	[tilespmem:$0x14380] =	vst v63  }
0x113: {  	_ =	swait.ge [sflag:s28], $0x2800  }
0x114: {  	[sflag:s28] =	ssyncset.done $0x0  }
0x115: {  	s1 =	rddreg [dreg:$0x9];
	[sflag:s28] =	ssyncadd.s32 $0xFFFFD800  }
0x116: {  	[hbm4b:s1+s2] =	stream.linear.scatter [tilespmem:s21], [sflag:$0xE], $0x2800, $0x38;
	[tilespmem:$0x14380] =	vst v63  }
0x117: {  	_ =	swait.ge [sflag:s13], $0x2800  }
0x118: {  	[sflag:s13] =	ssyncset.done $0x0  }
0x119: {  	s23 =	rddreg [dreg:$0x16];
	[sflag:s13] =	ssyncadd.s32 $0xFFFFD800  }
0x11a: {  	[tilespmem:s5], [sflag:$0x2] =	stream.indirect.gather [hbm4b:s3+s17], $0x80, s23, s17, $0xb8;
	[tilespmem:$0x14380] =	vst v63  }
0x11b: {  	_ =	swait.ge [sflag:s25], $0x2800  }
0x11c: {  	[sflag:s25] =	ssyncset.done $0x0  }
0x11d: {  	s24 =	rddreg [dreg:$0xa];
	[sflag:s25] =	ssyncadd.s32 $0xFFFFD800  }
0x11e: {  	[hbm4b:s24+s2] =	stream.linear.scatter [tilespmem:s20], [sflag:$0xF], $0x2800, $0x38;
	[tilespmem:$0x14380] =	vst v63  }
0x11f: {  	_ =	swait.ge [sflag:s14], $0x2800  }
0x120: {  	[sflag:s14] =	ssyncset.done $0x0  }
0x121: {  	[sflag:s14] =	ssyncadd.s32 $0xFFFFD800  }
0x122: {  	[tilespmem:s4], [sflag:$0x3] =	stream.indirect.gather [hbm4b:s3+s7], $0x80, s26, s7, $0xb8;
	[tilespmem:$0x14380] =	vst v63  }
0x123: {  	_ =	swait.ge [sflag:s22], $0x2800  }
0x124: {  	[sflag:s22] =	ssyncset.done $0x0  }
0x125: {  	s26 =	rddreg [dreg:$0xb];
	[sflag:s22] =	ssyncadd.s32 $0xFFFFD800  }
0x126: {  	[hbm4b:s26+s2] =	stream.linear.scatter [tilespmem:s19], [sflag:$0x10], $0x2800, $0x38;
	[tilespmem:$0x14380] =	vst v63  }
0x127: {  	_ =	swait.ge [sflag:s10], $0x2800  }
0x128: {  	[sflag:s10] =	ssyncset.done $0x0  }
0x129: {  	s28 =	rddreg [dreg:$0xc];
	[sflag:s10] =	ssyncadd.s32 $0xFFFFD800  }
0x12a: {  	[hbm4b:s28+s2] =	stream.linear.scatter [tilespmem:s6], [sflag:$0x9], $0x2800, $0x38;
	[tilespmem:$0x14380] =	vst v63  }
0x12b: {  	_ =	swait.ge [sflag:s9], $0x2800  }
0x12c: {  	[sflag:s9] =	ssyncset.done $0x0  }
0x12d: {  	s29 =	rddreg [dreg:$0xd];
	[sflag:s9] =	ssyncadd.s32 $0xFFFFD800  }
0x12e: {  	[hbm4b:s29+s2] =	stream.linear.scatter [tilespmem:s5], [sflag:$0xA], $0x2800, $0x38;
	[tilespmem:$0x14380] =	vst v63  }
0x12f: {  	_ =	swait.ge [sflag:s8], $0x800  }
0x130: {  	[sflag:s8] =	ssyncset.done $0x0  }
0x131: {  	s30 =	rddreg [dreg:$0xe];
	[sflag:s8] =	ssyncadd.s32 $0xFFFFF800  }
0x132: {  	[hbm4b:s30+s2] =	stream.linear.scatter [tilespmem:s4], [sflag:$0xB], $0x800, $0x38;
	[tilespmem:$0x14380] =	vst v63  }
0x133: {  	_ =	swait.ge [sflag:s11], $0x2800  }
0x134: {  	[sflag:s11] =	ssyncset.done $0x0  }
0x135: {  	[sflag:s11] =	ssyncadd.s32 $0xFFFFD800  }
0x136: {  	_ =	swait.ge [sflag:s13], $0x2800  }
0x137: {  	[sflag:s13] =	ssyncset.done $0x0  }
0x138: {  	[sflag:s13] =	ssyncadd.s32 $0xFFFFD800  }
0x139: {  	_ =	swait.ge [sflag:s14], $0x800  }
0x13a: {  	[sflag:s14] =	ssyncset.done $0x0  }
0x13b: {  	[sflag:s14] =	ssyncadd.s32 $0xFFFFF800  }
0x13c: {  	_ =	swait.ge [sflag:s18], $0x2800  }
0x13d: {  	[sflag:s18] =	ssyncset.done $0x0  }
0x13e: {  	[sflag:s18] =	ssyncadd.s32 $0xFFFFD800  }
0x13f: {  	_ =	swait.ge [sflag:s16], $0x2800  }
0x140: {  	[sflag:s16] =	ssyncset.done $0x0  }
0x141: {  	[sflag:s16] =	ssyncadd.s32 $0xFFFFD800  }
0x142: {  	_ =	swait.ge [sflag:s15], $0x2800  }
0x143: {  	[sflag:s15] =	ssyncset.done $0x0  }
0x144: {  	[sflag:s15] =	ssyncadd.s32 $0xFFFFD800  }
0x145: {  	_ =	swait.ge [sflag:s12], $0x2800  }
0x146: {  	[sflag:s12] =	ssyncset.done $0x0  }
0x147: {  	[sflag:s12] =	ssyncadd.s32 $0xFFFFD800  }
0x148: {  	_ =	swait.ge [sflag:s7], $0x2800  }
0x149: {  	[sflag:s7] =	ssyncset.done $0x0  }
0x14a: {  	[sflag:s7] =	ssyncadd.s32 $0xFFFFD800  }
0x14b: {  	_ =	sfence.sel $0x180000  }
0x14c: {  	[bflag:$0x0] =	sbarrier.arrive $0xFFFF  }
0x14d: {  	_ =	strace $0x9000004A  }
0x14e: {  	s31 =	stileid.u32;
	[bflag:$0x2] =	sbarrier.arrive $0xFFFF  }
0x14f: {  	p0 =	sne.s32 s31, $0x0;
	s0 =	rddreg [dreg:$0x2]  }
0x150: {  	s0 =	sadd.s32 @!p0 $0x100000, s0  }
0x151: {  	[sflag:s0] =	ssyncadd.tile.s32 @!p0 $0x1;
	_ =	shalt  }
.LBB2_1:
.Ltmp3:
0x152: {  	(pc) =	sbr.rel .LBB2_6-.Ltmp3, $2  }
0x153: {  	_ =	sdelay $0x2  }
0x154: {  	s26 =	simm.s32 $0x320  }
.LBB2_3:
.Ltmp4:
0x155: {  	(pc) =	sbr.rel .LBB2_6-.Ltmp4, $2  }
0x156: {  	_ =	sdelay $0x2  }
0x157: {  	s26 =	simm.s32 $0x320  }
.Lfunc_end2:
_tile_overlayer_lowered:
.L_overlay_start_2:
0x158: {  	(tag) =	ssettag $0x2  }
0x159: {  	s0 =	rddreg [dreg:$0x0];
	s2 =	stileid.u32  }
0x15a: {  	s1 =	rddreg [dreg:$0x1];
	p0 =	sne.s32 s2, $0x0  }
0x15b: {  	s3 =	rddreg [dreg:$0x2];
	[bflag:$0x3] =	sbarrier.arrive $0xFFFF;
	s2 =	simm.s32 @!p0 $0x1C11  }
0x15c: {  	[timem:s3], [sflag:s2] =	dma.local @!p0 [hbm:s0], s1  }
0x15d: {  	s0 =	simm.s32 @!p0 $0x11  }
0x15e: {  	_ =	swait.ge @!p0 [sflag:s0], s1  }
0x15f: {  	s1 =	ssub.s32 @!p0 $0x0, s1;
	[sflag:s0] =	ssyncset.done @!p0 $0x0  }
0x160: {  	[sflag:s0] =	ssyncadd.s32 @!p0 s1  }
0x161: {  	[bflag:$0x3] =	sbarrier.arrive $0xFFFF  }
0x162: {  	_ =	shalt  }

</sc_bundles>
